<compile_context>
chip_gen: v7x
topology: tpu7x:2x2x1
jax: 0.10.2.dev20260603
libtpu: 0.0.44.dev20260713+nightly
codegen_flags: <defaults>
</compile_context>

<pallas_src>
import jax
import jax.numpy as jnp
from jax.experimental import pallas as pl
from jax.experimental.pallas import tpu as pltpu
from jax.experimental.pallas import tpu_sc as plsc

K = 32
RB = 256
TILE_G = 128
GW = 128
C1 = 128


_DN_T = (((1,), (1,)), ((), ()))


def _topk_body(pos_ref, post_ref, w1_ref, s1_ref, idx_ref, a_ref):
    pr = pos_ref[0]
    pc = post_ref[0]
    a_ref[...] = jax.lax.dot_general(pr, w1_ref[...], _DN_T,
                                     preferred_element_type=jnp.float32
                                     ) * s1_ref[...]
    dx = pr[:, 0:1] - pc[0:1, :]
    dy = pr[:, 1:2] - pc[1:2, :]
    dz = pr[:, 2:3] - pc[2:3, :]
    d = jnp.sqrt(dx * dx + dy * dy + dz * dz)
    lanes = jax.lax.broadcasted_iota(jnp.int32, d.shape, 1).astype(jnp.float32)
    big = jnp.float32(1e9)
    inf = jnp.float32(jnp.inf)
    cols = []
    for _ in range(K):
        m = jnp.min(d, axis=1, keepdims=True)
        sel = jnp.min(jnp.where(d == m, lanes, big), axis=1, keepdims=True)
        cols.append(sel)
        d = jnp.where(lanes == sel, inf, d)
    idx_ref[...] = jnp.concatenate(cols, axis=1).astype(jnp.int32)


def _topk(pos, post, w1, s1):
    _, N, _ = pos.shape
    return pl.pallas_call(
        _topk_body,
        grid=(N // RB,),
        in_specs=[
            pl.BlockSpec((1, RB, 3), lambda r: (0, r, 0)),
            pl.BlockSpec((1, 3, N), lambda r: (0, 0, 0)),
            pl.BlockSpec((C1, 3), lambda r: (0, 0)),
            pl.BlockSpec((1, C1), lambda r: (0, 0)),
        ],
        out_specs=[
            pl.BlockSpec((RB, K), lambda r: (r, 0)),
            pl.BlockSpec((RB, C1), lambda r: (r, 0)),
        ],
        out_shape=[
            jax.ShapeDtypeStruct((N, K), jnp.int32),
            jax.ShapeDtypeStruct((N, C1), jnp.float32),
        ],
        compiler_params=pltpu.CompilerParams(
            dimension_semantics=("parallel",)),
    )(pos, post, w1, s1)


def _sc_gather(a2, idx):
    n, k = idx.shape
    n_idx = n * k
    rows = GW // k
    mesh = plsc.VectorSubcoreMesh(core_axis_name="core",
                                  subcore_axis_name="subcore")

    @pl.kernel(out_type=jax.ShapeDtypeStruct((n_idx, C1), jnp.float32),
               mesh=mesh)
    def kern(x_hbm, i_hbm, o_hbm):
        def body(i_vmem, o_vmem):
            for j in range(rows):
                pltpu.sync_copy(x_hbm.at[i_vmem.at[j]],
                                o_vmem.at[pl.ds(j * k, k)])

        pltpu.emit_pipeline(
            body,
            grid=(n_idx // GW,),
            in_specs=[pl.BlockSpec((rows, k), lambda i: (i, 0))],
            out_specs=[pl.BlockSpec((GW, C1), lambda i: (i, 0))],
            core_axis_name=("core", "subcore"),
            dimension_semantics=(pltpu.PARALLEL,),
        )(i_hbm, o_hbm)

    return kern(a2, idx)


def _encoder_body(ag_ref, ctr_ref, b1_ref, w2_ref, b2_ref,
                  w3a_ref, w3b_ref, b3_ref, w4_ref, b4_ref, out_ref):
    tile = TILE_G * K
    ag = ag_ref[...]
    c = ctr_ref[...]
    h1 = (ag.reshape(TILE_G, K, C1) - c[:, None, :]).reshape(tile, C1)
    h1 = jnp.maximum(h1 + b1_ref[...], 0.0)
    h2 = jax.lax.dot_general(h1, w2_ref[...], _DN_T,
                             preferred_element_type=jnp.float32)
    h2 = h2 + b2_ref[...]
    m = jnp.max(h2.reshape(TILE_G, K, 256), axis=1)
    s = jax.lax.dot_general(m, w3a_ref[...], _DN_T,
                            preferred_element_type=jnp.float32)
    sb = jnp.broadcast_to(s[:, None, :], (TILE_G, K, 512)).reshape(tile, 512)
    h3 = jax.lax.dot_general(h2, w3b_ref[...], _DN_T,
                             preferred_element_type=jnp.float32)
    h3 = jnp.maximum(h3 + sb + b3_ref[...], 0.0)
    h4 = jax.lax.dot_general(h3, w4_ref[...], _DN_T,
                             preferred_element_type=jnp.float32)
    h4 = h4 + b4_ref[...]
    o = jnp.max(h4.reshape(TILE_G, K, 256), axis=1)
    out_ref[0] = o.T


def _encoder(ag, ctr, b1f, w2t, b2, w3at, w3bt, b3f, w4t, b4, B, N):
    n_groups = ctr.shape[0]
    tile = TILE_G * K
    ng = N // TILE_G
    full = lambda a: pl.BlockSpec(a.shape, lambda i: (0,) * a.ndim)
    return pl.pallas_call(
        _encoder_body,
        grid=(n_groups // TILE_G,),
        in_specs=[
            pl.BlockSpec((tile, C1), lambda i: (i, 0)),
            pl.BlockSpec((TILE_G, C1), lambda i: (i, 0)),
            full(b1f), full(w2t), full(b2),
            full(w3at), full(w3bt), full(b3f), full(w4t), full(b4),
        ],
        out_specs=pl.BlockSpec((1, 256, TILE_G),
                               lambda i: (i // ng, 0, i % ng)),
        out_shape=jax.ShapeDtypeStruct((B, 256, N), jnp.float32),
        compiler_params=pltpu.CompilerParams(
            dimension_semantics=("parallel",)),
    )(ag, ctr, b1f, w2t, b2, w3at, w3bt, b3f, w4t, b4)


def kernel(pos, W1, b1, g1, bt1, rm1, rv1, W2, b2, W3, b3, g3, bt3, rm3, rv3,
           W4, b4):
    B, N, d = pos.shape
    s1 = (g1 / jnp.sqrt(rv1 + 1e-5))[None, :]
    b1f = ((b1 - rm1) * s1[0] + bt1)[None, :]
    s3 = g3 / jnp.sqrt(rv3 + 1e-5)
    w3f = W3 * s3[:, None]
    b3f = ((b3 - rm3) * s3 + bt3)[None, :]
    w3a = w3f[:, :256]
    w3b = w3f[:, 256:]

    post = pos.transpose(0, 2, 1)

    idxs, feats = [], []
    ags, a2s = [], []
    for b in range(B):
        idx_b, a2_b = _topk(pos[b:b + 1], post[b:b + 1], W1, s1)
        ags.append(_sc_gather(a2_b, idx_b))
        a2s.append(a2_b)
        idxs.append(idx_b[None])
    for b in range(B):
        feats.append(_encoder(ags[b], a2s[b], b1f, W2, b2[None, :],
                              w3a, w3b, b3f, W4, b4[None, :],
                              1, N))
    grouped_feat = jnp.concatenate(feats, axis=0)
    idx = jnp.concatenate(idxs, axis=0)
    return grouped_feat, idx

# --- scband reference (transcript-rebuilt; emitter-appended) ---
"""Pipeline reference for scband-knnfeature-block-82729660055793 (READ-ONLY COPY).

The authoritative reference and input builder live on the scoring server;
editing this copy changes nothing except your own understanding.
"""

import jax, jax.numpy as jnp
import numpy as np

K = 32
C_ENC = 256


def setup_inputs(seed: int = 0):
    key = jax.random.key(seed)
    ks = jax.random.split(key, 8)
    B, N = 2, 1024
    pos = jax.random.normal(ks[0], (B, N, 3), dtype=jnp.float32)
    W1 = jax.random.normal(ks[1], (128, 3), dtype=jnp.float32) * (1.0 / np.sqrt(3.0))
    b1 = jnp.zeros((128,), jnp.float32)
    g1 = jnp.ones((128,), jnp.float32)
    bt1 = jnp.zeros((128,), jnp.float32)
    rm1 = jnp.zeros((128,), jnp.float32)
    rv1 = jnp.ones((128,), jnp.float32)
    W2 = jax.random.normal(ks[2], (256, 128), dtype=jnp.float32) * (1.0 / np.sqrt(128.0))
    b2 = jnp.zeros((256,), jnp.float32)
    W3 = jax.random.normal(ks[3], (512, 512), dtype=jnp.float32) * (1.0 / np.sqrt(512.0))
    b3 = jnp.zeros((512,), jnp.float32)
    g3 = jnp.ones((512,), jnp.float32)
    bt3 = jnp.zeros((512,), jnp.float32)
    rm3 = jnp.zeros((512,), jnp.float32)
    rv3 = jnp.ones((512,), jnp.float32)
    W4 = jax.random.normal(ks[4], (C_ENC, 512), dtype=jnp.float32) * (1.0 / np.sqrt(512.0))
    b4 = jnp.zeros((C_ENC,), jnp.float32)
    return {"pos": pos, "W1": W1, "b1": b1, "g1": g1, "bt1": bt1, "rm1": rm1, "rv1": rv1,
            "W2": W2, "b2": b2, "W3": W3, "b3": b3, "g3": g3, "bt3": bt3, "rm3": rm3, "rv3": rv3,
            "W4": W4, "b4": b4}


def _conv(x, W, b):
    # 1x1 Conv1d on (B, C, L) layout
    return jnp.einsum('oc,bcn->bon', W, x) + b[None, :, None]


def _bn(x, g, bt, rm, rv):
    # BatchNorm1d in eval mode (running stats)
    return (x - rm[None, :, None]) / jnp.sqrt(rv[None, :, None] + 1e-5) * g[None, :, None] + bt[None, :, None]


def reference(pos, W1, b1, g1, bt1, rm1, rv1, W2, b2, W3, b3, g3, bt3, rm3, rv3, W4, b4):
    B, N, d = pos.shape
    diff = pos[:, :, None, :] - pos[:, None, :, :]
    ppdist = jnp.sqrt(jnp.sum(diff * diff, axis=-1))
    neg_td, topk_idx = jax.lax.top_k(-ppdist, K)  # smallest distances
    # batched_index_select(values=pos, indices=topk_idx, dim=1)
    grouped_pos = jax.vmap(lambda p, i: p[i])(pos, topk_idx)  # (B, N, K, 3)
    grouped_pos = grouped_pos - pos[:, :, None, :]
    # Encoder
    pg = grouped_pos.reshape(B * N, K, d).transpose(0, 2, 1)  # (BG, 3, K)
    f = _conv(pg, W1, b1)
    f = jax.nn.relu(_bn(f, g1, bt1, rm1, rv1))
    f = _conv(f, W2, b2)  # (BG, 256, K)
    fg = jnp.max(f, axis=2, keepdims=True)
    f = jnp.concatenate([jnp.broadcast_to(fg, (f.shape[0], 256, K)), f], axis=1)  # (BG, 512, K)
    f = _conv(f, W3, b3)
    f = jax.nn.relu(_bn(f, g3, bt3, rm3, rv3))
    f = _conv(f, W4, b4)  # (BG, C_ENC, K)
    fg = jnp.max(f, axis=2)  # (BG, C_ENC)
    grouped_feat = fg.reshape(B, N, C_ENC).transpose(0, 2, 1)  # (B, C_ENC, N)
    return grouped_feat, topk_idx

if __name__ == "__main__":
    import jax
    _d = setup_inputs()
    print(jax.jit(kernel)(*tuple(_d.values())))

</pallas_src>

<mosaic_0001>
#map = affine_map<(d0, d1) -> (0, 0)>
module attributes {stable_mosaic.version = 14 : i64} {
  func.func @kern(%arg0: i32, %arg1: i32, %arg2: memref<1024x128xf32, #tpu.memory_space<hbm>>, %arg3: memref<1024x32xi32, #tpu.memory_space<hbm>>, %arg4: memref<32768x128xf32, #tpu.memory_space<hbm>>) attributes {dimension_semantics = [#tpu.dimension_semantics<core_parallel>, #tpu.dimension_semantics<subcore_parallel>], iteration_bounds = array<i64: 2, 16>, scalar_prefetch = 0 : i64, scratch_operands = 0 : i64, tpu.core_type = #tpu.core_type<sc_vector_subcore>, window_params = [{transform_indices = #map}, {transform_indices = #map}, {transform_indices = #map}]} {
    %mul3A = arith.constant 1 : i32
    %mul3A_0 = arith.muli %arg1, %mul3A : i32
    %add3A = arith.constant 0 : i32
    %add3A_1 = arith.addi %add3A, %mul3A_0 : i32
    %mul3A_2 = arith.constant 16 : i32
    %mul3A_3 = arith.muli %arg0, %mul3A_2 : i32
    %add3A_4 = arith.addi %add3A_1, %mul3A_3 : i32
    %mul3A_5 = arith.constant 8 : i32
    %mul3A_6 = arith.muli %add3A_4, %mul3A_5 : i32
    "tpu.region"() ({
      %run_scoped3A = memref.alloca() : memref<2x4x32xi32, #tpu.memory_space<vmem>>
      %run_scoped3A_7 = tpu.sem_alloc : memref<2x!tpu.dma_semaphore, #tpu.memory_space<semaphore_mem>>
      %run_scoped3A_8 = memref.alloca() : memref<2x128x128xf32, #tpu.memory_space<vmem>>
      %run_scoped3A_9 = tpu.sem_alloc : memref<2x!tpu.dma_semaphore, #tpu.memory_space<semaphore_mem>>
      %add3A_10 = arith.constant 0 : i32
      %add3A_11 = arith.addi %add3A_10, %mul3A_6 : i32
      %select_n3A = arith.constant true
      %select_n3A_12 = arith.constant 0 : i32
      %select_n3A_13 = arith.constant -1 : i32
      %select_n3A_14 = arith.select %select_n3A, %select_n3A_13, %select_n3A_12 : i32
      %eq3A = arith.constant -1 : i32
      %eq3A_15 = arith.cmpi eq, %select_n3A_14, %eq3A : i32
      %select_n3A_16 = arith.constant 7 : i32
      %select_n3A_17 = arith.select %eq3A_15, %select_n3A_16, %select_n3A_14 : i32
      %add3A_18 = arith.addi %select_n3A_17, %mul3A_6 : i32
      %select_n3A_19 = arith.constant true
      %select_n3A_20 = arith.constant 0 : i32
      %select_n3A_21 = arith.constant 1 : i32
      %select_n3A_22 = arith.select %select_n3A_19, %select_n3A_21, %select_n3A_20 : i32
      %eq3A_23 = arith.constant 8 : i32
      %eq3A_24 = arith.cmpi eq, %select_n3A_22, %eq3A_23 : i32
      %select_n3A_25 = arith.constant 0 : i32
      %select_n3A_26 = arith.select %eq3A_24, %select_n3A_25, %select_n3A_22 : i32
      %add3A_27 = arith.addi %select_n3A_26, %mul3A_6 : i32
      %add3A_28 = arith.constant 1 : i32
      %add3A_29 = arith.addi %select_n3A_26, %add3A_28 : i32
      %select_n3A_30 = arith.constant true
      %select_n3A_31 = arith.select %select_n3A_30, %add3A_29, %select_n3A_26 : i32
      %eq3A_32 = arith.constant 8 : i32
      %eq3A_33 = arith.cmpi eq, %select_n3A_31, %eq3A_32 : i32
      %select_n3A_34 = arith.constant 0 : i32
      %select_n3A_35 = arith.select %eq3A_33, %select_n3A_34, %select_n3A_31 : i32
      %add3A_36 = arith.addi %select_n3A_35, %mul3A_6 : i32
      "tpu.trace_start"() <{level = 10 : i32, message = "ep_initialize_0"}> : () -> ()
      %rem3A = arith.constant 0 : i32
      %rem3A_37 = arith.constant 2 : i32
      %rem3A_38 = arith.remui %rem3A, %rem3A_37 : i32
      %mul3A_39 = arith.constant 4 : i32
      %mul3A_40 = arith.muli %mul3A_39, %add3A_11 : i32
      %dma_start3A = arith.constant 0 : i32
      %dma_start3A_41 = arith.constant 0 : i32
      %dma_start3A_42 = tpu.memref_slice %run_scoped3A[%rem3A_38, %dma_start3A, %dma_start3A_41] : memref<2x4x32xi32, #tpu.memory_space<vmem>> -> memref<1x4x32xi32, #tpu.memory_space<vmem>>
      %dma_start3A_43 = tpu.memref_squeeze %dma_start3A_42 : memref<1x4x32xi32, #tpu.memory_space<vmem>> -> memref<4x32xi32, #tpu.memory_space<vmem>>
      %dma_start3A_44 = arith.constant 0 : i32
      %dma_start3A_45 = tpu.memref_slice %arg3[%mul3A_40, %dma_start3A_44] : memref<1024x32xi32, #tpu.memory_space<hbm>> -> memref<4x32xi32, #tpu.memory_space<hbm>>
      %dma_start3A_46 = tpu.memref_slice %run_scoped3A_7[%rem3A_38] : memref<2x!tpu.dma_semaphore, #tpu.memory_space<semaphore_mem>> -> memref<1x!tpu.dma_semaphore, #tpu.memory_space<semaphore_mem>>
      %dma_start3A_47 = tpu.memref_squeeze %dma_start3A_46 : memref<1x!tpu.dma_semaphore, #tpu.memory_space<semaphore_mem>> -> memref<!tpu.dma_semaphore, #tpu.memory_space<semaphore_mem>>
      %dma_start3A_48 = arith.constant 0 : i32
      %dma_start3A_49 = arith.constant 0 : i32
      %dma_start3A_50 = tpu.memref_slice %run_scoped3A[%rem3A_38, %dma_start3A_48, %dma_start3A_49] : memref<2x4x32xi32, #tpu.memory_space<vmem>> -> memref<1x4x32xi32, #tpu.memory_space<vmem>>
      %dma_start3A_51 = tpu.memref_squeeze %dma_start3A_50 : memref<1x4x32xi32, #tpu.memory_space<vmem>> -> memref<4x32xi32, #tpu.memory_space<vmem>>
      %dma_start3A_52 = arith.constant 0 : i32
      %dma_start3A_53 = tpu.memref_slice %arg3[%mul3A_40, %dma_start3A_52] : memref<1024x32xi32, #tpu.memory_space<hbm>> -> memref<4x32xi32, #tpu.memory_space<hbm>>
      tpu.enqueue_dma source(%dma_start3A_53 : memref<4x32xi32, #tpu.memory_space<hbm>>) target(%dma_start3A_51 : memref<4x32xi32, #tpu.memory_space<vmem>>) target_semaphore(%dma_start3A_47 : memref<!tpu.dma_semaphore, #tpu.memory_space<semaphore_mem>>)
      %add3A_54 = arith.constant 0 : i32
      %add3A_55 = arith.constant 1 : i32
      %add3A_56 = arith.addi %add3A_54, %add3A_55 : i32
      %select_n3A_57 = arith.constant true
      %select_n3A_58 = arith.constant 0 : i32
      %select_n3A_59 = arith.select %select_n3A_57, %add3A_56, %select_n3A_58 : i32
      "tpu.trace_stop"() : () -> ()
      %scan3A = arith.constant 0 : i32
      %scan3A_60 = arith.constant 0 : i32
      %scan3A_61 = arith.constant 0 : i32
      %scan3A_62 = arith.constant 0 : i32
      %scan3A_63 = arith.constant 0 : i32
      %scan3A_64 = arith.constant 8 : i32
      %scan3A_65 = arith.addi %scan3A_63, %scan3A_64 : i32
      %scan3A_66 = arith.constant 1 : i32
      %scan3A_67:5 = scf.for %scan3A_121 = %scan3A_63 to %scan3A_65 step %scan3A_66 iter_args(%scan3A_122 = %select_n3A_59, %scan3A_123 = %scan3A, %scan3A_124 = %scan3A_60, %scan3A_125 = %scan3A_61, %scan3A_126 = %scan3A_62) -> (i32, i32, i32, i32, i32)  : i32 {
        %eq3A_127 = arith.constant 0 : i32
        %eq3A_128 = arith.cmpi eq, %scan3A_121, %eq3A_127 : i32
        %eq3A_129 = arith.constant 7 : i32
        %eq3A_130 = arith.cmpi eq, %scan3A_121, %eq3A_129 : i32
        %add3A_131 = arith.addi %scan3A_126, %mul3A_6 : i32
        %sub3A_132 = arith.constant 1 : i32
        %sub3A_133 = arith.subi %scan3A_126, %sub3A_132 : i32
        %select_n3A_134 = arith.constant true
        %select_n3A_135 = arith.select %select_n3A_134, %sub3A_133, %scan3A_126 : i32
        %eq3A_136 = arith.constant -1 : i32
        %eq3A_137 = arith.cmpi eq, %select_n3A_135, %eq3A_136 : i32
        %select_n3A_138 = arith.constant 7 : i32
        %select_n3A_139 = arith.select %eq3A_137, %select_n3A_138, %select_n3A_135 : i32
        %add3A_140 = arith.addi %select_n3A_139, %mul3A_6 : i32
        %add3A_141 = arith.constant 1 : i32
        %add3A_142 = arith.addi %scan3A_126, %add3A_141 : i32
        %select_n3A_143 = arith.constant true
        %select_n3A_144 = arith.select %select_n3A_143, %add3A_142, %scan3A_126 : i32
        %eq3A_145 = arith.constant 8 : i32
        %eq3A_146 = arith.cmpi eq, %select_n3A_144, %eq3A_145 : i32
        %select_n3A_147 = arith.constant 0 : i32
        %select_n3A_148 = arith.select %eq3A_146, %select_n3A_147, %select_n3A_144 : i32
        %add3A_149 = arith.addi %select_n3A_148, %mul3A_6 : i32
        %add3A_150 = arith.constant 1 : i32
        %add3A_151 = arith.addi %select_n3A_148, %add3A_150 : i32
        %select_n3A_152 = arith.constant true
        %select_n3A_153 = arith.select %select_n3A_152, %add3A_151, %select_n3A_148 : i32
        %eq3A_154 = arith.constant 8 : i32
        %eq3A_155 = arith.cmpi eq, %select_n3A_153, %eq3A_154 : i32
        %select_n3A_156 = arith.constant 0 : i32
        %select_n3A_157 = arith.select %eq3A_155, %select_n3A_156, %select_n3A_153 : i32
        %add3A_158 = arith.addi %select_n3A_157, %mul3A_6 : i32
        %ne3A = arith.cmpi ne, %add3A_131, %add3A_149 : i32
        %or3A = arith.constant false
        %or3A_159 = arith.ori %or3A, %ne3A : i1
        %or3A_160 = arith.constant false
        %or3A_161 = arith.ori %or3A_159, %or3A_160 : i1
        %ge3A = arith.constant 7 : i32
        %ge3A_162 = arith.cmpi sge, %scan3A_121, %ge3A : i32
        %not3A = arith.constant true
        %not3A_163 = arith.xori %ge3A_162, %not3A : i1
        %and3A = arith.andi %or3A_161, %not3A_163 : i1
        %convert_element_type3A = arith.extui %and3A : i1 to i32
        %cond3A = arith.constant 0 : i32
        %cond3A_164 = arith.cmpi ne, %convert_element_type3A, %cond3A : i32
        scf.if %cond3A_164 {
          "tpu.trace_start"() <{level = 10 : i32, message = "ep_copy_in"}> : () -> ()
          %rem3A_277 = arith.constant 2 : i32
          %rem3A_278 = arith.remui %scan3A_122, %rem3A_277 : i32
          %mul3A_279 = arith.constant 4 : i32
          %mul3A_280 = arith.muli %mul3A_279, %add3A_149 : i32
          %dma_start3A_281 = arith.constant 0 : i32
          %dma_start3A_282 = arith.constant 0 : i32
          %dma_start3A_283 = tpu.memref_slice %run_scoped3A[%rem3A_278, %dma_start3A_281, %dma_start3A_282] : memref<2x4x32xi32, #tpu.memory_space<vmem>> -> memref<1x4x32xi32, #tpu.memory_space<vmem>>
          %dma_start3A_284 = tpu.memref_squeeze %dma_start3A_283 : memref<1x4x32xi32, #tpu.memory_space<vmem>> -> memref<4x32xi32, #tpu.memory_space<vmem>>
          %dma_start3A_285 = arith.constant 0 : i32
          %dma_start3A_286 = tpu.memref_slice %arg3[%mul3A_280, %dma_start3A_285] : memref<1024x32xi32, #tpu.memory_space<hbm>> -> memref<4x32xi32, #tpu.memory_space<hbm>>
          %dma_start3A_287 = tpu.memref_slice %run_scoped3A_7[%rem3A_278] : memref<2x!tpu.dma_semaphore, #tpu.memory_space<semaphore_mem>> -> memref<1x!tpu.dma_semaphore, #tpu.memory_space<semaphore_mem>>
          %dma_start3A_288 = tpu.memref_squeeze %dma_start3A_287 : memref<1x!tpu.dma_semaphore, #tpu.memory_space<semaphore_mem>> -> memref<!tpu.dma_semaphore, #tpu.memory_space<semaphore_mem>>
          %dma_start3A_289 = arith.constant 0 : i32
          %dma_start3A_290 = arith.constant 0 : i32
          %dma_start3A_291 = tpu.memref_slice %run_scoped3A[%rem3A_278, %dma_start3A_289, %dma_start3A_290] : memref<2x4x32xi32, #tpu.memory_space<vmem>> -> memref<1x4x32xi32, #tpu.memory_space<vmem>>
          %dma_start3A_292 = tpu.memref_squeeze %dma_start3A_291 : memref<1x4x32xi32, #tpu.memory_space<vmem>> -> memref<4x32xi32, #tpu.memory_space<vmem>>
          %dma_start3A_293 = arith.constant 0 : i32
          %dma_start3A_294 = tpu.memref_slice %arg3[%mul3A_280, %dma_start3A_293] : memref<1024x32xi32, #tpu.memory_space<hbm>> -> memref<4x32xi32, #tpu.memory_space<hbm>>
          tpu.enqueue_dma source(%dma_start3A_294 : memref<4x32xi32, #tpu.memory_space<hbm>>) target(%dma_start3A_292 : memref<4x32xi32, #tpu.memory_space<vmem>>) target_semaphore(%dma_start3A_288 : memref<!tpu.dma_semaphore, #tpu.memory_space<semaphore_mem>>)
          "tpu.trace_stop"() : () -> ()
        } else {
        }
        %and3A_165 = arith.constant true
        %and3A_166 = arith.andi %and3A, %and3A_165 : i1
        %add3A_167 = arith.constant 1 : i32
        %add3A_168 = arith.addi %scan3A_122, %add3A_167 : i32
        %select_n3A_169 = arith.select %and3A_166, %add3A_168, %scan3A_122 : i32
        %ne3A_170 = arith.cmpi ne, %add3A_131, %add3A_149 : i32
        %or3A_171 = arith.constant false
        %or3A_172 = arith.ori %or3A_171, %ne3A_170 : i1
        %or3A_173 = arith.constant false
        %or3A_174 = arith.ori %or3A_172, %or3A_173 : i1
        %ge3A_175 = arith.constant 7 : i32
        %ge3A_176 = arith.cmpi sge, %scan3A_121, %ge3A_175 : i32
        %not3A_177 = arith.constant true
        %not3A_178 = arith.xori %ge3A_176, %not3A_177 : i1
        %and3A_179 = arith.andi %or3A_174, %not3A_178 : i1
        %ne3A_180 = arith.cmpi ne, %add3A_131, %add3A_140 : i32
        %or3A_181 = arith.constant false
        %or3A_182 = arith.ori %or3A_181, %ne3A_180 : i1
        %or3A_183 = arith.constant false
        %or3A_184 = arith.ori %or3A_182, %or3A_183 : i1
        %or3A_185 = arith.ori %or3A_184, %eq3A_128 : i1
        %convert_element_type3A_186 = arith.extui %or3A_185 : i1 to i32
        %cond3A_187 = arith.constant 0 : i32
        %cond3A_188 = arith.cmpi ne, %convert_element_type3A_186, %cond3A_187 : i32
        scf.if %cond3A_188 {
          "tpu.trace_start"() <{level = 10 : i32, message = "ep_wait_in"}> : () -> ()
          %mul3A_277 = arith.constant 4 : i32
          %mul3A_278 = arith.muli %mul3A_277, %add3A_131 : i32
          %rem3A_279 = arith.constant 2 : i32
          %rem3A_280 = arith.remui %scan3A_123, %rem3A_279 : i32
          %dma_wait3A_281 = arith.constant 0 : i32
          %dma_wait3A_282 = arith.constant 0 : i32
          %dma_wait3A_283 = tpu.memref_slice %run_scoped3A[%rem3A_280, %dma_wait3A_281, %dma_wait3A_282] : memref<2x4x32xi32, #tpu.memory_space<vmem>> -> memref<1x4x32xi32, #tpu.memory_space<vmem>>
          %dma_wait3A_284 = tpu.memref_squeeze %dma_wait3A_283 : memref<1x4x32xi32, #tpu.memory_space<vmem>> -> memref<4x32xi32, #tpu.memory_space<vmem>>
          %dma_wait3A_285 = arith.constant 0 : i32
          %dma_wait3A_286 = tpu.memref_slice %arg3[%mul3A_278, %dma_wait3A_285] : memref<1024x32xi32, #tpu.memory_space<hbm>> -> memref<4x32xi32, #tpu.memory_space<hbm>>
          %dma_wait3A_287 = tpu.memref_slice %run_scoped3A_7[%rem3A_280] : memref<2x!tpu.dma_semaphore, #tpu.memory_space<semaphore_mem>> -> memref<1x!tpu.dma_semaphore, #tpu.memory_space<semaphore_mem>>
          %dma_wait3A_288 = tpu.memref_squeeze %dma_wait3A_287 : memref<1x!tpu.dma_semaphore, #tpu.memory_space<semaphore_mem>> -> memref<!tpu.dma_semaphore, #tpu.memory_space<semaphore_mem>>
          %dma_wait3A_289 = arith.constant 0 : i32
          %dma_wait3A_290 = arith.constant 0 : i32
          %dma_wait3A_291 = tpu.memref_slice %run_scoped3A[%rem3A_280, %dma_wait3A_289, %dma_wait3A_290] : memref<2x4x32xi32, #tpu.memory_space<vmem>> -> memref<1x4x32xi32, #tpu.memory_space<vmem>>
          %dma_wait3A_292 = tpu.memref_squeeze %dma_wait3A_291 : memref<1x4x32xi32, #tpu.memory_space<vmem>> -> memref<4x32xi32, #tpu.memory_space<vmem>>
          %dma_wait3A_293 = arith.constant 0 : i32
          %dma_wait3A_294 = tpu.memref_slice %arg3[%mul3A_278, %dma_wait3A_293] : memref<1024x32xi32, #tpu.memory_space<hbm>> -> memref<4x32xi32, #tpu.memory_space<hbm>>
          tpu.wait_dma2 semaphore(%dma_wait3A_288 : memref<!tpu.dma_semaphore, #tpu.memory_space<semaphore_mem>>) src(%dma_wait3A_294 : memref<4x32xi32, #tpu.memory_space<hbm>>) dst(%dma_wait3A_292 : memref<4x32xi32, #tpu.memory_space<vmem>>)
          "tpu.trace_stop"() : () -> ()
        } else {
        }
        %ne3A_189 = arith.cmpi ne, %add3A_131, %add3A_140 : i32
        %or3A_190 = arith.constant false
        %or3A_191 = arith.ori %or3A_190, %ne3A_189 : i1
        %or3A_192 = arith.constant false
        %or3A_193 = arith.ori %or3A_191, %or3A_192 : i1
        %or3A_194 = arith.ori %or3A_193, %eq3A_128 : i1
        %convert_element_type3A_195 = arith.extui %or3A_194 : i1 to i32
        %cond3A_196 = arith.constant 0 : i32
        %cond3A_197 = arith.cmpi ne, %convert_element_type3A_195, %cond3A_196 : i32
        scf.if %cond3A_197 {
        } else {
        }
        %rem3A_198 = arith.constant 2 : i32
        %rem3A_199 = arith.remui %scan3A_123, %rem3A_198 : i32
        %rem3A_200 = arith.constant 2 : i32
        %rem3A_201 = arith.remui %scan3A_124, %rem3A_200 : i32
        %run_scoped3A_202 = arith.constant 0 : i32
        "tpu.trace_start"() <{level = 10 : i32, message = "ep_run_kernel"}> : () -> ()
        "tpu.region"() ({
          %run_scoped3A_277 = tpu.sem_alloc : memref<!tpu.dma_semaphore, #tpu.memory_space<semaphore_mem>>
          %dma_start3A_278 = arith.constant 0 : i32
          %dma_start3A_279 = arith.constant 0 : i32
          %dma_start3A_280 = tpu.memref_slice %run_scoped3A_8[%rem3A_201, %dma_start3A_278, %dma_start3A_279] : memref<2x128x128xf32, #tpu.memory_space<vmem>> -> memref<1x128x128xf32, #tpu.memory_space<vmem>>
          %dma_start3A_281 = tpu.memref_squeeze %dma_start3A_280 : memref<1x128x128xf32, #tpu.memory_space<vmem>> -> memref<128x128xf32, #tpu.memory_space<vmem>>
          %dma_start3A_282 = arith.constant 0 : i32
          %dma_start3A_283 = arith.constant 0 : i32
          %dma_start3A_284 = tpu.memref_slice %dma_start3A_281[%dma_start3A_282, %dma_start3A_283] : memref<128x128xf32, #tpu.memory_space<vmem>> -> memref<32x128xf32, #tpu.memory_space<vmem>>
          %dma_start3A_285 = arith.constant 0 : i32
          %dma_start3A_286 = arith.constant 0 : i32
          %dma_start3A_287 = tpu.memref_slice %run_scoped3A[%rem3A_199, %dma_start3A_285, %dma_start3A_286] : memref<2x4x32xi32, #tpu.memory_space<vmem>> -> memref<1x4x32xi32, #tpu.memory_space<vmem>>
          %dma_start3A_288 = tpu.memref_squeeze %dma_start3A_287 : memref<1x4x32xi32, #tpu.memory_space<vmem>> -> memref<4x32xi32, #tpu.memory_space<vmem>>
          %dma_start3A_289 = arith.constant 0 : i32
          %dma_start3A_290 = tpu.memref_slice %dma_start3A_288[%run_scoped3A_202, %dma_start3A_289] : memref<4x32xi32, #tpu.memory_space<vmem>> -> memref<1x32xi32, #tpu.memory_space<vmem>>
          %dma_start3A_291 = tpu.memref_squeeze %dma_start3A_290 : memref<1x32xi32, #tpu.memory_space<vmem>> -> memref<32xi32, #tpu.memory_space<vmem>>
          %dma_start3A_292 = arith.constant 0 : i32
          %dma_start3A_293 = arith.constant 0 : i32
          %dma_start3A_294 = tpu.memref_slice %arg2[%dma_start3A_292, %dma_start3A_293] : memref<1024x128xf32, #tpu.memory_space<hbm>> -> memref<1024x128xf32, #tpu.memory_space<hbm>>
          tpu.enqueue_indirect_dma source(%dma_start3A_294 : memref<1024x128xf32, #tpu.memory_space<hbm>>) target(%dma_start3A_284 : memref<32x128xf32, #tpu.memory_space<vmem>>) offsets(%dma_start3A_291 : memref<32xi32, #tpu.memory_space<vmem>>) semaphore(%run_scoped3A_277 : memref<!tpu.dma_semaphore, #tpu.memory_space<semaphore_mem>>)
          %dma_wait3A_295 = arith.constant 0 : i32
          %dma_wait3A_296 = arith.constant 0 : i32
          %dma_wait3A_297 = tpu.memref_slice %run_scoped3A_8[%rem3A_201, %dma_wait3A_295, %dma_wait3A_296] : memref<2x128x128xf32, #tpu.memory_space<vmem>> -> memref<1x128x128xf32, #tpu.memory_space<vmem>>
          %dma_wait3A_298 = tpu.memref_squeeze %dma_wait3A_297 : memref<1x128x128xf32, #tpu.memory_space<vmem>> -> memref<128x128xf32, #tpu.memory_space<vmem>>
          %dma_wait3A_299 = arith.constant 0 : i32
          %dma_wait3A_300 = arith.constant 0 : i32
          %dma_wait3A_301 = tpu.memref_slice %dma_wait3A_298[%dma_wait3A_299, %dma_wait3A_300] : memref<128x128xf32, #tpu.memory_space<vmem>> -> memref<32x128xf32, #tpu.memory_space<vmem>>
          %dma_wait3A_302 = arith.constant 0 : i32
          %dma_wait3A_303 = arith.constant 0 : i32
          %dma_wait3A_304 = tpu.memref_slice %run_scoped3A[%rem3A_199, %dma_wait3A_302, %dma_wait3A_303] : memref<2x4x32xi32, #tpu.memory_space<vmem>> -> memref<1x4x32xi32, #tpu.memory_space<vmem>>
          %dma_wait3A_305 = tpu.memref_squeeze %dma_wait3A_304 : memref<1x4x32xi32, #tpu.memory_space<vmem>> -> memref<4x32xi32, #tpu.memory_space<vmem>>
          %dma_wait3A_306 = arith.constant 0 : i32
          %dma_wait3A_307 = tpu.memref_slice %dma_wait3A_305[%run_scoped3A_202, %dma_wait3A_306] : memref<4x32xi32, #tpu.memory_space<vmem>> -> memref<1x32xi32, #tpu.memory_space<vmem>>
          %dma_wait3A_308 = tpu.memref_squeeze %dma_wait3A_307 : memref<1x32xi32, #tpu.memory_space<vmem>> -> memref<32xi32, #tpu.memory_space<vmem>>
          %dma_wait3A_309 = arith.constant 0 : i32
          %dma_wait3A_310 = arith.constant 0 : i32
          %dma_wait3A_311 = tpu.memref_slice %arg2[%dma_wait3A_309, %dma_wait3A_310] : memref<1024x128xf32, #tpu.memory_space<hbm>> -> memref<1024x128xf32, #tpu.memory_space<hbm>>
          tpu.wait_indirect_dma semaphore(%run_scoped3A_277 : memref<!tpu.dma_semaphore, #tpu.memory_space<semaphore_mem>>) src(%dma_wait3A_311 : memref<1024x128xf32, #tpu.memory_space<hbm>>) dst(%dma_wait3A_301 : memref<32x128xf32, #tpu.memory_space<vmem>>)
          tpu.yield
        }) : () -> ()
        %run_scoped3A_203 = arith.constant 1 : i32
        "tpu.region"() ({
          %run_scoped3A_277 = tpu.sem_alloc : memref<!tpu.dma_semaphore, #tpu.memory_space<semaphore_mem>>
          %dma_start3A_278 = arith.constant 0 : i32
          %dma_start3A_279 = arith.constant 0 : i32
          %dma_start3A_280 = tpu.memref_slice %run_scoped3A_8[%rem3A_201, %dma_start3A_278, %dma_start3A_279] : memref<2x128x128xf32, #tpu.memory_space<vmem>> -> memref<1x128x128xf32, #tpu.memory_space<vmem>>
          %dma_start3A_281 = tpu.memref_squeeze %dma_start3A_280 : memref<1x128x128xf32, #tpu.memory_space<vmem>> -> memref<128x128xf32, #tpu.memory_space<vmem>>
          %dma_start3A_282 = arith.constant 32 : i32
          %dma_start3A_283 = arith.constant 0 : i32
          %dma_start3A_284 = tpu.memref_slice %dma_start3A_281[%dma_start3A_282, %dma_start3A_283] : memref<128x128xf32, #tpu.memory_space<vmem>> -> memref<32x128xf32, #tpu.memory_space<vmem>>
          %dma_start3A_285 = arith.constant 0 : i32
          %dma_start3A_286 = arith.constant 0 : i32
          %dma_start3A_287 = tpu.memref_slice %run_scoped3A[%rem3A_199, %dma_start3A_285, %dma_start3A_286] : memref<2x4x32xi32, #tpu.memory_space<vmem>> -> memref<1x4x32xi32, #tpu.memory_space<vmem>>
          %dma_start3A_288 = tpu.memref_squeeze %dma_start3A_287 : memref<1x4x32xi32, #tpu.memory_space<vmem>> -> memref<4x32xi32, #tpu.memory_space<vmem>>
          %dma_start3A_289 = arith.constant 0 : i32
          %dma_start3A_290 = tpu.memref_slice %dma_start3A_288[%run_scoped3A_203, %dma_start3A_289] : memref<4x32xi32, #tpu.memory_space<vmem>> -> memref<1x32xi32, #tpu.memory_space<vmem>>
          %dma_start3A_291 = tpu.memref_squeeze %dma_start3A_290 : memref<1x32xi32, #tpu.memory_space<vmem>> -> memref<32xi32, #tpu.memory_space<vmem>>
          %dma_start3A_292 = arith.constant 0 : i32
          %dma_start3A_293 = arith.constant 0 : i32
          %dma_start3A_294 = tpu.memref_slice %arg2[%dma_start3A_292, %dma_start3A_293] : memref<1024x128xf32, #tpu.memory_space<hbm>> -> memref<1024x128xf32, #tpu.memory_space<hbm>>
          tpu.enqueue_indirect_dma source(%dma_start3A_294 : memref<1024x128xf32, #tpu.memory_space<hbm>>) target(%dma_start3A_284 : memref<32x128xf32, #tpu.memory_space<vmem>>) offsets(%dma_start3A_291 : memref<32xi32, #tpu.memory_space<vmem>>) semaphore(%run_scoped3A_277 : memref<!tpu.dma_semaphore, #tpu.memory_space<semaphore_mem>>)
          %dma_wait3A_295 = arith.constant 0 : i32
          %dma_wait3A_296 = arith.constant 0 : i32
          %dma_wait3A_297 = tpu.memref_slice %run_scoped3A_8[%rem3A_201, %dma_wait3A_295, %dma_wait3A_296] : memref<2x128x128xf32, #tpu.memory_space<vmem>> -> memref<1x128x128xf32, #tpu.memory_space<vmem>>
          %dma_wait3A_298 = tpu.memref_squeeze %dma_wait3A_297 : memref<1x128x128xf32, #tpu.memory_space<vmem>> -> memref<128x128xf32, #tpu.memory_space<vmem>>
          %dma_wait3A_299 = arith.constant 32 : i32
          %dma_wait3A_300 = arith.constant 0 : i32
          %dma_wait3A_301 = tpu.memref_slice %dma_wait3A_298[%dma_wait3A_299, %dma_wait3A_300] : memref<128x128xf32, #tpu.memory_space<vmem>> -> memref<32x128xf32, #tpu.memory_space<vmem>>
          %dma_wait3A_302 = arith.constant 0 : i32
          %dma_wait3A_303 = arith.constant 0 : i32
          %dma_wait3A_304 = tpu.memref_slice %run_scoped3A[%rem3A_199, %dma_wait3A_302, %dma_wait3A_303] : memref<2x4x32xi32, #tpu.memory_space<vmem>> -> memref<1x4x32xi32, #tpu.memory_space<vmem>>
          %dma_wait3A_305 = tpu.memref_squeeze %dma_wait3A_304 : memref<1x4x32xi32, #tpu.memory_space<vmem>> -> memref<4x32xi32, #tpu.memory_space<vmem>>
          %dma_wait3A_306 = arith.constant 0 : i32
          %dma_wait3A_307 = tpu.memref_slice %dma_wait3A_305[%run_scoped3A_203, %dma_wait3A_306] : memref<4x32xi32, #tpu.memory_space<vmem>> -> memref<1x32xi32, #tpu.memory_space<vmem>>
          %dma_wait3A_308 = tpu.memref_squeeze %dma_wait3A_307 : memref<1x32xi32, #tpu.memory_space<vmem>> -> memref<32xi32, #tpu.memory_space<vmem>>
          %dma_wait3A_309 = arith.constant 0 : i32
          %dma_wait3A_310 = arith.constant 0 : i32
          %dma_wait3A_311 = tpu.memref_slice %arg2[%dma_wait3A_309, %dma_wait3A_310] : memref<1024x128xf32, #tpu.memory_space<hbm>> -> memref<1024x128xf32, #tpu.memory_space<hbm>>
          tpu.wait_indirect_dma semaphore(%run_scoped3A_277 : memref<!tpu.dma_semaphore, #tpu.memory_space<semaphore_mem>>) src(%dma_wait3A_311 : memref<1024x128xf32, #tpu.memory_space<hbm>>) dst(%dma_wait3A_301 : memref<32x128xf32, #tpu.memory_space<vmem>>)
          tpu.yield
        }) : () -> ()
        %run_scoped3A_204 = arith.constant 2 : i32
        "tpu.region"() ({
          %run_scoped3A_277 = tpu.sem_alloc : memref<!tpu.dma_semaphore, #tpu.memory_space<semaphore_mem>>
          %dma_start3A_278 = arith.constant 0 : i32
          %dma_start3A_279 = arith.constant 0 : i32
          %dma_start3A_280 = tpu.memref_slice %run_scoped3A_8[%rem3A_201, %dma_start3A_278, %dma_start3A_279] : memref<2x128x128xf32, #tpu.memory_space<vmem>> -> memref<1x128x128xf32, #tpu.memory_space<vmem>>
          %dma_start3A_281 = tpu.memref_squeeze %dma_start3A_280 : memref<1x128x128xf32, #tpu.memory_space<vmem>> -> memref<128x128xf32, #tpu.memory_space<vmem>>
          %dma_start3A_282 = arith.constant 64 : i32
          %dma_start3A_283 = arith.constant 0 : i32
          %dma_start3A_284 = tpu.memref_slice %dma_start3A_281[%dma_start3A_282, %dma_start3A_283] : memref<128x128xf32, #tpu.memory_space<vmem>> -> memref<32x128xf32, #tpu.memory_space<vmem>>
          %dma_start3A_285 = arith.constant 0 : i32
          %dma_start3A_286 = arith.constant 0 : i32
          %dma_start3A_287 = tpu.memref_slice %run_scoped3A[%rem3A_199, %dma_start3A_285, %dma_start3A_286] : memref<2x4x32xi32, #tpu.memory_space<vmem>> -> memref<1x4x32xi32, #tpu.memory_space<vmem>>
          %dma_start3A_288 = tpu.memref_squeeze %dma_start3A_287 : memref<1x4x32xi32, #tpu.memory_space<vmem>> -> memref<4x32xi32, #tpu.memory_space<vmem>>
          %dma_start3A_289 = arith.constant 0 : i32
          %dma_start3A_290 = tpu.memref_slice %dma_start3A_288[%run_scoped3A_204, %dma_start3A_289] : memref<4x32xi32, #tpu.memory_space<vmem>> -> memref<1x32xi32, #tpu.memory_space<vmem>>
          %dma_start3A_291 = tpu.memref_squeeze %dma_start3A_290 : memref<1x32xi32, #tpu.memory_space<vmem>> -> memref<32xi32, #tpu.memory_space<vmem>>
          %dma_start3A_292 = arith.constant 0 : i32
          %dma_start3A_293 = arith.constant 0 : i32
          %dma_start3A_294 = tpu.memref_slice %arg2[%dma_start3A_292, %dma_start3A_293] : memref<1024x128xf32, #tpu.memory_space<hbm>> -> memref<1024x128xf32, #tpu.memory_space<hbm>>
          tpu.enqueue_indirect_dma source(%dma_start3A_294 : memref<1024x128xf32, #tpu.memory_space<hbm>>) target(%dma_start3A_284 : memref<32x128xf32, #tpu.memory_space<vmem>>) offsets(%dma_start3A_291 : memref<32xi32, #tpu.memory_space<vmem>>) semaphore(%run_scoped3A_277 : memref<!tpu.dma_semaphore, #tpu.memory_space<semaphore_mem>>)
          %dma_wait3A_295 = arith.constant 0 : i32
          %dma_wait3A_296 = arith.constant 0 : i32
          %dma_wait3A_297 = tpu.memref_slice %run_scoped3A_8[%rem3A_201, %dma_wait3A_295, %dma_wait3A_296] : memref<2x128x128xf32, #tpu.memory_space<vmem>> -> memref<1x128x128xf32, #tpu.memory_space<vmem>>
          %dma_wait3A_298 = tpu.memref_squeeze %dma_wait3A_297 : memref<1x128x128xf32, #tpu.memory_space<vmem>> -> memref<128x128xf32, #tpu.memory_space<vmem>>
          %dma_wait3A_299 = arith.constant 64 : i32
          %dma_wait3A_300 = arith.constant 0 : i32
          %dma_wait3A_301 = tpu.memref_slice %dma_wait3A_298[%dma_wait3A_299, %dma_wait3A_300] : memref<128x128xf32, #tpu.memory_space<vmem>> -> memref<32x128xf32, #tpu.memory_space<vmem>>
          %dma_wait3A_302 = arith.constant 0 : i32
          %dma_wait3A_303 = arith.constant 0 : i32
          %dma_wait3A_304 = tpu.memref_slice %run_scoped3A[%rem3A_199, %dma_wait3A_302, %dma_wait3A_303] : memref<2x4x32xi32, #tpu.memory_space<vmem>> -> memref<1x4x32xi32, #tpu.memory_space<vmem>>
          %dma_wait3A_305 = tpu.memref_squeeze %dma_wait3A_304 : memref<1x4x32xi32, #tpu.memory_space<vmem>> -> memref<4x32xi32, #tpu.memory_space<vmem>>
          %dma_wait3A_306 = arith.constant 0 : i32
          %dma_wait3A_307 = tpu.memref_slice %dma_wait3A_305[%run_scoped3A_204, %dma_wait3A_306] : memref<4x32xi32, #tpu.memory_space<vmem>> -> memref<1x32xi32, #tpu.memory_space<vmem>>
          %dma_wait3A_308 = tpu.memref_squeeze %dma_wait3A_307 : memref<1x32xi32, #tpu.memory_space<vmem>> -> memref<32xi32, #tpu.memory_space<vmem>>
          %dma_wait3A_309 = arith.constant 0 : i32
          %dma_wait3A_310 = arith.constant 0 : i32
          %dma_wait3A_311 = tpu.memref_slice %arg2[%dma_wait3A_309, %dma_wait3A_310] : memref<1024x128xf32, #tpu.memory_space<hbm>> -> memref<1024x128xf32, #tpu.memory_space<hbm>>
          tpu.wait_indirect_dma semaphore(%run_scoped3A_277 : memref<!tpu.dma_semaphore, #tpu.memory_space<semaphore_mem>>) src(%dma_wait3A_311 : memref<1024x128xf32, #tpu.memory_space<hbm>>) dst(%dma_wait3A_301 : memref<32x128xf32, #tpu.memory_space<vmem>>)
          tpu.yield
        }) : () -> ()
        %run_scoped3A_205 = arith.constant 3 : i32
        "tpu.region"() ({
          %run_scoped3A_277 = tpu.sem_alloc : memref<!tpu.dma_semaphore, #tpu.memory_space<semaphore_mem>>
          %dma_start3A_278 = arith.constant 0 : i32
          %dma_start3A_279 = arith.constant 0 : i32
          %dma_start3A_280 = tpu.memref_slice %run_scoped3A_8[%rem3A_201, %dma_start3A_278, %dma_start3A_279] : memref<2x128x128xf32, #tpu.memory_space<vmem>> -> memref<1x128x128xf32, #tpu.memory_space<vmem>>
          %dma_start3A_281 = tpu.memref_squeeze %dma_start3A_280 : memref<1x128x128xf32, #tpu.memory_space<vmem>> -> memref<128x128xf32, #tpu.memory_space<vmem>>
          %dma_start3A_282 = arith.constant 96 : i32
          %dma_start3A_283 = arith.constant 0 : i32
          %dma_start3A_284 = tpu.memref_slice %dma_start3A_281[%dma_start3A_282, %dma_start3A_283] : memref<128x128xf32, #tpu.memory_space<vmem>> -> memref<32x128xf32, #tpu.memory_space<vmem>>
          %dma_start3A_285 = arith.constant 0 : i32
          %dma_start3A_286 = arith.constant 0 : i32
          %dma_start3A_287 = tpu.memref_slice %run_scoped3A[%rem3A_199, %dma_start3A_285, %dma_start3A_286] : memref<2x4x32xi32, #tpu.memory_space<vmem>> -> memref<1x4x32xi32, #tpu.memory_space<vmem>>
          %dma_start3A_288 = tpu.memref_squeeze %dma_start3A_287 : memref<1x4x32xi32, #tpu.memory_space<vmem>> -> memref<4x32xi32, #tpu.memory_space<vmem>>
          %dma_start3A_289 = arith.constant 0 : i32
          %dma_start3A_290 = tpu.memref_slice %dma_start3A_288[%run_scoped3A_205, %dma_start3A_289] : memref<4x32xi32, #tpu.memory_space<vmem>> -> memref<1x32xi32, #tpu.memory_space<vmem>>
          %dma_start3A_291 = tpu.memref_squeeze %dma_start3A_290 : memref<1x32xi32, #tpu.memory_space<vmem>> -> memref<32xi32, #tpu.memory_space<vmem>>
          %dma_start3A_292 = arith.constant 0 : i32
          %dma_start3A_293 = arith.constant 0 : i32
          %dma_start3A_294 = tpu.memref_slice %arg2[%dma_start3A_292, %dma_start3A_293] : memref<1024x128xf32, #tpu.memory_space<hbm>> -> memref<1024x128xf32, #tpu.memory_space<hbm>>
          tpu.enqueue_indirect_dma source(%dma_start3A_294 : memref<1024x128xf32, #tpu.memory_space<hbm>>) target(%dma_start3A_284 : memref<32x128xf32, #tpu.memory_space<vmem>>) offsets(%dma_start3A_291 : memref<32xi32, #tpu.memory_space<vmem>>) semaphore(%run_scoped3A_277 : memref<!tpu.dma_semaphore, #tpu.memory_space<semaphore_mem>>)
          %dma_wait3A_295 = arith.constant 0 : i32
          %dma_wait3A_296 = arith.constant 0 : i32
          %dma_wait3A_297 = tpu.memref_slice %run_scoped3A_8[%rem3A_201, %dma_wait3A_295, %dma_wait3A_296] : memref<2x128x128xf32, #tpu.memory_space<vmem>> -> memref<1x128x128xf32, #tpu.memory_space<vmem>>
          %dma_wait3A_298 = tpu.memref_squeeze %dma_wait3A_297 : memref<1x128x128xf32, #tpu.memory_space<vmem>> -> memref<128x128xf32, #tpu.memory_space<vmem>>
          %dma_wait3A_299 = arith.constant 96 : i32
          %dma_wait3A_300 = arith.constant 0 : i32
          %dma_wait3A_301 = tpu.memref_slice %dma_wait3A_298[%dma_wait3A_299, %dma_wait3A_300] : memref<128x128xf32, #tpu.memory_space<vmem>> -> memref<32x128xf32, #tpu.memory_space<vmem>>
          %dma_wait3A_302 = arith.constant 0 : i32
          %dma_wait3A_303 = arith.constant 0 : i32
          %dma_wait3A_304 = tpu.memref_slice %run_scoped3A[%rem3A_199, %dma_wait3A_302, %dma_wait3A_303] : memref<2x4x32xi32, #tpu.memory_space<vmem>> -> memref<1x4x32xi32, #tpu.memory_space<vmem>>
          %dma_wait3A_305 = tpu.memref_squeeze %dma_wait3A_304 : memref<1x4x32xi32, #tpu.memory_space<vmem>> -> memref<4x32xi32, #tpu.memory_space<vmem>>
          %dma_wait3A_306 = arith.constant 0 : i32
          %dma_wait3A_307 = tpu.memref_slice %dma_wait3A_305[%run_scoped3A_205, %dma_wait3A_306] : memref<4x32xi32, #tpu.memory_space<vmem>> -> memref<1x32xi32, #tpu.memory_space<vmem>>
          %dma_wait3A_308 = tpu.memref_squeeze %dma_wait3A_307 : memref<1x32xi32, #tpu.memory_space<vmem>> -> memref<32xi32, #tpu.memory_space<vmem>>
          %dma_wait3A_309 = arith.constant 0 : i32
          %dma_wait3A_310 = arith.constant 0 : i32
          %dma_wait3A_311 = tpu.memref_slice %arg2[%dma_wait3A_309, %dma_wait3A_310] : memref<1024x128xf32, #tpu.memory_space<hbm>> -> memref<1024x128xf32, #tpu.memory_space<hbm>>
          tpu.wait_indirect_dma semaphore(%run_scoped3A_277 : memref<!tpu.dma_semaphore, #tpu.memory_space<semaphore_mem>>) src(%dma_wait3A_311 : memref<1024x128xf32, #tpu.memory_space<hbm>>) dst(%dma_wait3A_301 : memref<32x128xf32, #tpu.memory_space<vmem>>)
          tpu.yield
        }) : () -> ()
        "tpu.trace_stop"() : () -> ()
        %ne3A_206 = arith.cmpi ne, %add3A_131, %add3A_149 : i32
        %or3A_207 = arith.constant false
        %or3A_208 = arith.ori %or3A_207, %ne3A_206 : i1
        %or3A_209 = arith.constant false
        %or3A_210 = arith.ori %or3A_208, %or3A_209 : i1
        %or3A_211 = arith.ori %or3A_210, %eq3A_130 : i1
        %convert_element_type3A_212 = arith.extui %or3A_211 : i1 to i32
        %cond3A_213 = arith.constant 0 : i32
        %cond3A_214 = arith.cmpi ne, %convert_element_type3A_212, %cond3A_213 : i32
        scf.if %cond3A_214 {
        } else {
        }
        %and3A_215 = arith.constant false
        %and3A_216 = arith.andi %or3A_211, %and3A_215 : i1
        %ne3A_217 = arith.cmpi ne, %add3A_131, %add3A_149 : i32
        %or3A_218 = arith.constant false
        %or3A_219 = arith.ori %or3A_218, %ne3A_217 : i1
        %or3A_220 = arith.constant false
        %or3A_221 = arith.ori %or3A_219, %or3A_220 : i1
        %or3A_222 = arith.ori %or3A_221, %eq3A_130 : i1
        %convert_element_type3A_223 = arith.extui %or3A_222 : i1 to i32
        %cond3A_224 = arith.constant 0 : i32
        %cond3A_225 = arith.cmpi ne, %convert_element_type3A_223, %cond3A_224 : i32
        scf.if %cond3A_225 {
          "tpu.trace_start"() <{level = 10 : i32, message = "ep_copy_out"}> : () -> ()
          %rem3A_277 = arith.constant 2 : i32
          %rem3A_278 = arith.remui %scan3A_124, %rem3A_277 : i32
          %mul3A_279 = arith.constant 128 : i32
          %mul3A_280 = arith.muli %mul3A_279, %add3A_131 : i32
          %dma_start3A_281 = arith.constant 0 : i32
          %dma_start3A_282 = arith.constant 0 : i32
          %dma_start3A_283 = tpu.memref_slice %run_scoped3A_8[%rem3A_278, %dma_start3A_281, %dma_start3A_282] : memref<2x128x128xf32, #tpu.memory_space<vmem>> -> memref<1x128x128xf32, #tpu.memory_space<vmem>>
          %dma_start3A_284 = tpu.memref_squeeze %dma_start3A_283 : memref<1x128x128xf32, #tpu.memory_space<vmem>> -> memref<128x128xf32, #tpu.memory_space<vmem>>
          %dma_start3A_285 = arith.constant 0 : i32
          %dma_start3A_286 = tpu.memref_slice %arg4[%mul3A_280, %dma_start3A_285] : memref<32768x128xf32, #tpu.memory_space<hbm>> -> memref<128x128xf32, #tpu.memory_space<hbm>>
          %dma_start3A_287 = tpu.memref_slice %run_scoped3A_9[%rem3A_278] : memref<2x!tpu.dma_semaphore, #tpu.memory_space<semaphore_mem>> -> memref<1x!tpu.dma_semaphore, #tpu.memory_space<semaphore_mem>>
          %dma_start3A_288 = tpu.memref_squeeze %dma_start3A_287 : memref<1x!tpu.dma_semaphore, #tpu.memory_space<semaphore_mem>> -> memref<!tpu.dma_semaphore, #tpu.memory_space<semaphore_mem>>
          %dma_start3A_289 = arith.constant 0 : i32
          %dma_start3A_290 = tpu.memref_slice %arg4[%mul3A_280, %dma_start3A_289] : memref<32768x128xf32, #tpu.memory_space<hbm>> -> memref<128x128xf32, #tpu.memory_space<hbm>>
          %dma_start3A_291 = arith.constant 0 : i32
          %dma_start3A_292 = arith.constant 0 : i32
          %dma_start3A_293 = tpu.memref_slice %run_scoped3A_8[%rem3A_278, %dma_start3A_291, %dma_start3A_292] : memref<2x128x128xf32, #tpu.memory_space<vmem>> -> memref<1x128x128xf32, #tpu.memory_space<vmem>>
          %dma_start3A_294 = tpu.memref_squeeze %dma_start3A_293 : memref<1x128x128xf32, #tpu.memory_space<vmem>> -> memref<128x128xf32, #tpu.memory_space<vmem>>
          tpu.enqueue_dma source(%dma_start3A_294 : memref<128x128xf32, #tpu.memory_space<vmem>>) target(%dma_start3A_290 : memref<128x128xf32, #tpu.memory_space<hbm>>) target_semaphore(%dma_start3A_288 : memref<!tpu.dma_semaphore, #tpu.memory_space<semaphore_mem>>)
          "tpu.trace_stop"() : () -> ()
        } else {
        }
        %and3A_226 = arith.constant true
        %and3A_227 = arith.andi %or3A_222, %and3A_226 : i1
        %add3A_228 = arith.constant 1 : i32
        %add3A_229 = arith.addi %scan3A_124, %add3A_228 : i32
        %select_n3A_230 = arith.select %and3A_227, %add3A_229, %scan3A_124 : i32
        %ne3A_231 = arith.cmpi ne, %add3A_131, %add3A_140 : i32
        %or3A_232 = arith.constant false
        %or3A_233 = arith.ori %or3A_232, %ne3A_231 : i1
        %or3A_234 = arith.constant false
        %or3A_235 = arith.ori %or3A_233, %or3A_234 : i1
        %not3A_236 = arith.constant true
        %not3A_237 = arith.xori %eq3A_128, %not3A_236 : i1
        %and3A_238 = arith.andi %or3A_235, %not3A_237 : i1
        %convert_element_type3A_239 = arith.extui %and3A_238 : i1 to i32
        %cond3A_240 = arith.constant 0 : i32
        %cond3A_241 = arith.cmpi ne, %convert_element_type3A_239, %cond3A_240 : i32
        scf.if %cond3A_241 {
        } else {
        }
        %and3A_242 = arith.constant false
        %and3A_243 = arith.andi %and3A_238, %and3A_242 : i1
        %ne3A_244 = arith.cmpi ne, %add3A_131, %add3A_140 : i32
        %or3A_245 = arith.constant false
        %or3A_246 = arith.ori %or3A_245, %ne3A_244 : i1
        %or3A_247 = arith.constant false
        %or3A_248 = arith.ori %or3A_246, %or3A_247 : i1
        %not3A_249 = arith.constant true
        %not3A_250 = arith.xori %eq3A_128, %not3A_249 : i1
        %and3A_251 = arith.andi %or3A_248, %not3A_250 : i1
        %convert_element_type3A_252 = arith.extui %and3A_251 : i1 to i32
        %cond3A_253 = arith.constant 0 : i32
        %cond3A_254 = arith.cmpi ne, %convert_element_type3A_252, %cond3A_253 : i32
        scf.if %cond3A_254 {
          "tpu.trace_start"() <{level = 10 : i32, message = "ep_wait_out"}> : () -> ()
          %rem3A_277 = arith.constant 2 : i32
          %rem3A_278 = arith.remui %scan3A_125, %rem3A_277 : i32
          %mul3A_279 = arith.constant 128 : i32
          %mul3A_280 = arith.muli %mul3A_279, %add3A_140 : i32
          %dma_wait3A_281 = arith.constant 0 : i32
          %dma_wait3A_282 = arith.constant 0 : i32
          %dma_wait3A_283 = tpu.memref_slice %run_scoped3A_8[%rem3A_278, %dma_wait3A_281, %dma_wait3A_282] : memref<2x128x128xf32, #tpu.memory_space<vmem>> -> memref<1x128x128xf32, #tpu.memory_space<vmem>>
          %dma_wait3A_284 = tpu.memref_squeeze %dma_wait3A_283 : memref<1x128x128xf32, #tpu.memory_space<vmem>> -> memref<128x128xf32, #tpu.memory_space<vmem>>
          %dma_wait3A_285 = arith.constant 0 : i32
          %dma_wait3A_286 = tpu.memref_slice %arg4[%mul3A_280, %dma_wait3A_285] : memref<32768x128xf32, #tpu.memory_space<hbm>> -> memref<128x128xf32, #tpu.memory_space<hbm>>
          %dma_wait3A_287 = tpu.memref_slice %run_scoped3A_9[%rem3A_278] : memref<2x!tpu.dma_semaphore, #tpu.memory_space<semaphore_mem>> -> memref<1x!tpu.dma_semaphore, #tpu.memory_space<semaphore_mem>>
          %dma_wait3A_288 = tpu.memref_squeeze %dma_wait3A_287 : memref<1x!tpu.dma_semaphore, #tpu.memory_space<semaphore_mem>> -> memref<!tpu.dma_semaphore, #tpu.memory_space<semaphore_mem>>
          %dma_wait3A_289 = arith.constant 0 : i32
          %dma_wait3A_290 = tpu.memref_slice %arg4[%mul3A_280, %dma_wait3A_289] : memref<32768x128xf32, #tpu.memory_space<hbm>> -> memref<128x128xf32, #tpu.memory_space<hbm>>
          %dma_wait3A_291 = arith.constant 0 : i32
          %dma_wait3A_292 = arith.constant 0 : i32
          %dma_wait3A_293 = tpu.memref_slice %run_scoped3A_8[%rem3A_278, %dma_wait3A_291, %dma_wait3A_292] : memref<2x128x128xf32, #tpu.memory_space<vmem>> -> memref<1x128x128xf32, #tpu.memory_space<vmem>>
          %dma_wait3A_294 = tpu.memref_squeeze %dma_wait3A_293 : memref<1x128x128xf32, #tpu.memory_space<vmem>> -> memref<128x128xf32, #tpu.memory_space<vmem>>
          tpu.wait_dma2 semaphore(%dma_wait3A_288 : memref<!tpu.dma_semaphore, #tpu.memory_space<semaphore_mem>>) src(%dma_wait3A_294 : memref<128x128xf32, #tpu.memory_space<vmem>>) dst(%dma_wait3A_290 : memref<128x128xf32, #tpu.memory_space<hbm>>)
          "tpu.trace_stop"() : () -> ()
        } else {
        }
        %and3A_255 = arith.constant true
        %and3A_256 = arith.andi %and3A_251, %and3A_255 : i1
        %add3A_257 = arith.constant 1 : i32
        %add3A_258 = arith.addi %scan3A_125, %add3A_257 : i32
        %select_n3A_259 = arith.select %and3A_256, %add3A_258, %scan3A_125 : i32
        %ne3A_260 = arith.cmpi ne, %add3A_131, %add3A_149 : i32
        %or3A_261 = arith.constant false
        %or3A_262 = arith.ori %or3A_261, %ne3A_260 : i1
        %or3A_263 = arith.constant false
        %or3A_264 = arith.ori %or3A_262, %or3A_263 : i1
        %or3A_265 = arith.ori %or3A_264, %eq3A_130 : i1
        %add3A_266 = arith.constant 1 : i32
        %add3A_267 = arith.addi %scan3A_123, %add3A_266 : i32
        %select_n3A_268 = arith.select %or3A_265, %add3A_267, %scan3A_123 : i32
        %add3A_269 = arith.constant 1 : i32
        %add3A_270 = arith.addi %scan3A_126, %add3A_269 : i32
        %select_n3A_271 = arith.constant true
        %select_n3A_272 = arith.select %select_n3A_271, %add3A_270, %scan3A_126 : i32
        %eq3A_273 = arith.constant 8 : i32
        %eq3A_274 = arith.cmpi eq, %select_n3A_272, %eq3A_273 : i32
        %select_n3A_275 = arith.constant 0 : i32
        %select_n3A_276 = arith.select %eq3A_274, %select_n3A_275, %select_n3A_272 : i32
        scf.yield %select_n3A_169, %select_n3A_268, %select_n3A_230, %select_n3A_259, %select_n3A_276 : i32, i32, i32, i32, i32
      }
      %scan3A_68 = arith.constant 8 : i32
      %sub3A = arith.constant 1 : i32
      %sub3A_69 = arith.subi %scan3A_67#4, %sub3A : i32
      %select_n3A_70 = arith.constant true
      %select_n3A_71 = arith.select %select_n3A_70, %sub3A_69, %scan3A_67#4 : i32
      %eq3A_72 = arith.constant -1 : i32
      %eq3A_73 = arith.cmpi eq, %select_n3A_71, %eq3A_72 : i32
      %select_n3A_74 = arith.constant 7 : i32
      %select_n3A_75 = arith.select %eq3A_73, %select_n3A_74, %select_n3A_71 : i32
      %add3A_76 = arith.addi %select_n3A_75, %mul3A_6 : i32
      %sub3A_77 = arith.constant 1 : i32
      %sub3A_78 = arith.subi %select_n3A_75, %sub3A_77 : i32
      %select_n3A_79 = arith.constant true
      %select_n3A_80 = arith.select %select_n3A_79, %sub3A_78, %select_n3A_75 : i32
      %eq3A_81 = arith.constant -1 : i32
      %eq3A_82 = arith.cmpi eq, %select_n3A_80, %eq3A_81 : i32
      %select_n3A_83 = arith.constant 7 : i32
      %select_n3A_84 = arith.select %eq3A_82, %select_n3A_83, %select_n3A_80 : i32
      %add3A_85 = arith.addi %select_n3A_84, %mul3A_6 : i32
      %add3A_86 = arith.constant 1 : i32
      %add3A_87 = arith.addi %select_n3A_75, %add3A_86 : i32
      %select_n3A_88 = arith.constant true
      %select_n3A_89 = arith.select %select_n3A_88, %add3A_87, %select_n3A_75 : i32
      %eq3A_90 = arith.constant 8 : i32
      %eq3A_91 = arith.cmpi eq, %select_n3A_89, %eq3A_90 : i32
      %select_n3A_92 = arith.constant 0 : i32
      %select_n3A_93 = arith.select %eq3A_91, %select_n3A_92, %select_n3A_89 : i32
      %add3A_94 = arith.addi %select_n3A_93, %mul3A_6 : i32
      %add3A_95 = arith.constant 1 : i32
      %add3A_96 = arith.addi %select_n3A_93, %add3A_95 : i32
      %select_n3A_97 = arith.constant true
      %select_n3A_98 = arith.select %select_n3A_97, %add3A_96, %select_n3A_93 : i32
      %eq3A_99 = arith.constant 8 : i32
      %eq3A_100 = arith.cmpi eq, %select_n3A_98, %eq3A_99 : i32
      %select_n3A_101 = arith.constant 0 : i32
      %select_n3A_102 = arith.select %eq3A_100, %select_n3A_101, %select_n3A_98 : i32
      %add3A_103 = arith.addi %select_n3A_102, %mul3A_6 : i32
      "tpu.trace_start"() <{level = 10 : i32, message = "ep_finalize"}> : () -> ()
      %rem3A_104 = arith.constant 2 : i32
      %rem3A_105 = arith.remui %scan3A_67#3, %rem3A_104 : i32
      %mul3A_106 = arith.constant 128 : i32
      %mul3A_107 = arith.muli %mul3A_106, %add3A_76 : i32
      %dma_wait3A = arith.constant 0 : i32
      %dma_wait3A_108 = arith.constant 0 : i32
      %dma_wait3A_109 = tpu.memref_slice %run_scoped3A_8[%rem3A_105, %dma_wait3A, %dma_wait3A_108] : memref<2x128x128xf32, #tpu.memory_space<vmem>> -> memref<1x128x128xf32, #tpu.memory_space<vmem>>
      %dma_wait3A_110 = tpu.memref_squeeze %dma_wait3A_109 : memref<1x128x128xf32, #tpu.memory_space<vmem>> -> memref<128x128xf32, #tpu.memory_space<vmem>>
      %dma_wait3A_111 = arith.constant 0 : i32
      %dma_wait3A_112 = tpu.memref_slice %arg4[%mul3A_107, %dma_wait3A_111] : memref<32768x128xf32, #tpu.memory_space<hbm>> -> memref<128x128xf32, #tpu.memory_space<hbm>>
      %dma_wait3A_113 = tpu.memref_slice %run_scoped3A_9[%rem3A_105] : memref<2x!tpu.dma_semaphore, #tpu.memory_space<semaphore_mem>> -> memref<1x!tpu.dma_semaphore, #tpu.memory_space<semaphore_mem>>
      %dma_wait3A_114 = tpu.memref_squeeze %dma_wait3A_113 : memref<1x!tpu.dma_semaphore, #tpu.memory_space<semaphore_mem>> -> memref<!tpu.dma_semaphore, #tpu.memory_space<semaphore_mem>>
      %dma_wait3A_115 = arith.constant 0 : i32
      %dma_wait3A_116 = tpu.memref_slice %arg4[%mul3A_107, %dma_wait3A_115] : memref<32768x128xf32, #tpu.memory_space<hbm>> -> memref<128x128xf32, #tpu.memory_space<hbm>>
      %dma_wait3A_117 = arith.constant 0 : i32
      %dma_wait3A_118 = arith.constant 0 : i32
      %dma_wait3A_119 = tpu.memref_slice %run_scoped3A_8[%rem3A_105, %dma_wait3A_117, %dma_wait3A_118] : memref<2x128x128xf32, #tpu.memory_space<vmem>> -> memref<1x128x128xf32, #tpu.memory_space<vmem>>
      %dma_wait3A_120 = tpu.memref_squeeze %dma_wait3A_119 : memref<1x128x128xf32, #tpu.memory_space<vmem>> -> memref<128x128xf32, #tpu.memory_space<vmem>>
      tpu.wait_dma2 semaphore(%dma_wait3A_114 : memref<!tpu.dma_semaphore, #tpu.memory_space<semaphore_mem>>) src(%dma_wait3A_120 : memref<128x128xf32, #tpu.memory_space<vmem>>) dst(%dma_wait3A_116 : memref<128x128xf32, #tpu.memory_space<hbm>>)
      "tpu.trace_stop"() : () -> ()
      tpu.yield
    }) : () -> ()
    return
  }
}

#map = affine_map<(d0, d1) -> (0, 0)>
module attributes {stable_mosaic.version = 14 : i64} {
  func.func @kern(%arg0: i32, %arg1: i32, %arg2: memref<1024x128xf32, #tpu.memory_space<hbm>>, %arg3: memref<1024x32xi32, #tpu.memory_space<hbm>>, %arg4: memref<32768x128xf32, #tpu.memory_space<hbm>>) attributes {dimension_semantics = [#tpu.dimension_semantics<core_parallel>, #tpu.dimension_semantics<subcore_parallel>], iteration_bounds = array<i64: 2, 16>, scalar_prefetch = 0 : i64, scratch_operands = 0 : i64, tpu.core_type = #tpu.core_type<sc_vector_subcore>, window_params = [{transform_indices = #map}, {transform_indices = #map}, {transform_indices = #map}]} {
    %mul3A = arith.constant 1 : i32
    %mul3A_0 = arith.muli %arg1, %mul3A : i32
    %add3A = arith.constant 0 : i32
    %add3A_1 = arith.addi %add3A, %mul3A_0 : i32
    %mul3A_2 = arith.constant 16 : i32
    %mul3A_3 = arith.muli %arg0, %mul3A_2 : i32
    %add3A_4 = arith.addi %add3A_1, %mul3A_3 : i32
    %mul3A_5 = arith.constant 8 : i32
    %mul3A_6 = arith.muli %add3A_4, %mul3A_5 : i32
    "tpu.region"() ({
      %run_scoped3A = memref.alloca() : memref<2x4x32xi32, #tpu.memory_space<vmem>>
      %run_scoped3A_7 = tpu.sem_alloc : memref<2x!tpu.dma_semaphore, #tpu.memory_space<semaphore_mem>>
      %run_scoped3A_8 = memref.alloca() : memref<2x128x128xf32, #tpu.memory_space<vmem>>
      %run_scoped3A_9 = tpu.sem_alloc : memref<2x!tpu.dma_semaphore, #tpu.memory_space<semaphore_mem>>
      %add3A_10 = arith.constant 0 : i32
      %add3A_11 = arith.addi %add3A_10, %mul3A_6 : i32
      %select_n3A = arith.constant true
      %select_n3A_12 = arith.constant 0 : i32
      %select_n3A_13 = arith.constant -1 : i32
      %select_n3A_14 = arith.select %select_n3A, %select_n3A_13, %select_n3A_12 : i32
      %eq3A = arith.constant -1 : i32
      %eq3A_15 = arith.cmpi eq, %select_n3A_14, %eq3A : i32
      %select_n3A_16 = arith.constant 7 : i32
      %select_n3A_17 = arith.select %eq3A_15, %select_n3A_16, %select_n3A_14 : i32
      %add3A_18 = arith.addi %select_n3A_17, %mul3A_6 : i32
      %select_n3A_19 = arith.constant true
      %select_n3A_20 = arith.constant 0 : i32
      %select_n3A_21 = arith.constant 1 : i32
      %select_n3A_22 = arith.select %select_n3A_19, %select_n3A_21, %select_n3A_20 : i32
      %eq3A_23 = arith.constant 8 : i32
      %eq3A_24 = arith.cmpi eq, %select_n3A_22, %eq3A_23 : i32
      %select_n3A_25 = arith.constant 0 : i32
      %select_n3A_26 = arith.select %eq3A_24, %select_n3A_25, %select_n3A_22 : i32
      %add3A_27 = arith.addi %select_n3A_26, %mul3A_6 : i32
      %add3A_28 = arith.constant 1 : i32
      %add3A_29 = arith.addi %select_n3A_26, %add3A_28 : i32
      %select_n3A_30 = arith.constant true
      %select_n3A_31 = arith.select %select_n3A_30, %add3A_29, %select_n3A_26 : i32
      %eq3A_32 = arith.constant 8 : i32
      %eq3A_33 = arith.cmpi eq, %select_n3A_31, %eq3A_32 : i32
      %select_n3A_34 = arith.constant 0 : i32
      %select_n3A_35 = arith.select %eq3A_33, %select_n3A_34, %select_n3A_31 : i32
      %add3A_36 = arith.addi %select_n3A_35, %mul3A_6 : i32
      "tpu.trace_start"() <{level = 10 : i32, message = "ep_initialize_0"}> : () -> ()
      %rem3A = arith.constant 0 : i32
      %rem3A_37 = arith.constant 2 : i32
      %rem3A_38 = arith.remui %rem3A, %rem3A_37 : i32
      %mul3A_39 = arith.constant 4 : i32
      %mul3A_40 = arith.muli %mul3A_39, %add3A_11 : i32
      %dma_start3A = arith.constant 0 : i32
      %dma_start3A_41 = arith.constant 0 : i32
      %dma_start3A_42 = tpu.memref_slice %run_scoped3A[%rem3A_38, %dma_start3A, %dma_start3A_41] : memref<2x4x32xi32, #tpu.memory_space<vmem>> -> memref<1x4x32xi32, #tpu.memory_space<vmem>>
      %dma_start3A_43 = tpu.memref_squeeze %dma_start3A_42 : memref<1x4x32xi32, #tpu.memory_space<vmem>> -> memref<4x32xi32, #tpu.memory_space<vmem>>
      %dma_start3A_44 = arith.constant 0 : i32
      %dma_start3A_45 = tpu.memref_slice %arg3[%mul3A_40, %dma_start3A_44] : memref<1024x32xi32, #tpu.memory_space<hbm>> -> memref<4x32xi32, #tpu.memory_space<hbm>>
      %dma_start3A_46 = tpu.memref_slice %run_scoped3A_7[%rem3A_38] : memref<2x!tpu.dma_semaphore, #tpu.memory_space<semaphore_mem>> -> memref<1x!tpu.dma_semaphore, #tpu.memory_space<semaphore_mem>>
      %dma_start3A_47 = tpu.memref_squeeze %dma_start3A_46 : memref<1x!tpu.dma_semaphore, #tpu.memory_space<semaphore_mem>> -> memref<!tpu.dma_semaphore, #tpu.memory_space<semaphore_mem>>
      %dma_start3A_48 = arith.constant 0 : i32
      %dma_start3A_49 = arith.constant 0 : i32
      %dma_start3A_50 = tpu.memref_slice %run_scoped3A[%rem3A_38, %dma_start3A_48, %dma_start3A_49] : memref<2x4x32xi32, #tpu.memory_space<vmem>> -> memref<1x4x32xi32, #tpu.memory_space<vmem>>
      %dma_start3A_51 = tpu.memref_squeeze %dma_start3A_50 : memref<1x4x32xi32, #tpu.memory_space<vmem>> -> memref<4x32xi32, #tpu.memory_space<vmem>>
      %dma_start3A_52 = arith.constant 0 : i32
      %dma_start3A_53 = tpu.memref_slice %arg3[%mul3A_40, %dma_start3A_52] : memref<1024x32xi32, #tpu.memory_space<hbm>> -> memref<4x32xi32, #tpu.memory_space<hbm>>
      tpu.enqueue_dma source(%dma_start3A_53 : memref<4x32xi32, #tpu.memory_space<hbm>>) target(%dma_start3A_51 : memref<4x32xi32, #tpu.memory_space<vmem>>) target_semaphore(%dma_start3A_47 : memref<!tpu.dma_semaphore, #tpu.memory_space<semaphore_mem>>)
      %add3A_54 = arith.constant 0 : i32
      %add3A_55 = arith.constant 1 : i32
      %add3A_56 = arith.addi %add3A_54, %add3A_55 : i32
      %select_n3A_57 = arith.constant true
      %select_n3A_58 = arith.constant 0 : i32
      %select_n3A_59 = arith.select %select_n3A_57, %add3A_56, %select_n3A_58 : i32
      "tpu.trace_stop"() : () -> ()
      %scan3A = arith.constant 0 : i32
      %scan3A_60 = arith.constant 0 : i32
      %scan3A_61 = arith.constant 0 : i32
      %scan3A_62 = arith.constant 0 : i32
      %scan3A_63 = arith.constant 0 : i32
      %scan3A_64 = arith.constant 8 : i32
      %scan3A_65 = arith.addi %scan3A_63, %scan3A_64 : i32
      %scan3A_66 = arith.constant 1 : i32
      %scan3A_67:5 = scf.for %scan3A_121 = %scan3A_63 to %scan3A_65 step %scan3A_66 iter_args(%scan3A_122 = %select_n3A_59, %scan3A_123 = %scan3A, %scan3A_124 = %scan3A_60, %scan3A_125 = %scan3A_61, %scan3A_126 = %scan3A_62) -> (i32, i32, i32, i32, i32)  : i32 {
        %eq3A_127 = arith.constant 0 : i32
        %eq3A_128 = arith.cmpi eq, %scan3A_121, %eq3A_127 : i32
        %eq3A_129 = arith.constant 7 : i32
        %eq3A_130 = arith.cmpi eq, %scan3A_121, %eq3A_129 : i32
        %add3A_131 = arith.addi %scan3A_126, %mul3A_6 : i32
        %sub3A_132 = arith.constant 1 : i32
        %sub3A_133 = arith.subi %scan3A_126, %sub3A_132 : i32
        %select_n3A_134 = arith.constant true
        %select_n3A_135 = arith.select %select_n3A_134, %sub3A_133, %scan3A_126 : i32
        %eq3A_136 = arith.constant -1 : i32
        %eq3A_137 = arith.cmpi eq, %select_n3A_135, %eq3A_136 : i32
        %select_n3A_138 = arith.constant 7 : i32
        %select_n3A_139 = arith.select %eq3A_137, %select_n3A_138, %select_n3A_135 : i32
        %add3A_140 = arith.addi %select_n3A_139, %mul3A_6 : i32
        %add3A_141 = arith.constant 1 : i32
        %add3A_142 = arith.addi %scan3A_126, %add3A_141 : i32
        %select_n3A_143 = arith.constant true
        %select_n3A_144 = arith.select %select_n3A_143, %add3A_142, %scan3A_126 : i32
        %eq3A_145 = arith.constant 8 : i32
        %eq3A_146 = arith.cmpi eq, %select_n3A_144, %eq3A_145 : i32
        %select_n3A_147 = arith.constant 0 : i32
        %select_n3A_148 = arith.select %eq3A_146, %select_n3A_147, %select_n3A_144 : i32
        %add3A_149 = arith.addi %select_n3A_148, %mul3A_6 : i32
        %add3A_150 = arith.constant 1 : i32
        %add3A_151 = arith.addi %select_n3A_148, %add3A_150 : i32
        %select_n3A_152 = arith.constant true
        %select_n3A_153 = arith.select %select_n3A_152, %add3A_151, %select_n3A_148 : i32
        %eq3A_154 = arith.constant 8 : i32
        %eq3A_155 = arith.cmpi eq, %select_n3A_153, %eq3A_154 : i32
        %select_n3A_156 = arith.constant 0 : i32
        %select_n3A_157 = arith.select %eq3A_155, %select_n3A_156, %select_n3A_153 : i32
        %add3A_158 = arith.addi %select_n3A_157, %mul3A_6 : i32
        %ne3A = arith.cmpi ne, %add3A_131, %add3A_149 : i32
        %or3A = arith.constant false
        %or3A_159 = arith.ori %or3A, %ne3A : i1
        %or3A_160 = arith.constant false
        %or3A_161 = arith.ori %or3A_159, %or3A_160 : i1
        %ge3A = arith.constant 7 : i32
        %ge3A_162 = arith.cmpi sge, %scan3A_121, %ge3A : i32
        %not3A = arith.constant true
        %not3A_163 = arith.xori %ge3A_162, %not3A : i1
        %and3A = arith.andi %or3A_161, %not3A_163 : i1
        %convert_element_type3A = arith.extui %and3A : i1 to i32
        %cond3A = arith.constant 0 : i32
        %cond3A_164 = arith.cmpi ne, %convert_element_type3A, %cond3A : i32
        scf.if %cond3A_164 {
          "tpu.trace_start"() <{level = 10 : i32, message = "ep_copy_in"}> : () -> ()
          %rem3A_277 = arith.constant 2 : i32
          %rem3A_278 = arith.remui %scan3A_122, %rem3A_277 : i32
          %mul3A_279 = arith.constant 4 : i32
          %mul3A_280 = arith.muli %mul3A_279, %add3A_149 : i32
          %dma_start3A_281 = arith.constant 0 : i32
          %dma_start3A_282 = arith.constant 0 : i32
          %dma_start3A_283 = tpu.memref_slice %run_scoped3A[%rem3A_278, %dma_start3A_281, %dma_start3A_282] : memref<2x4x32xi32, #tpu.memory_space<vmem>> -> memref<1x4x32xi32, #tpu.memory_space<vmem>>
          %dma_start3A_284 = tpu.memref_squeeze %dma_start3A_283 : memref<1x4x32xi32, #tpu.memory_space<vmem>> -> memref<4x32xi32, #tpu.memory_space<vmem>>
          %dma_start3A_285 = arith.constant 0 : i32
          %dma_start3A_286 = tpu.memref_slice %arg3[%mul3A_280, %dma_start3A_285] : memref<1024x32xi32, #tpu.memory_space<hbm>> -> memref<4x32xi32, #tpu.memory_space<hbm>>
          %dma_start3A_287 = tpu.memref_slice %run_scoped3A_7[%rem3A_278] : memref<2x!tpu.dma_semaphore, #tpu.memory_space<semaphore_mem>> -> memref<1x!tpu.dma_semaphore, #tpu.memory_space<semaphore_mem>>
          %dma_start3A_288 = tpu.memref_squeeze %dma_start3A_287 : memref<1x!tpu.dma_semaphore, #tpu.memory_space<semaphore_mem>> -> memref<!tpu.dma_semaphore, #tpu.memory_space<semaphore_mem>>
          %dma_start3A_289 = arith.constant 0 : i32
          %dma_start3A_290 = arith.constant 0 : i32
          %dma_start3A_291 = tpu.memref_slice %run_scoped3A[%rem3A_278, %dma_start3A_289, %dma_start3A_290] : memref<2x4x32xi32, #tpu.memory_space<vmem>> -> memref<1x4x32xi32, #tpu.memory_space<vmem>>
          %dma_start3A_292 = tpu.memref_squeeze %dma_start3A_291 : memref<1x4x32xi32, #tpu.memory_space<vmem>> -> memref<4x32xi32, #tpu.memory_space<vmem>>
          %dma_start3A_293 = arith.constant 0 : i32
          %dma_start3A_294 = tpu.memref_slice %arg3[%mul3A_280, %dma_start3A_293] : memref<1024x32xi32, #tpu.memory_space<hbm>> -> memref<4x32xi32, #tpu.memory_space<hbm>>
          tpu.enqueue_dma source(%dma_start3A_294 : memref<4x32xi32, #tpu.memory_space<hbm>>) target(%dma_start3A_292 : memref<4x32xi32, #tpu.memory_space<vmem>>) target_semaphore(%dma_start3A_288 : memref<!tpu.dma_semaphore, #tpu.memory_space<semaphore_mem>>)
          "tpu.trace_stop"() : () -> ()
        } else {
        }
        %and3A_165 = arith.constant true
        %and3A_166 = arith.andi %and3A, %and3A_165 : i1
        %add3A_167 = arith.constant 1 : i32
        %add3A_168 = arith.addi %scan3A_122, %add3A_167 : i32
        %select_n3A_169 = arith.select %and3A_166, %add3A_168, %scan3A_122 : i32
        %ne3A_170 = arith.cmpi ne, %add3A_131, %add3A_149 : i32
        %or3A_171 = arith.constant false
        %or3A_172 = arith.ori %or3A_171, %ne3A_170 : i1
        %or3A_173 = arith.constant false
        %or3A_174 = arith.ori %or3A_172, %or3A_173 : i1
        %ge3A_175 = arith.constant 7 : i32
        %ge3A_176 = arith.cmpi sge, %scan3A_121, %ge3A_175 : i32
        %not3A_177 = arith.constant true
        %not3A_178 = arith.xori %ge3A_176, %not3A_177 : i1
        %and3A_179 = arith.andi %or3A_174, %not3A_178 : i1
        %ne3A_180 = arith.cmpi ne, %add3A_131, %add3A_140 : i32
        %or3A_181 = arith.constant false
        %or3A_182 = arith.ori %or3A_181, %ne3A_180 : i1
        %or3A_183 = arith.constant false
        %or3A_184 = arith.ori %or3A_182, %or3A_183 : i1
        %or3A_185 = arith.ori %or3A_184, %eq3A_128 : i1
        %convert_element_type3A_186 = arith.extui %or3A_185 : i1 to i32
        %cond3A_187 = arith.constant 0 : i32
        %cond3A_188 = arith.cmpi ne, %convert_element_type3A_186, %cond3A_187 : i32
        scf.if %cond3A_188 {
          "tpu.trace_start"() <{level = 10 : i32, message = "ep_wait_in"}> : () -> ()
          %mul3A_277 = arith.constant 4 : i32
          %mul3A_278 = arith.muli %mul3A_277, %add3A_131 : i32
          %rem3A_279 = arith.constant 2 : i32
          %rem3A_280 = arith.remui %scan3A_123, %rem3A_279 : i32
          %dma_wait3A_281 = arith.constant 0 : i32
          %dma_wait3A_282 = arith.constant 0 : i32
          %dma_wait3A_283 = tpu.memref_slice %run_scoped3A[%rem3A_280, %dma_wait3A_281, %dma_wait3A_282] : memref<2x4x32xi32, #tpu.memory_space<vmem>> -> memref<1x4x32xi32, #tpu.memory_space<vmem>>
          %dma_wait3A_284 = tpu.memref_squeeze %dma_wait3A_283 : memref<1x4x32xi32, #tpu.memory_space<vmem>> -> memref<4x32xi32, #tpu.memory_space<vmem>>
          %dma_wait3A_285 = arith.constant 0 : i32
          %dma_wait3A_286 = tpu.memref_slice %arg3[%mul3A_278, %dma_wait3A_285] : memref<1024x32xi32, #tpu.memory_space<hbm>> -> memref<4x32xi32, #tpu.memory_space<hbm>>
          %dma_wait3A_287 = tpu.memref_slice %run_scoped3A_7[%rem3A_280] : memref<2x!tpu.dma_semaphore, #tpu.memory_space<semaphore_mem>> -> memref<1x!tpu.dma_semaphore, #tpu.memory_space<semaphore_mem>>
          %dma_wait3A_288 = tpu.memref_squeeze %dma_wait3A_287 : memref<1x!tpu.dma_semaphore, #tpu.memory_space<semaphore_mem>> -> memref<!tpu.dma_semaphore, #tpu.memory_space<semaphore_mem>>
          %dma_wait3A_289 = arith.constant 0 : i32
          %dma_wait3A_290 = arith.constant 0 : i32
          %dma_wait3A_291 = tpu.memref_slice %run_scoped3A[%rem3A_280, %dma_wait3A_289, %dma_wait3A_290] : memref<2x4x32xi32, #tpu.memory_space<vmem>> -> memref<1x4x32xi32, #tpu.memory_space<vmem>>
          %dma_wait3A_292 = tpu.memref_squeeze %dma_wait3A_291 : memref<1x4x32xi32, #tpu.memory_space<vmem>> -> memref<4x32xi32, #tpu.memory_space<vmem>>
          %dma_wait3A_293 = arith.constant 0 : i32
          %dma_wait3A_294 = tpu.memref_slice %arg3[%mul3A_278, %dma_wait3A_293] : memref<1024x32xi32, #tpu.memory_space<hbm>> -> memref<4x32xi32, #tpu.memory_space<hbm>>
          tpu.wait_dma2 semaphore(%dma_wait3A_288 : memref<!tpu.dma_semaphore, #tpu.memory_space<semaphore_mem>>) src(%dma_wait3A_294 : memref<4x32xi32, #tpu.memory_space<hbm>>) dst(%dma_wait3A_292 : memref<4x32xi32, #tpu.memory_space<vmem>>)
          "tpu.trace_stop"() : () -> ()
        } else {
        }
        %ne3A_189 = arith.cmpi ne, %add3A_131, %add3A_140 : i32
        %or3A_190 = arith.constant false
        %or3A_191 = arith.ori %or3A_190, %ne3A_189 : i1
        %or3A_192 = arith.constant false
        %or3A_193 = arith.ori %or3A_191, %or3A_192 : i1
        %or3A_194 = arith.ori %or3A_193, %eq3A_128 : i1
        %convert_element_type3A_195 = arith.extui %or3A_194 : i1 to i32
        %cond3A_196 = arith.constant 0 : i32
        %cond3A_197 = arith.cmpi ne, %convert_element_type3A_195, %cond3A_196 : i32
        scf.if %cond3A_197 {
        } else {
        }
        %rem3A_198 = arith.constant 2 : i32
        %rem3A_199 = arith.remui %scan3A_123, %rem3A_198 : i32
        %rem3A_200 = arith.constant 2 : i32
        %rem3A_201 = arith.remui %scan3A_124, %rem3A_200 : i32
        %run_scoped3A_202 = arith.constant 0 : i32
        "tpu.trace_start"() <{level = 10 : i32, message = "ep_run_kernel"}> : () -> ()
        "tpu.region"() ({
          %run_scoped3A_277 = tpu.sem_alloc : memref<!tpu.dma_semaphore, #tpu.memory_space<semaphore_mem>>
          %dma_start3A_278 = arith.constant 0 : i32
          %dma_start3A_279 = arith.constant 0 : i32
          %dma_start3A_280 = tpu.memref_slice %run_scoped3A_8[%rem3A_201, %dma_start3A_278, %dma_start3A_279] : memref<2x128x128xf32, #tpu.memory_space<vmem>> -> memref<1x128x128xf32, #tpu.memory_space<vmem>>
          %dma_start3A_281 = tpu.memref_squeeze %dma_start3A_280 : memref<1x128x128xf32, #tpu.memory_space<vmem>> -> memref<128x128xf32, #tpu.memory_space<vmem>>
          %dma_start3A_282 = arith.constant 0 : i32
          %dma_start3A_283 = arith.constant 0 : i32
          %dma_start3A_284 = tpu.memref_slice %dma_start3A_281[%dma_start3A_282, %dma_start3A_283] : memref<128x128xf32, #tpu.memory_space<vmem>> -> memref<32x128xf32, #tpu.memory_space<vmem>>
          %dma_start3A_285 = arith.constant 0 : i32
          %dma_start3A_286 = arith.constant 0 : i32
          %dma_start3A_287 = tpu.memref_slice %run_scoped3A[%rem3A_199, %dma_start3A_285, %dma_start3A_286] : memref<2x4x32xi32, #tpu.memory_space<vmem>> -> memref<1x4x32xi32, #tpu.memory_space<vmem>>
          %dma_start3A_288 = tpu.memref_squeeze %dma_start3A_287 : memref<1x4x32xi32, #tpu.memory_space<vmem>> -> memref<4x32xi32, #tpu.memory_space<vmem>>
          %dma_start3A_289 = arith.constant 0 : i32
          %dma_start3A_290 = tpu.memref_slice %dma_start3A_288[%run_scoped3A_202, %dma_start3A_289] : memref<4x32xi32, #tpu.memory_space<vmem>> -> memref<1x32xi32, #tpu.memory_space<vmem>>
          %dma_start3A_291 = tpu.memref_squeeze %dma_start3A_290 : memref<1x32xi32, #tpu.memory_space<vmem>> -> memref<32xi32, #tpu.memory_space<vmem>>
          %dma_start3A_292 = arith.constant 0 : i32
          %dma_start3A_293 = arith.constant 0 : i32
          %dma_start3A_294 = tpu.memref_slice %arg2[%dma_start3A_292, %dma_start3A_293] : memref<1024x128xf32, #tpu.memory_space<hbm>> -> memref<1024x128xf32, #tpu.memory_space<hbm>>
          tpu.enqueue_indirect_dma source(%dma_start3A_294 : memref<1024x128xf32, #tpu.memory_space<hbm>>) target(%dma_start3A_284 : memref<32x128xf32, #tpu.memory_space<vmem>>) offsets(%dma_start3A_291 : memref<32xi32, #tpu.memory_space<vmem>>) semaphore(%run_scoped3A_277 : memref<!tpu.dma_semaphore, #tpu.memory_space<semaphore_mem>>)
          %dma_wait3A_295 = arith.constant 0 : i32
          %dma_wait3A_296 = arith.constant 0 : i32
          %dma_wait3A_297 = tpu.memref_slice %run_scoped3A_8[%rem3A_201, %dma_wait3A_295, %dma_wait3A_296] : memref<2x128x128xf32, #tpu.memory_space<vmem>> -> memref<1x128x128xf32, #tpu.memory_space<vmem>>
          %dma_wait3A_298 = tpu.memref_squeeze %dma_wait3A_297 : memref<1x128x128xf32, #tpu.memory_space<vmem>> -> memref<128x128xf32, #tpu.memory_space<vmem>>
          %dma_wait3A_299 = arith.constant 0 : i32
          %dma_wait3A_300 = arith.constant 0 : i32
          %dma_wait3A_301 = tpu.memref_slice %dma_wait3A_298[%dma_wait3A_299, %dma_wait3A_300] : memref<128x128xf32, #tpu.memory_space<vmem>> -> memref<32x128xf32, #tpu.memory_space<vmem>>
          %dma_wait3A_302 = arith.constant 0 : i32
          %dma_wait3A_303 = arith.constant 0 : i32
          %dma_wait3A_304 = tpu.memref_slice %run_scoped3A[%rem3A_199, %dma_wait3A_302, %dma_wait3A_303] : memref<2x4x32xi32, #tpu.memory_space<vmem>> -> memref<1x4x32xi32, #tpu.memory_space<vmem>>
          %dma_wait3A_305 = tpu.memref_squeeze %dma_wait3A_304 : memref<1x4x32xi32, #tpu.memory_space<vmem>> -> memref<4x32xi32, #tpu.memory_space<vmem>>
          %dma_wait3A_306 = arith.constant 0 : i32
          %dma_wait3A_307 = tpu.memref_slice %dma_wait3A_305[%run_scoped3A_202, %dma_wait3A_306] : memref<4x32xi32, #tpu.memory_space<vmem>> -> memref<1x32xi32, #tpu.memory_space<vmem>>
          %dma_wait3A_308 = tpu.memref_squeeze %dma_wait3A_307 : memref<1x32xi32, #tpu.memory_space<vmem>> -> memref<32xi32, #tpu.memory_space<vmem>>
          %dma_wait3A_309 = arith.constant 0 : i32
          %dma_wait3A_310 = arith.constant 0 : i32
          %dma_wait3A_311 = tpu.memref_slice %arg2[%dma_wait3A_309, %dma_wait3A_310] : memref<1024x128xf32, #tpu.memory_space<hbm>> -> memref<1024x128xf32, #tpu.memory_space<hbm>>
          tpu.wait_indirect_dma semaphore(%run_scoped3A_277 : memref<!tpu.dma_semaphore, #tpu.memory_space<semaphore_mem>>) src(%dma_wait3A_311 : memref<1024x128xf32, #tpu.memory_space<hbm>>) dst(%dma_wait3A_301 : memref<32x128xf32, #tpu.memory_space<vmem>>)
          tpu.yield
        }) : () -> ()
        %run_scoped3A_203 = arith.constant 1 : i32
        "tpu.region"() ({
          %run_scoped3A_277 = tpu.sem_alloc : memref<!tpu.dma_semaphore, #tpu.memory_space<semaphore_mem>>
          %dma_start3A_278 = arith.constant 0 : i32
          %dma_start3A_279 = arith.constant 0 : i32
          %dma_start3A_280 = tpu.memref_slice %run_scoped3A_8[%rem3A_201, %dma_start3A_278, %dma_start3A_279] : memref<2x128x128xf32, #tpu.memory_space<vmem>> -> memref<1x128x128xf32, #tpu.memory_space<vmem>>
          %dma_start3A_281 = tpu.memref_squeeze %dma_start3A_280 : memref<1x128x128xf32, #tpu.memory_space<vmem>> -> memref<128x128xf32, #tpu.memory_space<vmem>>
          %dma_start3A_282 = arith.constant 32 : i32
          %dma_start3A_283 = arith.constant 0 : i32
          %dma_start3A_284 = tpu.memref_slice %dma_start3A_281[%dma_start3A_282, %dma_start3A_283] : memref<128x128xf32, #tpu.memory_space<vmem>> -> memref<32x128xf32, #tpu.memory_space<vmem>>
          %dma_start3A_285 = arith.constant 0 : i32
          %dma_start3A_286 = arith.constant 0 : i32
          %dma_start3A_287 = tpu.memref_slice %run_scoped3A[%rem3A_199, %dma_start3A_285, %dma_start3A_286] : memref<2x4x32xi32, #tpu.memory_space<vmem>> -> memref<1x4x32xi32, #tpu.memory_space<vmem>>
          %dma_start3A_288 = tpu.memref_squeeze %dma_start3A_287 : memref<1x4x32xi32, #tpu.memory_space<vmem>> -> memref<4x32xi32, #tpu.memory_space<vmem>>
          %dma_start3A_289 = arith.constant 0 : i32
          %dma_start3A_290 = tpu.memref_slice %dma_start3A_288[%run_scoped3A_203, %dma_start3A_289] : memref<4x32xi32, #tpu.memory_space<vmem>> -> memref<1x32xi32, #tpu.memory_space<vmem>>
          %dma_start3A_291 = tpu.memref_squeeze %dma_start3A_290 : memref<1x32xi32, #tpu.memory_space<vmem>> -> memref<32xi32, #tpu.memory_space<vmem>>
          %dma_start3A_292 = arith.constant 0 : i32
          %dma_start3A_293 = arith.constant 0 : i32
          %dma_start3A_294 = tpu.memref_slice %arg2[%dma_start3A_292, %dma_start3A_293] : memref<1024x128xf32, #tpu.memory_space<hbm>> -> memref<1024x128xf32, #tpu.memory_space<hbm>>
          tpu.enqueue_indirect_dma source(%dma_start3A_294 : memref<1024x128xf32, #tpu.memory_space<hbm>>) target(%dma_start3A_284 : memref<32x128xf32, #tpu.memory_space<vmem>>) offsets(%dma_start3A_291 : memref<32xi32, #tpu.memory_space<vmem>>) semaphore(%run_scoped3A_277 : memref<!tpu.dma_semaphore, #tpu.memory_space<semaphore_mem>>)
          %dma_wait3A_295 = arith.constant 0 : i32
          %dma_wait3A_296 = arith.constant 0 : i32
          %dma_wait3A_297 = tpu.memref_slice %run_scoped3A_8[%rem3A_201, %dma_wait3A_295, %dma_wait3A_296] : memref<2x128x128xf32, #tpu.memory_space<vmem>> -> memref<1x128x128xf32, #tpu.memory_space<vmem>>
          %dma_wait3A_298 = tpu.memref_squeeze %dma_wait3A_297 : memref<1x128x128xf32, #tpu.memory_space<vmem>> -> memref<128x128xf32, #tpu.memory_space<vmem>>
          %dma_wait3A_299 = arith.constant 32 : i32
          %dma_wait3A_300 = arith.constant 0 : i32
          %dma_wait3A_301 = tpu.memref_slice %dma_wait3A_298[%dma_wait3A_299, %dma_wait3A_300] : memref<128x128xf32, #tpu.memory_space<vmem>> -> memref<32x128xf32, #tpu.memory_space<vmem>>
          %dma_wait3A_302 = arith.constant 0 : i32
          %dma_wait3A_303 = arith.constant 0 : i32
          %dma_wait3A_304 = tpu.memref_slice %run_scoped3A[%rem3A_199, %dma_wait3A_302, %dma_wait3A_303] : memref<2x4x32xi32, #tpu.memory_space<vmem>> -> memref<1x4x32xi32, #tpu.memory_space<vmem>>
          %dma_wait3A_305 = tpu.memref_squeeze %dma_wait3A_304 : memref<1x4x32xi32, #tpu.memory_space<vmem>> -> memref<4x32xi32, #tpu.memory_space<vmem>>
          %dma_wait3A_306 = arith.constant 0 : i32
          %dma_wait3A_307 = tpu.memref_slice %dma_wait3A_305[%run_scoped3A_203, %dma_wait3A_306] : memref<4x32xi32, #tpu.memory_space<vmem>> -> memref<1x32xi32, #tpu.memory_space<vmem>>
          %dma_wait3A_308 = tpu.memref_squeeze %dma_wait3A_307 : memref<1x32xi32, #tpu.memory_space<vmem>> -> memref<32xi32, #tpu.memory_space<vmem>>
          %dma_wait3A_309 = arith.constant 0 : i32
          %dma_wait3A_310 = arith.constant 0 : i32
          %dma_wait3A_311 = tpu.memref_slice %arg2[%dma_wait3A_309, %dma_wait3A_310] : memref<1024x128xf32, #tpu.memory_space<hbm>> -> memref<1024x128xf32, #tpu.memory_space<hbm>>
          tpu.wait_indirect_dma semaphore(%run_scoped3A_277 : memref<!tpu.dma_semaphore, #tpu.memory_space<semaphore_mem>>) src(%dma_wait3A_311 : memref<1024x128xf32, #tpu.memory_space<hbm>>) dst(%dma_wait3A_301 : memref<32x128xf32, #tpu.memory_space<vmem>>)
          tpu.yield
        }) : () -> ()
        %run_scoped3A_204 = arith.constant 2 : i32
        "tpu.region"() ({
          %run_scoped3A_277 = tpu.sem_alloc : memref<!tpu.dma_semaphore, #tpu.memory_space<semaphore_mem>>
          %dma_start3A_278 = arith.constant 0 : i32
          %dma_start3A_279 = arith.constant 0 : i32
          %dma_start3A_280 = tpu.memref_slice %run_scoped3A_8[%rem3A_201, %dma_start3A_278, %dma_start3A_279] : memref<2x128x128xf32, #tpu.memory_space<vmem>> -> memref<1x128x128xf32, #tpu.memory_space<vmem>>
          %dma_start3A_281 = tpu.memref_squeeze %dma_start3A_280 : memref<1x128x128xf32, #tpu.memory_space<vmem>> -> memref<128x128xf32, #tpu.memory_space<vmem>>
          %dma_start3A_282 = arith.constant 64 : i32
          %dma_start3A_283 = arith.constant 0 : i32
          %dma_start3A_284 = tpu.memref_slice %dma_start3A_281[%dma_start3A_282, %dma_start3A_283] : memref<128x128xf32, #tpu.memory_space<vmem>> -> memref<32x128xf32, #tpu.memory_space<vmem>>
          %dma_start3A_285 = arith.constant 0 : i32
          %dma_start3A_286 = arith.constant 0 : i32
          %dma_start3A_287 = tpu.memref_slice %run_scoped3A[%rem3A_199, %dma_start3A_285, %dma_start3A_286] : memref<2x4x32xi32, #tpu.memory_space<vmem>> -> memref<1x4x32xi32, #tpu.memory_space<vmem>>
          %dma_start3A_288 = tpu.memref_squeeze %dma_start3A_287 : memref<1x4x32xi32, #tpu.memory_space<vmem>> -> memref<4x32xi32, #tpu.memory_space<vmem>>
          %dma_start3A_289 = arith.constant 0 : i32
          %dma_start3A_290 = tpu.memref_slice %dma_start3A_288[%run_scoped3A_204, %dma_start3A_289] : memref<4x32xi32, #tpu.memory_space<vmem>> -> memref<1x32xi32, #tpu.memory_space<vmem>>
          %dma_start3A_291 = tpu.memref_squeeze %dma_start3A_290 : memref<1x32xi32, #tpu.memory_space<vmem>> -> memref<32xi32, #tpu.memory_space<vmem>>
          %dma_start3A_292 = arith.constant 0 : i32
          %dma_start3A_293 = arith.constant 0 : i32
          %dma_start3A_294 = tpu.memref_slice %arg2[%dma_start3A_292, %dma_start3A_293] : memref<1024x128xf32, #tpu.memory_space<hbm>> -> memref<1024x128xf32, #tpu.memory_space<hbm>>
          tpu.enqueue_indirect_dma source(%dma_start3A_294 : memref<1024x128xf32, #tpu.memory_space<hbm>>) target(%dma_start3A_284 : memref<32x128xf32, #tpu.memory_space<vmem>>) offsets(%dma_start3A_291 : memref<32xi32, #tpu.memory_space<vmem>>) semaphore(%run_scoped3A_277 : memref<!tpu.dma_semaphore, #tpu.memory_space<semaphore_mem>>)
          %dma_wait3A_295 = arith.constant 0 : i32
          %dma_wait3A_296 = arith.constant 0 : i32
          %dma_wait3A_297 = tpu.memref_slice %run_scoped3A_8[%rem3A_201, %dma_wait3A_295, %dma_wait3A_296] : memref<2x128x128xf32, #tpu.memory_space<vmem>> -> memref<1x128x128xf32, #tpu.memory_space<vmem>>
          %dma_wait3A_298 = tpu.memref_squeeze %dma_wait3A_297 : memref<1x128x128xf32, #tpu.memory_space<vmem>> -> memref<128x128xf32, #tpu.memory_space<vmem>>
          %dma_wait3A_299 = arith.constant 64 : i32
          %dma_wait3A_300 = arith.constant 0 : i32
          %dma_wait3A_301 = tpu.memref_slice %dma_wait3A_298[%dma_wait3A_299, %dma_wait3A_300] : memref<128x128xf32, #tpu.memory_space<vmem>> -> memref<32x128xf32, #tpu.memory_space<vmem>>
          %dma_wait3A_302 = arith.constant 0 : i32
          %dma_wait3A_303 = arith.constant 0 : i32
          %dma_wait3A_304 = tpu.memref_slice %run_scoped3A[%rem3A_199, %dma_wait3A_302, %dma_wait3A_303] : memref<2x4x32xi32, #tpu.memory_space<vmem>> -> memref<1x4x32xi32, #tpu.memory_space<vmem>>
          %dma_wait3A_305 = tpu.memref_squeeze %dma_wait3A_304 : memref<1x4x32xi32, #tpu.memory_space<vmem>> -> memref<4x32xi32, #tpu.memory_space<vmem>>
          %dma_wait3A_306 = arith.constant 0 : i32
          %dma_wait3A_307 = tpu.memref_slice %dma_wait3A_305[%run_scoped3A_204, %dma_wait3A_306] : memref<4x32xi32, #tpu.memory_space<vmem>> -> memref<1x32xi32, #tpu.memory_space<vmem>>
          %dma_wait3A_308 = tpu.memref_squeeze %dma_wait3A_307 : memref<1x32xi32, #tpu.memory_space<vmem>> -> memref<32xi32, #tpu.memory_space<vmem>>
          %dma_wait3A_309 = arith.constant 0 : i32
          %dma_wait3A_310 = arith.constant 0 : i32
          %dma_wait3A_311 = tpu.memref_slice %arg2[%dma_wait3A_309, %dma_wait3A_310] : memref<1024x128xf32, #tpu.memory_space<hbm>> -> memref<1024x128xf32, #tpu.memory_space<hbm>>
          tpu.wait_indirect_dma semaphore(%run_scoped3A_277 : memref<!tpu.dma_semaphore, #tpu.memory_space<semaphore_mem>>) src(%dma_wait3A_311 : memref<1024x128xf32, #tpu.memory_space<hbm>>) dst(%dma_wait3A_301 : memref<32x128xf32, #tpu.memory_space<vmem>>)
          tpu.yield
        }) : () -> ()
        %run_scoped3A_205 = arith.constant 3 : i32
        "tpu.region"() ({
          %run_scoped3A_277 = tpu.sem_alloc : memref<!tpu.dma_semaphore, #tpu.memory_space<semaphore_mem>>
          %dma_start3A_278 = arith.constant 0 : i32
          %dma_start3A_279 = arith.constant 0 : i32
          %dma_start3A_280 = tpu.memref_slice %run_scoped3A_8[%rem3A_201, %dma_start3A_278, %dma_start3A_279] : memref<2x128x128xf32, #tpu.memory_space<vmem>> -> memref<1x128x128xf32, #tpu.memory_space<vmem>>
          %dma_start3A_281 = tpu.memref_squeeze %dma_start3A_280 : memref<1x128x128xf32, #tpu.memory_space<vmem>> -> memref<128x128xf32, #tpu.memory_space<vmem>>
          %dma_start3A_282 = arith.constant 96 : i32
          %dma_start3A_283 = arith.constant 0 : i32
          %dma_start3A_284 = tpu.memref_slice %dma_start3A_281[%dma_start3A_282, %dma_start3A_283] : memref<128x128xf32, #tpu.memory_space<vmem>> -> memref<32x128xf32, #tpu.memory_space<vmem>>
          %dma_start3A_285 = arith.constant 0 : i32
          %dma_start3A_286 = arith.constant 0 : i32
          %dma_start3A_287 = tpu.memref_slice %run_scoped3A[%rem3A_199, %dma_start3A_285, %dma_start3A_286] : memref<2x4x32xi32, #tpu.memory_space<vmem>> -> memref<1x4x32xi32, #tpu.memory_space<vmem>>
          %dma_start3A_288 = tpu.memref_squeeze %dma_start3A_287 : memref<1x4x32xi32, #tpu.memory_space<vmem>> -> memref<4x32xi32, #tpu.memory_space<vmem>>
          %dma_start3A_289 = arith.constant 0 : i32
          %dma_start3A_290 = tpu.memref_slice %dma_start3A_288[%run_scoped3A_205, %dma_start3A_289] : memref<4x32xi32, #tpu.memory_space<vmem>> -> memref<1x32xi32, #tpu.memory_space<vmem>>
          %dma_start3A_291 = tpu.memref_squeeze %dma_start3A_290 : memref<1x32xi32, #tpu.memory_space<vmem>> -> memref<32xi32, #tpu.memory_space<vmem>>
          %dma_start3A_292 = arith.constant 0 : i32
          %dma_start3A_293 = arith.constant 0 : i32
          %dma_start3A_294 = tpu.memref_slice %arg2[%dma_start3A_292, %dma_start3A_293] : memref<1024x128xf32, #tpu.memory_space<hbm>> -> memref<1024x128xf32, #tpu.memory_space<hbm>>
          tpu.enqueue_indirect_dma source(%dma_start3A_294 : memref<1024x128xf32, #tpu.memory_space<hbm>>) target(%dma_start3A_284 : memref<32x128xf32, #tpu.memory_space<vmem>>) offsets(%dma_start3A_291 : memref<32xi32, #tpu.memory_space<vmem>>) semaphore(%run_scoped3A_277 : memref<!tpu.dma_semaphore, #tpu.memory_space<semaphore_mem>>)
          %dma_wait3A_295 = arith.constant 0 : i32
          %dma_wait3A_296 = arith.constant 0 : i32
          %dma_wait3A_297 = tpu.memref_slice %run_scoped3A_8[%rem3A_201, %dma_wait3A_295, %dma_wait3A_296] : memref<2x128x128xf32, #tpu.memory_space<vmem>> -> memref<1x128x128xf32, #tpu.memory_space<vmem>>
          %dma_wait3A_298 = tpu.memref_squeeze %dma_wait3A_297 : memref<1x128x128xf32, #tpu.memory_space<vmem>> -> memref<128x128xf32, #tpu.memory_space<vmem>>
          %dma_wait3A_299 = arith.constant 96 : i32
          %dma_wait3A_300 = arith.constant 0 : i32
          %dma_wait3A_301 = tpu.memref_slice %dma_wait3A_298[%dma_wait3A_299, %dma_wait3A_300] : memref<128x128xf32, #tpu.memory_space<vmem>> -> memref<32x128xf32, #tpu.memory_space<vmem>>
          %dma_wait3A_302 = arith.constant 0 : i32
          %dma_wait3A_303 = arith.constant 0 : i32
          %dma_wait3A_304 = tpu.memref_slice %run_scoped3A[%rem3A_199, %dma_wait3A_302, %dma_wait3A_303] : memref<2x4x32xi32, #tpu.memory_space<vmem>> -> memref<1x4x32xi32, #tpu.memory_space<vmem>>
          %dma_wait3A_305 = tpu.memref_squeeze %dma_wait3A_304 : memref<1x4x32xi32, #tpu.memory_space<vmem>> -> memref<4x32xi32, #tpu.memory_space<vmem>>
          %dma_wait3A_306 = arith.constant 0 : i32
          %dma_wait3A_307 = tpu.memref_slice %dma_wait3A_305[%run_scoped3A_205, %dma_wait3A_306] : memref<4x32xi32, #tpu.memory_space<vmem>> -> memref<1x32xi32, #tpu.memory_space<vmem>>
          %dma_wait3A_308 = tpu.memref_squeeze %dma_wait3A_307 : memref<1x32xi32, #tpu.memory_space<vmem>> -> memref<32xi32, #tpu.memory_space<vmem>>
          %dma_wait3A_309 = arith.constant 0 : i32
          %dma_wait3A_310 = arith.constant 0 : i32
          %dma_wait3A_311 = tpu.memref_slice %arg2[%dma_wait3A_309, %dma_wait3A_310] : memref<1024x128xf32, #tpu.memory_space<hbm>> -> memref<1024x128xf32, #tpu.memory_space<hbm>>
          tpu.wait_indirect_dma semaphore(%run_scoped3A_277 : memref<!tpu.dma_semaphore, #tpu.memory_space<semaphore_mem>>) src(%dma_wait3A_311 : memref<1024x128xf32, #tpu.memory_space<hbm>>) dst(%dma_wait3A_301 : memref<32x128xf32, #tpu.memory_space<vmem>>)
          tpu.yield
        }) : () -> ()
        "tpu.trace_stop"() : () -> ()
        %ne3A_206 = arith.cmpi ne, %add3A_131, %add3A_149 : i32
        %or3A_207 = arith.constant false
        %or3A_208 = arith.ori %or3A_207, %ne3A_206 : i1
        %or3A_209 = arith.constant false
        %or3A_210 = arith.ori %or3A_208, %or3A_209 : i1
        %or3A_211 = arith.ori %or3A_210, %eq3A_130 : i1
        %convert_element_type3A_212 = arith.extui %or3A_211 : i1 to i32
        %cond3A_213 = arith.constant 0 : i32
        %cond3A_214 = arith.cmpi ne, %convert_element_type3A_212, %cond3A_213 : i32
        scf.if %cond3A_214 {
        } else {
        }
        %and3A_215 = arith.constant false
        %and3A_216 = arith.andi %or3A_211, %and3A_215 : i1
        %ne3A_217 = arith.cmpi ne, %add3A_131, %add3A_149 : i32
        %or3A_218 = arith.constant false
        %or3A_219 = arith.ori %or3A_218, %ne3A_217 : i1
        %or3A_220 = arith.constant false
        %or3A_221 = arith.ori %or3A_219, %or3A_220 : i1
        %or3A_222 = arith.ori %or3A_221, %eq3A_130 : i1
        %convert_element_type3A_223 = arith.extui %or3A_222 : i1 to i32
        %cond3A_224 = arith.constant 0 : i32
        %cond3A_225 = arith.cmpi ne, %convert_element_type3A_223, %cond3A_224 : i32
        scf.if %cond3A_225 {
          "tpu.trace_start"() <{level = 10 : i32, message = "ep_copy_out"}> : () -> ()
          %rem3A_277 = arith.constant 2 : i32
          %rem3A_278 = arith.remui %scan3A_124, %rem3A_277 : i32
          %mul3A_279 = arith.constant 128 : i32
          %mul3A_280 = arith.muli %mul3A_279, %add3A_131 : i32
          %dma_start3A_281 = arith.constant 0 : i32
          %dma_start3A_282 = arith.constant 0 : i32
          %dma_start3A_283 = tpu.memref_slice %run_scoped3A_8[%rem3A_278, %dma_start3A_281, %dma_start3A_282] : memref<2x128x128xf32, #tpu.memory_space<vmem>> -> memref<1x128x128xf32, #tpu.memory_space<vmem>>
          %dma_start3A_284 = tpu.memref_squeeze %dma_start3A_283 : memref<1x128x128xf32, #tpu.memory_space<vmem>> -> memref<128x128xf32, #tpu.memory_space<vmem>>
          %dma_start3A_285 = arith.constant 0 : i32
          %dma_start3A_286 = tpu.memref_slice %arg4[%mul3A_280, %dma_start3A_285] : memref<32768x128xf32, #tpu.memory_space<hbm>> -> memref<128x128xf32, #tpu.memory_space<hbm>>
          %dma_start3A_287 = tpu.memref_slice %run_scoped3A_9[%rem3A_278] : memref<2x!tpu.dma_semaphore, #tpu.memory_space<semaphore_mem>> -> memref<1x!tpu.dma_semaphore, #tpu.memory_space<semaphore_mem>>
          %dma_start3A_288 = tpu.memref_squeeze %dma_start3A_287 : memref<1x!tpu.dma_semaphore, #tpu.memory_space<semaphore_mem>> -> memref<!tpu.dma_semaphore, #tpu.memory_space<semaphore_mem>>
          %dma_start3A_289 = arith.constant 0 : i32
          %dma_start3A_290 = tpu.memref_slice %arg4[%mul3A_280, %dma_start3A_289] : memref<32768x128xf32, #tpu.memory_space<hbm>> -> memref<128x128xf32, #tpu.memory_space<hbm>>
          %dma_start3A_291 = arith.constant 0 : i32
          %dma_start3A_292 = arith.constant 0 : i32
          %dma_start3A_293 = tpu.memref_slice %run_scoped3A_8[%rem3A_278, %dma_start3A_291, %dma_start3A_292] : memref<2x128x128xf32, #tpu.memory_space<vmem>> -> memref<1x128x128xf32, #tpu.memory_space<vmem>>
          %dma_start3A_294 = tpu.memref_squeeze %dma_start3A_293 : memref<1x128x128xf32, #tpu.memory_space<vmem>> -> memref<128x128xf32, #tpu.memory_space<vmem>>
          tpu.enqueue_dma source(%dma_start3A_294 : memref<128x128xf32, #tpu.memory_space<vmem>>) target(%dma_start3A_290 : memref<128x128xf32, #tpu.memory_space<hbm>>) target_semaphore(%dma_start3A_288 : memref<!tpu.dma_semaphore, #tpu.memory_space<semaphore_mem>>)
          "tpu.trace_stop"() : () -> ()
        } else {
        }
        %and3A_226 = arith.constant true
        %and3A_227 = arith.andi %or3A_222, %and3A_226 : i1
        %add3A_228 = arith.constant 1 : i32
        %add3A_229 = arith.addi %scan3A_124, %add3A_228 : i32
        %select_n3A_230 = arith.select %and3A_227, %add3A_229, %scan3A_124 : i32
        %ne3A_231 = arith.cmpi ne, %add3A_131, %add3A_140 : i32
        %or3A_232 = arith.constant false
        %or3A_233 = arith.ori %or3A_232, %ne3A_231 : i1
        %or3A_234 = arith.constant false
        %or3A_235 = arith.ori %or3A_233, %or3A_234 : i1
        %not3A_236 = arith.constant true
        %not3A_237 = arith.xori %eq3A_128, %not3A_236 : i1
        %and3A_238 = arith.andi %or3A_235, %not3A_237 : i1
        %convert_element_type3A_239 = arith.extui %and3A_238 : i1 to i32
        %cond3A_240 = arith.constant 0 : i32
        %cond3A_241 = arith.cmpi ne, %convert_element_type3A_239, %cond3A_240 : i32
        scf.if %cond3A_241 {
        } else {
        }
        %and3A_242 = arith.constant false
        %and3A_243 = arith.andi %and3A_238, %and3A_242 : i1
        %ne3A_244 = arith.cmpi ne, %add3A_131, %add3A_140 : i32
        %or3A_245 = arith.constant false
        %or3A_246 = arith.ori %or3A_245, %ne3A_244 : i1
        %or3A_247 = arith.constant false
        %or3A_248 = arith.ori %or3A_246, %or3A_247 : i1
        %not3A_249 = arith.constant true
        %not3A_250 = arith.xori %eq3A_128, %not3A_249 : i1
        %and3A_251 = arith.andi %or3A_248, %not3A_250 : i1
        %convert_element_type3A_252 = arith.extui %and3A_251 : i1 to i32
        %cond3A_253 = arith.constant 0 : i32
        %cond3A_254 = arith.cmpi ne, %convert_element_type3A_252, %cond3A_253 : i32
        scf.if %cond3A_254 {
          "tpu.trace_start"() <{level = 10 : i32, message = "ep_wait_out"}> : () -> ()
          %rem3A_277 = arith.constant 2 : i32
          %rem3A_278 = arith.remui %scan3A_125, %rem3A_277 : i32
          %mul3A_279 = arith.constant 128 : i32
          %mul3A_280 = arith.muli %mul3A_279, %add3A_140 : i32
          %dma_wait3A_281 = arith.constant 0 : i32
          %dma_wait3A_282 = arith.constant 0 : i32
          %dma_wait3A_283 = tpu.memref_slice %run_scoped3A_8[%rem3A_278, %dma_wait3A_281, %dma_wait3A_282] : memref<2x128x128xf32, #tpu.memory_space<vmem>> -> memref<1x128x128xf32, #tpu.memory_space<vmem>>
          %dma_wait3A_284 = tpu.memref_squeeze %dma_wait3A_283 : memref<1x128x128xf32, #tpu.memory_space<vmem>> -> memref<128x128xf32, #tpu.memory_space<vmem>>
          %dma_wait3A_285 = arith.constant 0 : i32
          %dma_wait3A_286 = tpu.memref_slice %arg4[%mul3A_280, %dma_wait3A_285] : memref<32768x128xf32, #tpu.memory_space<hbm>> -> memref<128x128xf32, #tpu.memory_space<hbm>>
          %dma_wait3A_287 = tpu.memref_slice %run_scoped3A_9[%rem3A_278] : memref<2x!tpu.dma_semaphore, #tpu.memory_space<semaphore_mem>> -> memref<1x!tpu.dma_semaphore, #tpu.memory_space<semaphore_mem>>
          %dma_wait3A_288 = tpu.memref_squeeze %dma_wait3A_287 : memref<1x!tpu.dma_semaphore, #tpu.memory_space<semaphore_mem>> -> memref<!tpu.dma_semaphore, #tpu.memory_space<semaphore_mem>>
          %dma_wait3A_289 = arith.constant 0 : i32
          %dma_wait3A_290 = tpu.memref_slice %arg4[%mul3A_280, %dma_wait3A_289] : memref<32768x128xf32, #tpu.memory_space<hbm>> -> memref<128x128xf32, #tpu.memory_space<hbm>>
          %dma_wait3A_291 = arith.constant 0 : i32
          %dma_wait3A_292 = arith.constant 0 : i32
          %dma_wait3A_293 = tpu.memref_slice %run_scoped3A_8[%rem3A_278, %dma_wait3A_291, %dma_wait3A_292] : memref<2x128x128xf32, #tpu.memory_space<vmem>> -> memref<1x128x128xf32, #tpu.memory_space<vmem>>
          %dma_wait3A_294 = tpu.memref_squeeze %dma_wait3A_293 : memref<1x128x128xf32, #tpu.memory_space<vmem>> -> memref<128x128xf32, #tpu.memory_space<vmem>>
          tpu.wait_dma2 semaphore(%dma_wait3A_288 : memref<!tpu.dma_semaphore, #tpu.memory_space<semaphore_mem>>) src(%dma_wait3A_294 : memref<128x128xf32, #tpu.memory_space<vmem>>) dst(%dma_wait3A_290 : memref<128x128xf32, #tpu.memory_space<hbm>>)
          "tpu.trace_stop"() : () -> ()
        } else {
        }
        %and3A_255 = arith.constant true
        %and3A_256 = arith.andi %and3A_251, %and3A_255 : i1
        %add3A_257 = arith.constant 1 : i32
        %add3A_258 = arith.addi %scan3A_125, %add3A_257 : i32
        %select_n3A_259 = arith.select %and3A_256, %add3A_258, %scan3A_125 : i32
        %ne3A_260 = arith.cmpi ne, %add3A_131, %add3A_149 : i32
        %or3A_261 = arith.constant false
        %or3A_262 = arith.ori %or3A_261, %ne3A_260 : i1
        %or3A_263 = arith.constant false
        %or3A_264 = arith.ori %or3A_262, %or3A_263 : i1
        %or3A_265 = arith.ori %or3A_264, %eq3A_130 : i1
        %add3A_266 = arith.constant 1 : i32
        %add3A_267 = arith.addi %scan3A_123, %add3A_266 : i32
        %select_n3A_268 = arith.select %or3A_265, %add3A_267, %scan3A_123 : i32
        %add3A_269 = arith.constant 1 : i32
        %add3A_270 = arith.addi %scan3A_126, %add3A_269 : i32
        %select_n3A_271 = arith.constant true
        %select_n3A_272 = arith.select %select_n3A_271, %add3A_270, %scan3A_126 : i32
        %eq3A_273 = arith.constant 8 : i32
        %eq3A_274 = arith.cmpi eq, %select_n3A_272, %eq3A_273 : i32
        %select_n3A_275 = arith.constant 0 : i32
        %select_n3A_276 = arith.select %eq3A_274, %select_n3A_275, %select_n3A_272 : i32
        scf.yield %select_n3A_169, %select_n3A_268, %select_n3A_230, %select_n3A_259, %select_n3A_276 : i32, i32, i32, i32, i32
      }
      %scan3A_68 = arith.constant 8 : i32
      %sub3A = arith.constant 1 : i32
      %sub3A_69 = arith.subi %scan3A_67#4, %sub3A : i32
      %select_n3A_70 = arith.constant true
      %select_n3A_71 = arith.select %select_n3A_70, %sub3A_69, %scan3A_67#4 : i32
      %eq3A_72 = arith.constant -1 : i32
      %eq3A_73 = arith.cmpi eq, %select_n3A_71, %eq3A_72 : i32
      %select_n3A_74 = arith.constant 7 : i32
      %select_n3A_75 = arith.select %eq3A_73, %select_n3A_74, %select_n3A_71 : i32
      %add3A_76 = arith.addi %select_n3A_75, %mul3A_6 : i32
      %sub3A_77 = arith.constant 1 : i32
      %sub3A_78 = arith.subi %select_n3A_75, %sub3A_77 : i32
      %select_n3A_79 = arith.constant true
      %select_n3A_80 = arith.select %select_n3A_79, %sub3A_78, %select_n3A_75 : i32
      %eq3A_81 = arith.constant -1 : i32
      %eq3A_82 = arith.cmpi eq, %select_n3A_80, %eq3A_81 : i32
      %select_n3A_83 = arith.constant 7 : i32
      %select_n3A_84 = arith.select %eq3A_82, %select_n3A_83, %select_n3A_80 : i32
      %add3A_85 = arith.addi %select_n3A_84, %mul3A_6 : i32
      %add3A_86 = arith.constant 1 : i32
      %add3A_87 = arith.addi %select_n3A_75, %add3A_86 : i32
      %select_n3A_88 = arith.constant true
      %select_n3A_89 = arith.select %select_n3A_88, %add3A_87, %select_n3A_75 : i32
      %eq3A_90 = arith.constant 8 : i32
      %eq3A_91 = arith.cmpi eq, %select_n3A_89, %eq3A_90 : i32
      %select_n3A_92 = arith.constant 0 : i32
      %select_n3A_93 = arith.select %eq3A_91, %select_n3A_92, %select_n3A_89 : i32
      %add3A_94 = arith.addi %select_n3A_93, %mul3A_6 : i32
      %add3A_95 = arith.constant 1 : i32
      %add3A_96 = arith.addi %select_n3A_93, %add3A_95 : i32
      %select_n3A_97 = arith.constant true
      %select_n3A_98 = arith.select %select_n3A_97, %add3A_96, %select_n3A_93 : i32
      %eq3A_99 = arith.constant 8 : i32
      %eq3A_100 = arith.cmpi eq, %select_n3A_98, %eq3A_99 : i32
      %select_n3A_101 = arith.constant 0 : i32
      %select_n3A_102 = arith.select %eq3A_100, %select_n3A_101, %select_n3A_98 : i32
      %add3A_103 = arith.addi %select_n3A_102, %mul3A_6 : i32
      "tpu.trace_start"() <{level = 10 : i32, message = "ep_finalize"}> : () -> ()
      %rem3A_104 = arith.constant 2 : i32
      %rem3A_105 = arith.remui %scan3A_67#3, %rem3A_104 : i32
      %mul3A_106 = arith.constant 128 : i32
      %mul3A_107 = arith.muli %mul3A_106, %add3A_76 : i32
      %dma_wait3A = arith.constant 0 : i32
      %dma_wait3A_108 = arith.constant 0 : i32
      %dma_wait3A_109 = tpu.memref_slice %run_scoped3A_8[%rem3A_105, %dma_wait3A, %dma_wait3A_108] : memref<2x128x128xf32, #tpu.memory_space<vmem>> -> memref<1x128x128xf32, #tpu.memory_space<vmem>>
      %dma_wait3A_110 = tpu.memref_squeeze %dma_wait3A_109 : memref<1x128x128xf32, #tpu.memory_space<vmem>> -> memref<128x128xf32, #tpu.memory_space<vmem>>
      %dma_wait3A_111 = arith.constant 0 : i32
      %dma_wait3A_112 = tpu.memref_slice %arg4[%mul3A_107, %dma_wait3A_111] : memref<32768x128xf32, #tpu.memory_space<hbm>> -> memref<128x128xf32, #tpu.memory_space<hbm>>
      %dma_wait3A_113 = tpu.memref_slice %run_scoped3A_9[%rem3A_105] : memref<2x!tpu.dma_semaphore, #tpu.memory_space<semaphore_mem>> -> memref<1x!tpu.dma_semaphore, #tpu.memory_space<semaphore_mem>>
      %dma_wait3A_114 = tpu.memref_squeeze %dma_wait3A_113 : memref<1x!tpu.dma_semaphore, #tpu.memory_space<semaphore_mem>> -> memref<!tpu.dma_semaphore, #tpu.memory_space<semaphore_mem>>
      %dma_wait3A_115 = arith.constant 0 : i32
      %dma_wait3A_116 = tpu.memref_slice %arg4[%mul3A_107, %dma_wait3A_115] : memref<32768x128xf32, #tpu.memory_space<hbm>> -> memref<128x128xf32, #tpu.memory_space<hbm>>
      %dma_wait3A_117 = arith.constant 0 : i32
      %dma_wait3A_118 = arith.constant 0 : i32
      %dma_wait3A_119 = tpu.memref_slice %run_scoped3A_8[%rem3A_105, %dma_wait3A_117, %dma_wait3A_118] : memref<2x128x128xf32, #tpu.memory_space<vmem>> -> memref<1x128x128xf32, #tpu.memory_space<vmem>>
      %dma_wait3A_120 = tpu.memref_squeeze %dma_wait3A_119 : memref<1x128x128xf32, #tpu.memory_space<vmem>> -> memref<128x128xf32, #tpu.memory_space<vmem>>
      tpu.wait_dma2 semaphore(%dma_wait3A_114 : memref<!tpu.dma_semaphore, #tpu.memory_space<semaphore_mem>>) src(%dma_wait3A_120 : memref<128x128xf32, #tpu.memory_space<vmem>>) dst(%dma_wait3A_116 : memref<128x128xf32, #tpu.memory_space<hbm>>)
      "tpu.trace_stop"() : () -> ()
      tpu.yield
    }) : () -> ()
    return
  }
}

module attributes {stable_mosaic.version = 14 : i64} {
  func.func @_topk_body(%arg0: i32, %arg1: memref<1x256x3xf32, #tpu.memory_space<vmem>>, %arg2: memref<1x3x1024xf32, #tpu.memory_space<vmem>>, %arg3: memref<128x3xf32, #tpu.memory_space<vmem>>, %arg4: memref<1x128xf32, #tpu.memory_space<vmem>>, %arg5: memref<256x32xi32, #tpu.memory_space<vmem>>, %arg6: memref<256x128xf32, #tpu.memory_space<vmem>>) attributes {dimension_semantics = [#tpu.dimension_semantics<parallel>], iteration_bounds = array<i64: 4>, scalar_prefetch = 0 : i64, scratch_operands = 0 : i64, tpu.core_type = #tpu.core_type<tc>, window_params = [{transform_indices = @transform_0, window_bounds = array<i64: 1, 256, 3>}, {pipeline_mode = #tpu.pipeline_mode<synchronous>, transform_indices = @transform_1, window_bounds = array<i64: 1, 3, 1024>}, {pipeline_mode = #tpu.pipeline_mode<synchronous>, transform_indices = @transform_2, window_bounds = array<i64: 128, 3>}, {pipeline_mode = #tpu.pipeline_mode<synchronous>, transform_indices = @transform_3, window_bounds = array<i64: 1, 128>}, {transform_indices = @transform_4, window_bounds = array<i64: 256, 32>}, {transform_indices = @transform_5, window_bounds = array<i64: 256, 128>}]} {
    %get3A = arith.constant 0 : index
    %get3A_0 = arith.constant 0 : index
    %get3A_1 = arith.constant 0 : index
    %get3A_2 = vector.load %arg1[%get3A, %get3A_0, %get3A_1] : memref<1x256x3xf32, #tpu.memory_space<vmem>>, vector<1x256x3xf32>
    %get3A_3 = vector.shape_cast %get3A_2 : vector<1x256x3xf32> to vector<256x3xf32>
    %get3A_4 = arith.constant 0 : index
    %get3A_5 = arith.constant 0 : index
    %get3A_6 = arith.constant 0 : index
    %get3A_7 = vector.load %arg2[%get3A_4, %get3A_5, %get3A_6] : memref<1x3x1024xf32, #tpu.memory_space<vmem>>, vector<1x3x1024xf32>
    %get3A_8 = vector.shape_cast %get3A_7 : vector<1x3x1024xf32> to vector<3x1024xf32>
    %get3A_9 = arith.constant 0 : index
    %get3A_10 = arith.constant 0 : index
    %get3A_11 = vector.load %arg3[%get3A_9, %get3A_10] : memref<128x3xf32, #tpu.memory_space<vmem>>, vector<128x3xf32>
    %dot_general3A = arith.constant dense<0.000000e+00> : vector<256x128xf32>
    %dot_general3A_12 = tpu.matmul %get3A_3, %get3A_11, %dot_general3A {dimension_numbers = #tpu.dot_dimension_numbers<[1], [1], [0], [0], [0, 0, 1, 0], [], []>, transpose_lhs_hint = false} : vector<256x3xf32>, vector<128x3xf32>, vector<256x128xf32> -> vector<256x128xf32>
    %get3A_13 = arith.constant 0 : index
    %get3A_14 = arith.constant 0 : index
    %get3A_15 = vector.load %arg4[%get3A_13, %get3A_14] : memref<1x128xf32, #tpu.memory_space<vmem>>, vector<1x128xf32>
    %mul3A = vector.broadcast %get3A_15 : vector<1x128xf32> to vector<256x128xf32>
    %mul3A_16 = arith.mulf %dot_general3A_12, %mul3A : vector<256x128xf32>
    %swap3A = arith.constant 0 : index
    %swap3A_17 = arith.constant 0 : index
    %swap3A_18 = vector.load %arg6[%swap3A, %swap3A_17] : memref<256x128xf32, #tpu.memory_space<vmem>>, vector<256x128xf32>
    tpu.vector_store %arg6[%swap3A, %swap3A_17], %mul3A_16 {strides = array<i32>} : memref<256x128xf32, #tpu.memory_space<vmem>>, vector<256x128xf32>,
    %slice3A = vector.extract_strided_slice %get3A_3 {offsets = [0, 0], sizes = [256, 1], strides = [1, 1]} : vector<256x3xf32> to vector<256x1xf32>
    %slice3A_19 = vector.extract_strided_slice %get3A_8 {offsets = [0, 0], sizes = [1, 1024], strides = [1, 1]} : vector<3x1024xf32> to vector<1x1024xf32>
    %sub3A = vector.broadcast %slice3A : vector<256x1xf32> to vector<256x1024xf32>
    %sub3A_20 = vector.broadcast %slice3A_19 : vector<1x1024xf32> to vector<256x1024xf32>
    %sub3A_21 = arith.subf %sub3A, %sub3A_20 : vector<256x1024xf32>
    %slice3A_22 = vector.extract_strided_slice %get3A_3 {offsets = [0, 1], sizes = [256, 1], strides = [1, 1]} : vector<256x3xf32> to vector<256x1xf32>
    %slice3A_23 = vector.extract_strided_slice %get3A_8 {offsets = [1, 0], sizes = [1, 1024], strides = [1, 1]} : vector<3x1024xf32> to vector<1x1024xf32>
    %sub3A_24 = vector.broadcast %slice3A_22 : vector<256x1xf32> to vector<256x1024xf32>
    %sub3A_25 = vector.broadcast %slice3A_23 : vector<1x1024xf32> to vector<256x1024xf32>
    %sub3A_26 = arith.subf %sub3A_24, %sub3A_25 : vector<256x1024xf32>
    %slice3A_27 = vector.extract_strided_slice %get3A_3 {offsets = [0, 2], sizes = [256, 1], strides = [1, 1]} : vector<256x3xf32> to vector<256x1xf32>
    %slice3A_28 = vector.extract_strided_slice %get3A_8 {offsets = [2, 0], sizes = [1, 1024], strides = [1, 1]} : vector<3x1024xf32> to vector<1x1024xf32>
    %sub3A_29 = vector.broadcast %slice3A_27 : vector<256x1xf32> to vector<256x1024xf32>
    %sub3A_30 = vector.broadcast %slice3A_28 : vector<1x1024xf32> to vector<256x1024xf32>
    %sub3A_31 = arith.subf %sub3A_29, %sub3A_30 : vector<256x1024xf32>
    %mul3A_32 = arith.mulf %sub3A_21, %sub3A_21 : vector<256x1024xf32>
    %mul3A_33 = arith.mulf %sub3A_26, %sub3A_26 : vector<256x1024xf32>
    %add3A = arith.addf %mul3A_32, %mul3A_33 : vector<256x1024xf32>
    %mul3A_34 = arith.mulf %sub3A_31, %sub3A_31 : vector<256x1024xf32>
    %add3A_35 = arith.addf %add3A, %mul3A_34 : vector<256x1024xf32>
    %sqrt3A = math.sqrt %add3A_35 : vector<256x1024xf32>
    %iota3A = tpu.iota {dimensions = array<i32: 1>} : vector<256x1024xi32>
    %convert_element_type3A = arith.sitofp %iota3A : vector<256x1024xi32> to vector<256x1024xf32>
    %reduce_min3A = arith.constant dense<0x7F800000> : vector<256xf32>
    %reduce_min3A_36 = vector.multi_reduction <minimumf>, %sqrt3A, %reduce_min3A [1] : vector<256x1024xf32> to vector<256xf32>
    %broadcast_in_dim3A = vector.shape_cast %reduce_min3A_36 : vector<256xf32> to vector<256x1xf32>
    %eq3A = vector.broadcast %broadcast_in_dim3A : vector<256x1xf32> to vector<256x1024xf32>
    %eq3A_37 = arith.cmpf oeq, %sqrt3A, %eq3A : vector<256x1024xf32>
    %jit3A = arith.constant 1.000000e+09 : f32
    %broadcast_in_dim3A_38 = vector.broadcast %jit3A : f32 to vector<256x1024xf32>
    %select_n3A = arith.select %eq3A_37, %convert_element_type3A, %broadcast_in_dim3A_38 : vector<256x1024xi1>, vector<256x1024xf32>
    %reduce_min3A_39 = arith.constant dense<0x7F800000> : vector<256xf32>
    %reduce_min3A_40 = vector.multi_reduction <minimumf>, %select_n3A, %reduce_min3A_39 [1] : vector<256x1024xf32> to vector<256xf32>
    %broadcast_in_dim3A_41 = vector.shape_cast %reduce_min3A_40 : vector<256xf32> to vector<256x1xf32>
    %eq3A_42 = vector.broadcast %broadcast_in_dim3A_41 : vector<256x1xf32> to vector<256x1024xf32>
    %eq3A_43 = arith.cmpf oeq, %convert_element_type3A, %eq3A_42 : vector<256x1024xf32>
    %jit3A_44 = arith.constant 0x7F800000 : f32
    %broadcast_in_dim3A_45 = vector.broadcast %jit3A_44 : f32 to vector<256x1024xf32>
    %select_n3A_46 = arith.select %eq3A_43, %broadcast_in_dim3A_45, %sqrt3A : vector<256x1024xi1>, vector<256x1024xf32>
    %reduce_min3A_47 = arith.constant dense<0x7F800000> : vector<256xf32>
    %reduce_min3A_48 = vector.multi_reduction <minimumf>, %select_n3A_46, %reduce_min3A_47 [1] : vector<256x1024xf32> to vector<256xf32>
    %broadcast_in_dim3A_49 = vector.shape_cast %reduce_min3A_48 : vector<256xf32> to vector<256x1xf32>
    %eq3A_50 = vector.broadcast %broadcast_in_dim3A_49 : vector<256x1xf32> to vector<256x1024xf32>
    %eq3A_51 = arith.cmpf oeq, %select_n3A_46, %eq3A_50 : vector<256x1024xf32>
    %jit3A_52 = arith.constant 1.000000e+09 : f32
    %broadcast_in_dim3A_53 = vector.broadcast %jit3A_52 : f32 to vector<256x1024xf32>
    %select_n3A_54 = arith.select %eq3A_51, %convert_element_type3A, %broadcast_in_dim3A_53 : vector<256x1024xi1>, vector<256x1024xf32>
    %reduce_min3A_55 = arith.constant dense<0x7F800000> : vector<256xf32>
    %reduce_min3A_56 = vector.multi_reduction <minimumf>, %select_n3A_54, %reduce_min3A_55 [1] : vector<256x1024xf32> to vector<256xf32>
    %broadcast_in_dim3A_57 = vector.shape_cast %reduce_min3A_56 : vector<256xf32> to vector<256x1xf32>
    %eq3A_58 = vector.broadcast %broadcast_in_dim3A_57 : vector<256x1xf32> to vector<256x1024xf32>
    %eq3A_59 = arith.cmpf oeq, %convert_element_type3A, %eq3A_58 : vector<256x1024xf32>
    %jit3A_60 = arith.constant 0x7F800000 : f32
    %broadcast_in_dim3A_61 = vector.broadcast %jit3A_60 : f32 to vector<256x1024xf32>
    %select_n3A_62 = arith.select %eq3A_59, %broadcast_in_dim3A_61, %select_n3A_46 : vector<256x1024xi1>, vector<256x1024xf32>
    %reduce_min3A_63 = arith.constant dense<0x7F800000> : vector<256xf32>
    %reduce_min3A_64 = vector.multi_reduction <minimumf>, %select_n3A_62, %reduce_min3A_63 [1] : vector<256x1024xf32> to vector<256xf32>
    %broadcast_in_dim3A_65 = vector.shape_cast %reduce_min3A_64 : vector<256xf32> to vector<256x1xf32>
    %eq3A_66 = vector.broadcast %broadcast_in_dim3A_65 : vector<256x1xf32> to vector<256x1024xf32>
    %eq3A_67 = arith.cmpf oeq, %select_n3A_62, %eq3A_66 : vector<256x1024xf32>
    %jit3A_68 = arith.constant 1.000000e+09 : f32
    %broadcast_in_dim3A_69 = vector.broadcast %jit3A_68 : f32 to vector<256x1024xf32>
    %select_n3A_70 = arith.select %eq3A_67, %convert_element_type3A, %broadcast_in_dim3A_69 : vector<256x1024xi1>, vector<256x1024xf32>
    %reduce_min3A_71 = arith.constant dense<0x7F800000> : vector<256xf32>
    %reduce_min3A_72 = vector.multi_reduction <minimumf>, %select_n3A_70, %reduce_min3A_71 [1] : vector<256x1024xf32> to vector<256xf32>
    %broadcast_in_dim3A_73 = vector.shape_cast %reduce_min3A_72 : vector<256xf32> to vector<256x1xf32>
    %eq3A_74 = vector.broadcast %broadcast_in_dim3A_73 : vector<256x1xf32> to vector<256x1024xf32>
    %eq3A_75 = arith.cmpf oeq, %convert_element_type3A, %eq3A_74 : vector<256x1024xf32>
    %jit3A_76 = arith.constant 0x7F800000 : f32
    %broadcast_in_dim3A_77 = vector.broadcast %jit3A_76 : f32 to vector<256x1024xf32>
    %select_n3A_78 = arith.select %eq3A_75, %broadcast_in_dim3A_77, %select_n3A_62 : vector<256x1024xi1>, vector<256x1024xf32>
    %reduce_min3A_79 = arith.constant dense<0x7F800000> : vector<256xf32>
    %reduce_min3A_80 = vector.multi_reduction <minimumf>, %select_n3A_78, %reduce_min3A_79 [1] : vector<256x1024xf32> to vector<256xf32>
    %broadcast_in_dim3A_81 = vector.shape_cast %reduce_min3A_80 : vector<256xf32> to vector<256x1xf32>
    %eq3A_82 = vector.broadcast %broadcast_in_dim3A_81 : vector<256x1xf32> to vector<256x1024xf32>
    %eq3A_83 = arith.cmpf oeq, %select_n3A_78, %eq3A_82 : vector<256x1024xf32>
    %jit3A_84 = arith.constant 1.000000e+09 : f32
    %broadcast_in_dim3A_85 = vector.broadcast %jit3A_84 : f32 to vector<256x1024xf32>
    %select_n3A_86 = arith.select %eq3A_83, %convert_element_type3A, %broadcast_in_dim3A_85 : vector<256x1024xi1>, vector<256x1024xf32>
    %reduce_min3A_87 = arith.constant dense<0x7F800000> : vector<256xf32>
    %reduce_min3A_88 = vector.multi_reduction <minimumf>, %select_n3A_86, %reduce_min3A_87 [1] : vector<256x1024xf32> to vector<256xf32>
    %broadcast_in_dim3A_89 = vector.shape_cast %reduce_min3A_88 : vector<256xf32> to vector<256x1xf32>
    %eq3A_90 = vector.broadcast %broadcast_in_dim3A_89 : vector<256x1xf32> to vector<256x1024xf32>
    %eq3A_91 = arith.cmpf oeq, %convert_element_type3A, %eq3A_90 : vector<256x1024xf32>
    %jit3A_92 = arith.constant 0x7F800000 : f32
    %broadcast_in_dim3A_93 = vector.broadcast %jit3A_92 : f32 to vector<256x1024xf32>
    %select_n3A_94 = arith.select %eq3A_91, %broadcast_in_dim3A_93, %select_n3A_78 : vector<256x1024xi1>, vector<256x1024xf32>
    %reduce_min3A_95 = arith.constant dense<0x7F800000> : vector<256xf32>
    %reduce_min3A_96 = vector.multi_reduction <minimumf>, %select_n3A_94, %reduce_min3A_95 [1] : vector<256x1024xf32> to vector<256xf32>
    %broadcast_in_dim3A_97 = vector.shape_cast %reduce_min3A_96 : vector<256xf32> to vector<256x1xf32>
    %eq3A_98 = vector.broadcast %broadcast_in_dim3A_97 : vector<256x1xf32> to vector<256x1024xf32>
    %eq3A_99 = arith.cmpf oeq, %select_n3A_94, %eq3A_98 : vector<256x1024xf32>
    %jit3A_100 = arith.constant 1.000000e+09 : f32
    %broadcast_in_dim3A_101 = vector.broadcast %jit3A_100 : f32 to vector<256x1024xf32>
    %select_n3A_102 = arith.select %eq3A_99, %convert_element_type3A, %broadcast_in_dim3A_101 : vector<256x1024xi1>, vector<256x1024xf32>
    %reduce_min3A_103 = arith.constant dense<0x7F800000> : vector<256xf32>
    %reduce_min3A_104 = vector.multi_reduction <minimumf>, %select_n3A_102, %reduce_min3A_103 [1] : vector<256x1024xf32> to vector<256xf32>
    %broadcast_in_dim3A_105 = vector.shape_cast %reduce_min3A_104 : vector<256xf32> to vector<256x1xf32>
    %eq3A_106 = vector.broadcast %broadcast_in_dim3A_105 : vector<256x1xf32> to vector<256x1024xf32>
    %eq3A_107 = arith.cmpf oeq, %convert_element_type3A, %eq3A_106 : vector<256x1024xf32>
    %jit3A_108 = arith.constant 0x7F800000 : f32
    %broadcast_in_dim3A_109 = vector.broadcast %jit3A_108 : f32 to vector<256x1024xf32>
    %select_n3A_110 = arith.select %eq3A_107, %broadcast_in_dim3A_109, %select_n3A_94 : vector<256x1024xi1>, vector<256x1024xf32>
    %reduce_min3A_111 = arith.constant dense<0x7F800000> : vector<256xf32>
    %reduce_min3A_112 = vector.multi_reduction <minimumf>, %select_n3A_110, %reduce_min3A_111 [1] : vector<256x1024xf32> to vector<256xf32>
    %broadcast_in_dim3A_113 = vector.shape_cast %reduce_min3A_112 : vector<256xf32> to vector<256x1xf32>
    %eq3A_114 = vector.broadcast %broadcast_in_dim3A_113 : vector<256x1xf32> to vector<256x1024xf32>
    %eq3A_115 = arith.cmpf oeq, %select_n3A_110, %eq3A_114 : vector<256x1024xf32>
    %jit3A_116 = arith.constant 1.000000e+09 : f32
    %broadcast_in_dim3A_117 = vector.broadcast %jit3A_116 : f32 to vector<256x1024xf32>
    %select_n3A_118 = arith.select %eq3A_115, %convert_element_type3A, %broadcast_in_dim3A_117 : vector<256x1024xi1>, vector<256x1024xf32>
    %reduce_min3A_119 = arith.constant dense<0x7F800000> : vector<256xf32>
    %reduce_min3A_120 = vector.multi_reduction <minimumf>, %select_n3A_118, %reduce_min3A_119 [1] : vector<256x1024xf32> to vector<256xf32>
    %broadcast_in_dim3A_121 = vector.shape_cast %reduce_min3A_120 : vector<256xf32> to vector<256x1xf32>
    %eq3A_122 = vector.broadcast %broadcast_in_dim3A_121 : vector<256x1xf32> to vector<256x1024xf32>
    %eq3A_123 = arith.cmpf oeq, %convert_element_type3A, %eq3A_122 : vector<256x1024xf32>
    %jit3A_124 = arith.constant 0x7F800000 : f32
    %broadcast_in_dim3A_125 = vector.broadcast %jit3A_124 : f32 to vector<256x1024xf32>
    %select_n3A_126 = arith.select %eq3A_123, %broadcast_in_dim3A_125, %select_n3A_110 : vector<256x1024xi1>, vector<256x1024xf32>
    %reduce_min3A_127 = arith.constant dense<0x7F800000> : vector<256xf32>
    %reduce_min3A_128 = vector.multi_reduction <minimumf>, %select_n3A_126, %reduce_min3A_127 [1] : vector<256x1024xf32> to vector<256xf32>
    %broadcast_in_dim3A_129 = vector.shape_cast %reduce_min3A_128 : vector<256xf32> to vector<256x1xf32>
    %eq3A_130 = vector.broadcast %broadcast_in_dim3A_129 : vector<256x1xf32> to vector<256x1024xf32>
    %eq3A_131 = arith.cmpf oeq, %select_n3A_126, %eq3A_130 : vector<256x1024xf32>
    %jit3A_132 = arith.constant 1.000000e+09 : f32
    %broadcast_in_dim3A_133 = vector.broadcast %jit3A_132 : f32 to vector<256x1024xf32>
    %select_n3A_134 = arith.select %eq3A_131, %convert_element_type3A, %broadcast_in_dim3A_133 : vector<256x1024xi1>, vector<256x1024xf32>
    %reduce_min3A_135 = arith.constant dense<0x7F800000> : vector<256xf32>
    %reduce_min3A_136 = vector.multi_reduction <minimumf>, %select_n3A_134, %reduce_min3A_135 [1] : vector<256x1024xf32> to vector<256xf32>
    %broadcast_in_dim3A_137 = vector.shape_cast %reduce_min3A_136 : vector<256xf32> to vector<256x1xf32>
    %eq3A_138 = vector.broadcast %broadcast_in_dim3A_137 : vector<256x1xf32> to vector<256x1024xf32>
    %eq3A_139 = arith.cmpf oeq, %convert_element_type3A, %eq3A_138 : vector<256x1024xf32>
    %jit3A_140 = arith.constant 0x7F800000 : f32
    %broadcast_in_dim3A_141 = vector.broadcast %jit3A_140 : f32 to vector<256x1024xf32>
    %select_n3A_142 = arith.select %eq3A_139, %broadcast_in_dim3A_141, %select_n3A_126 : vector<256x1024xi1>, vector<256x1024xf32>
    %reduce_min3A_143 = arith.constant dense<0x7F800000> : vector<256xf32>
    %reduce_min3A_144 = vector.multi_reduction <minimumf>, %select_n3A_142, %reduce_min3A_143 [1] : vector<256x1024xf32> to vector<256xf32>
    %broadcast_in_dim3A_145 = vector.shape_cast %reduce_min3A_144 : vector<256xf32> to vector<256x1xf32>
    %eq3A_146 = vector.broadcast %broadcast_in_dim3A_145 : vector<256x1xf32> to vector<256x1024xf32>
    %eq3A_147 = arith.cmpf oeq, %select_n3A_142, %eq3A_146 : vector<256x1024xf32>
    %jit3A_148 = arith.constant 1.000000e+09 : f32
    %broadcast_in_dim3A_149 = vector.broadcast %jit3A_148 : f32 to vector<256x1024xf32>
    %select_n3A_150 = arith.select %eq3A_147, %convert_element_type3A, %broadcast_in_dim3A_149 : vector<256x1024xi1>, vector<256x1024xf32>
    %reduce_min3A_151 = arith.constant dense<0x7F800000> : vector<256xf32>
    %reduce_min3A_152 = vector.multi_reduction <minimumf>, %select_n3A_150, %reduce_min3A_151 [1] : vector<256x1024xf32> to vector<256xf32>
    %broadcast_in_dim3A_153 = vector.shape_cast %reduce_min3A_152 : vector<256xf32> to vector<256x1xf32>
    %eq3A_154 = vector.broadcast %broadcast_in_dim3A_153 : vector<256x1xf32> to vector<256x1024xf32>
    %eq3A_155 = arith.cmpf oeq, %convert_element_type3A, %eq3A_154 : vector<256x1024xf32>
    %jit3A_156 = arith.constant 0x7F800000 : f32
    %broadcast_in_dim3A_157 = vector.broadcast %jit3A_156 : f32 to vector<256x1024xf32>
    %select_n3A_158 = arith.select %eq3A_155, %broadcast_in_dim3A_157, %select_n3A_142 : vector<256x1024xi1>, vector<256x1024xf32>
    %reduce_min3A_159 = arith.constant dense<0x7F800000> : vector<256xf32>
    %reduce_min3A_160 = vector.multi_reduction <minimumf>, %select_n3A_158, %reduce_min3A_159 [1] : vector<256x1024xf32> to vector<256xf32>
    %broadcast_in_dim3A_161 = vector.shape_cast %reduce_min3A_160 : vector<256xf32> to vector<256x1xf32>
    %eq3A_162 = vector.broadcast %broadcast_in_dim3A_161 : vector<256x1xf32> to vector<256x1024xf32>
    %eq3A_163 = arith.cmpf oeq, %select_n3A_158, %eq3A_162 : vector<256x1024xf32>
    %jit3A_164 = arith.constant 1.000000e+09 : f32
    %broadcast_in_dim3A_165 = vector.broadcast %jit3A_164 : f32 to vector<256x1024xf32>
    %select_n3A_166 = arith.select %eq3A_163, %convert_element_type3A, %broadcast_in_dim3A_165 : vector<256x1024xi1>, vector<256x1024xf32>
    %reduce_min3A_167 = arith.constant dense<0x7F800000> : vector<256xf32>
    %reduce_min3A_168 = vector.multi_reduction <minimumf>, %select_n3A_166, %reduce_min3A_167 [1] : vector<256x1024xf32> to vector<256xf32>
    %broadcast_in_dim3A_169 = vector.shape_cast %reduce_min3A_168 : vector<256xf32> to vector<256x1xf32>
    %eq3A_170 = vector.broadcast %broadcast_in_dim3A_169 : vector<256x1xf32> to vector<256x1024xf32>
    %eq3A_171 = arith.cmpf oeq, %convert_element_type3A, %eq3A_170 : vector<256x1024xf32>
    %jit3A_172 = arith.constant 0x7F800000 : f32
    %broadcast_in_dim3A_173 = vector.broadcast %jit3A_172 : f32 to vector<256x1024xf32>
    %select_n3A_174 = arith.select %eq3A_171, %broadcast_in_dim3A_173, %select_n3A_158 : vector<256x1024xi1>, vector<256x1024xf32>
    %reduce_min3A_175 = arith.constant dense<0x7F800000> : vector<256xf32>
    %reduce_min3A_176 = vector.multi_reduction <minimumf>, %select_n3A_174, %reduce_min3A_175 [1] : vector<256x1024xf32> to vector<256xf32>
    %broadcast_in_dim3A_177 = vector.shape_cast %reduce_min3A_176 : vector<256xf32> to vector<256x1xf32>
    %eq3A_178 = vector.broadcast %broadcast_in_dim3A_177 : vector<256x1xf32> to vector<256x1024xf32>
    %eq3A_179 = arith.cmpf oeq, %select_n3A_174, %eq3A_178 : vector<256x1024xf32>
    %jit3A_180 = arith.constant 1.000000e+09 : f32
    %broadcast_in_dim3A_181 = vector.broadcast %jit3A_180 : f32 to vector<256x1024xf32>
    %select_n3A_182 = arith.select %eq3A_179, %convert_element_type3A, %broadcast_in_dim3A_181 : vector<256x1024xi1>, vector<256x1024xf32>
    %reduce_min3A_183 = arith.constant dense<0x7F800000> : vector<256xf32>
    %reduce_min3A_184 = vector.multi_reduction <minimumf>, %select_n3A_182, %reduce_min3A_183 [1] : vector<256x1024xf32> to vector<256xf32>
    %broadcast_in_dim3A_185 = vector.shape_cast %reduce_min3A_184 : vector<256xf32> to vector<256x1xf32>
    %eq3A_186 = vector.broadcast %broadcast_in_dim3A_185 : vector<256x1xf32> to vector<256x1024xf32>
    %eq3A_187 = arith.cmpf oeq, %convert_element_type3A, %eq3A_186 : vector<256x1024xf32>
    %jit3A_188 = arith.constant 0x7F800000 : f32
    %broadcast_in_dim3A_189 = vector.broadcast %jit3A_188 : f32 to vector<256x1024xf32>
    %select_n3A_190 = arith.select %eq3A_187, %broadcast_in_dim3A_189, %select_n3A_174 : vector<256x1024xi1>, vector<256x1024xf32>
    %reduce_min3A_191 = arith.constant dense<0x7F800000> : vector<256xf32>
    %reduce_min3A_192 = vector.multi_reduction <minimumf>, %select_n3A_190, %reduce_min3A_191 [1] : vector<256x1024xf32> to vector<256xf32>
    %broadcast_in_dim3A_193 = vector.shape_cast %reduce_min3A_192 : vector<256xf32> to vector<256x1xf32>
    %eq3A_194 = vector.broadcast %broadcast_in_dim3A_193 : vector<256x1xf32> to vector<256x1024xf32>
    %eq3A_195 = arith.cmpf oeq, %select_n3A_190, %eq3A_194 : vector<256x1024xf32>
    %jit3A_196 = arith.constant 1.000000e+09 : f32
    %broadcast_in_dim3A_197 = vector.broadcast %jit3A_196 : f32 to vector<256x1024xf32>
    %select_n3A_198 = arith.select %eq3A_195, %convert_element_type3A, %broadcast_in_dim3A_197 : vector<256x1024xi1>, vector<256x1024xf32>
    %reduce_min3A_199 = arith.constant dense<0x7F800000> : vector<256xf32>
    %reduce_min3A_200 = vector.multi_reduction <minimumf>, %select_n3A_198, %reduce_min3A_199 [1] : vector<256x1024xf32> to vector<256xf32>
    %broadcast_in_dim3A_201 = vector.shape_cast %reduce_min3A_200 : vector<256xf32> to vector<256x1xf32>
    %eq3A_202 = vector.broadcast %broadcast_in_dim3A_201 : vector<256x1xf32> to vector<256x1024xf32>
    %eq3A_203 = arith.cmpf oeq, %convert_element_type3A, %eq3A_202 : vector<256x1024xf32>
    %jit3A_204 = arith.constant 0x7F800000 : f32
    %broadcast_in_dim3A_205 = vector.broadcast %jit3A_204 : f32 to vector<256x1024xf32>
    %select_n3A_206 = arith.select %eq3A_203, %broadcast_in_dim3A_205, %select_n3A_190 : vector<256x1024xi1>, vector<256x1024xf32>
    %reduce_min3A_207 = arith.constant dense<0x7F800000> : vector<256xf32>
    %reduce_min3A_208 = vector.multi_reduction <minimumf>, %select_n3A_206, %reduce_min3A_207 [1] : vector<256x1024xf32> to vector<256xf32>
    %broadcast_in_dim3A_209 = vector.shape_cast %reduce_min3A_208 : vector<256xf32> to vector<256x1xf32>
    %eq3A_210 = vector.broadcast %broadcast_in_dim3A_209 : vector<256x1xf32> to vector<256x1024xf32>
    %eq3A_211 = arith.cmpf oeq, %select_n3A_206, %eq3A_210 : vector<256x1024xf32>
    %jit3A_212 = arith.constant 1.000000e+09 : f32
    %broadcast_in_dim3A_213 = vector.broadcast %jit3A_212 : f32 to vector<256x1024xf32>
    %select_n3A_214 = arith.select %eq3A_211, %convert_element_type3A, %broadcast_in_dim3A_213 : vector<256x1024xi1>, vector<256x1024xf32>
    %reduce_min3A_215 = arith.constant dense<0x7F800000> : vector<256xf32>
    %reduce_min3A_216 = vector.multi_reduction <minimumf>, %select_n3A_214, %reduce_min3A_215 [1] : vector<256x1024xf32> to vector<256xf32>
    %broadcast_in_dim3A_217 = vector.shape_cast %reduce_min3A_216 : vector<256xf32> to vector<256x1xf32>
    %eq3A_218 = vector.broadcast %broadcast_in_dim3A_217 : vector<256x1xf32> to vector<256x1024xf32>
    %eq3A_219 = arith.cmpf oeq, %convert_element_type3A, %eq3A_218 : vector<256x1024xf32>
    %jit3A_220 = arith.constant 0x7F800000 : f32
    %broadcast_in_dim3A_221 = vector.broadcast %jit3A_220 : f32 to vector<256x1024xf32>
    %select_n3A_222 = arith.select %eq3A_219, %broadcast_in_dim3A_221, %select_n3A_206 : vector<256x1024xi1>, vector<256x1024xf32>
    %reduce_min3A_223 = arith.constant dense<0x7F800000> : vector<256xf32>
    %reduce_min3A_224 = vector.multi_reduction <minimumf>, %select_n3A_222, %reduce_min3A_223 [1] : vector<256x1024xf32> to vector<256xf32>
    %broadcast_in_dim3A_225 = vector.shape_cast %reduce_min3A_224 : vector<256xf32> to vector<256x1xf32>
    %eq3A_226 = vector.broadcast %broadcast_in_dim3A_225 : vector<256x1xf32> to vector<256x1024xf32>
    %eq3A_227 = arith.cmpf oeq, %select_n3A_222, %eq3A_226 : vector<256x1024xf32>
    %jit3A_228 = arith.constant 1.000000e+09 : f32
    %broadcast_in_dim3A_229 = vector.broadcast %jit3A_228 : f32 to vector<256x1024xf32>
    %select_n3A_230 = arith.select %eq3A_227, %convert_element_type3A, %broadcast_in_dim3A_229 : vector<256x1024xi1>, vector<256x1024xf32>
    %reduce_min3A_231 = arith.constant dense<0x7F800000> : vector<256xf32>
    %reduce_min3A_232 = vector.multi_reduction <minimumf>, %select_n3A_230, %reduce_min3A_231 [1] : vector<256x1024xf32> to vector<256xf32>
    %broadcast_in_dim3A_233 = vector.shape_cast %reduce_min3A_232 : vector<256xf32> to vector<256x1xf32>
    %eq3A_234 = vector.broadcast %broadcast_in_dim3A_233 : vector<256x1xf32> to vector<256x1024xf32>
    %eq3A_235 = arith.cmpf oeq, %convert_element_type3A, %eq3A_234 : vector<256x1024xf32>
    %jit3A_236 = arith.constant 0x7F800000 : f32
    %broadcast_in_dim3A_237 = vector.broadcast %jit3A_236 : f32 to vector<256x1024xf32>
    %select_n3A_238 = arith.select %eq3A_235, %broadcast_in_dim3A_237, %select_n3A_222 : vector<256x1024xi1>, vector<256x1024xf32>
    %reduce_min3A_239 = arith.constant dense<0x7F800000> : vector<256xf32>
    %reduce_min3A_240 = vector.multi_reduction <minimumf>, %select_n3A_238, %reduce_min3A_239 [1] : vector<256x1024xf32> to vector<256xf32>
    %broadcast_in_dim3A_241 = vector.shape_cast %reduce_min3A_240 : vector<256xf32> to vector<256x1xf32>
    %eq3A_242 = vector.broadcast %broadcast_in_dim3A_241 : vector<256x1xf32> to vector<256x1024xf32>
    %eq3A_243 = arith.cmpf oeq, %select_n3A_238, %eq3A_242 : vector<256x1024xf32>
    %jit3A_244 = arith.constant 1.000000e+09 : f32
    %broadcast_in_dim3A_245 = vector.broadcast %jit3A_244 : f32 to vector<256x1024xf32>
    %select_n3A_246 = arith.select %eq3A_243, %convert_element_type3A, %broadcast_in_dim3A_245 : vector<256x1024xi1>, vector<256x1024xf32>
    %reduce_min3A_247 = arith.constant dense<0x7F800000> : vector<256xf32>
    %reduce_min3A_248 = vector.multi_reduction <minimumf>, %select_n3A_246, %reduce_min3A_247 [1] : vector<256x1024xf32> to vector<256xf32>
    %broadcast_in_dim3A_249 = vector.shape_cast %reduce_min3A_248 : vector<256xf32> to vector<256x1xf32>
    %eq3A_250 = vector.broadcast %broadcast_in_dim3A_249 : vector<256x1xf32> to vector<256x1024xf32>
    %eq3A_251 = arith.cmpf oeq, %convert_element_type3A, %eq3A_250 : vector<256x1024xf32>
    %jit3A_252 = arith.constant 0x7F800000 : f32
    %broadcast_in_dim3A_253 = vector.broadcast %jit3A_252 : f32 to vector<256x1024xf32>
    %select_n3A_254 = arith.select %eq3A_251, %broadcast_in_dim3A_253, %select_n3A_238 : vector<256x1024xi1>, vector<256x1024xf32>
    %reduce_min3A_255 = arith.constant dense<0x7F800000> : vector<256xf32>
    %reduce_min3A_256 = vector.multi_reduction <minimumf>, %select_n3A_254, %reduce_min3A_255 [1] : vector<256x1024xf32> to vector<256xf32>
    %broadcast_in_dim3A_257 = vector.shape_cast %reduce_min3A_256 : vector<256xf32> to vector<256x1xf32>
    %eq3A_258 = vector.broadcast %broadcast_in_dim3A_257 : vector<256x1xf32> to vector<256x1024xf32>
    %eq3A_259 = arith.cmpf oeq, %select_n3A_254, %eq3A_258 : vector<256x1024xf32>
    %jit3A_260 = arith.constant 1.000000e+09 : f32
    %broadcast_in_dim3A_261 = vector.broadcast %jit3A_260 : f32 to vector<256x1024xf32>
    %select_n3A_262 = arith.select %eq3A_259, %convert_element_type3A, %broadcast_in_dim3A_261 : vector<256x1024xi1>, vector<256x1024xf32>
    %reduce_min3A_263 = arith.constant dense<0x7F800000> : vector<256xf32>
    %reduce_min3A_264 = vector.multi_reduction <minimumf>, %select_n3A_262, %reduce_min3A_263 [1] : vector<256x1024xf32> to vector<256xf32>
    %broadcast_in_dim3A_265 = vector.shape_cast %reduce_min3A_264 : vector<256xf32> to vector<256x1xf32>
    %eq3A_266 = vector.broadcast %broadcast_in_dim3A_265 : vector<256x1xf32> to vector<256x1024xf32>
    %eq3A_267 = arith.cmpf oeq, %convert_element_type3A, %eq3A_266 : vector<256x1024xf32>
    %jit3A_268 = arith.constant 0x7F800000 : f32
    %broadcast_in_dim3A_269 = vector.broadcast %jit3A_268 : f32 to vector<256x1024xf32>
    %select_n3A_270 = arith.select %eq3A_267, %broadcast_in_dim3A_269, %select_n3A_254 : vector<256x1024xi1>, vector<256x1024xf32>
    %reduce_min3A_271 = arith.constant dense<0x7F800000> : vector<256xf32>
    %reduce_min3A_272 = vector.multi_reduction <minimumf>, %select_n3A_270, %reduce_min3A_271 [1] : vector<256x1024xf32> to vector<256xf32>
    %broadcast_in_dim3A_273 = vector.shape_cast %reduce_min3A_272 : vector<256xf32> to vector<256x1xf32>
    %eq3A_274 = vector.broadcast %broadcast_in_dim3A_273 : vector<256x1xf32> to vector<256x1024xf32>
    %eq3A_275 = arith.cmpf oeq, %select_n3A_270, %eq3A_274 : vector<256x1024xf32>
    %jit3A_276 = arith.constant 1.000000e+09 : f32
    %broadcast_in_dim3A_277 = vector.broadcast %jit3A_276 : f32 to vector<256x1024xf32>
    %select_n3A_278 = arith.select %eq3A_275, %convert_element_type3A, %broadcast_in_dim3A_277 : vector<256x1024xi1>, vector<256x1024xf32>
    %reduce_min3A_279 = arith.constant dense<0x7F800000> : vector<256xf32>
    %reduce_min3A_280 = vector.multi_reduction <minimumf>, %select_n3A_278, %reduce_min3A_279 [1] : vector<256x1024xf32> to vector<256xf32>
    %broadcast_in_dim3A_281 = vector.shape_cast %reduce_min3A_280 : vector<256xf32> to vector<256x1xf32>
    %eq3A_282 = vector.broadcast %broadcast_in_dim3A_281 : vector<256x1xf32> to vector<256x1024xf32>
    %eq3A_283 = arith.cmpf oeq, %convert_element_type3A, %eq3A_282 : vector<256x1024xf32>
    %jit3A_284 = arith.constant 0x7F800000 : f32
    %broadcast_in_dim3A_285 = vector.broadcast %jit3A_284 : f32 to vector<256x1024xf32>
    %select_n3A_286 = arith.select %eq3A_283, %broadcast_in_dim3A_285, %select_n3A_270 : vector<256x1024xi1>, vector<256x1024xf32>
    %reduce_min3A_287 = arith.constant dense<0x7F800000> : vector<256xf32>
    %reduce_min3A_288 = vector.multi_reduction <minimumf>, %select_n3A_286, %reduce_min3A_287 [1] : vector<256x1024xf32> to vector<256xf32>
    %broadcast_in_dim3A_289 = vector.shape_cast %reduce_min3A_288 : vector<256xf32> to vector<256x1xf32>
    %eq3A_290 = vector.broadcast %broadcast_in_dim3A_289 : vector<256x1xf32> to vector<256x1024xf32>
    %eq3A_291 = arith.cmpf oeq, %select_n3A_286, %eq3A_290 : vector<256x1024xf32>
    %jit3A_292 = arith.constant 1.000000e+09 : f32
    %broadcast_in_dim3A_293 = vector.broadcast %jit3A_292 : f32 to vector<256x1024xf32>
    %select_n3A_294 = arith.select %eq3A_291, %convert_element_type3A, %broadcast_in_dim3A_293 : vector<256x1024xi1>, vector<256x1024xf32>
    %reduce_min3A_295 = arith.constant dense<0x7F800000> : vector<256xf32>
    %reduce_min3A_296 = vector.multi_reduction <minimumf>, %select_n3A_294, %reduce_min3A_295 [1] : vector<256x1024xf32> to vector<256xf32>
    %broadcast_in_dim3A_297 = vector.shape_cast %reduce_min3A_296 : vector<256xf32> to vector<256x1xf32>
    %eq3A_298 = vector.broadcast %broadcast_in_dim3A_297 : vector<256x1xf32> to vector<256x1024xf32>
    %eq3A_299 = arith.cmpf oeq, %convert_element_type3A, %eq3A_298 : vector<256x1024xf32>
    %jit3A_300 = arith.constant 0x7F800000 : f32
    %broadcast_in_dim3A_301 = vector.broadcast %jit3A_300 : f32 to vector<256x1024xf32>
    %select_n3A_302 = arith.select %eq3A_299, %broadcast_in_dim3A_301, %select_n3A_286 : vector<256x1024xi1>, vector<256x1024xf32>
    %reduce_min3A_303 = arith.constant dense<0x7F800000> : vector<256xf32>
    %reduce_min3A_304 = vector.multi_reduction <minimumf>, %select_n3A_302, %reduce_min3A_303 [1] : vector<256x1024xf32> to vector<256xf32>
    %broadcast_in_dim3A_305 = vector.shape_cast %reduce_min3A_304 : vector<256xf32> to vector<256x1xf32>
    %eq3A_306 = vector.broadcast %broadcast_in_dim3A_305 : vector<256x1xf32> to vector<256x1024xf32>
    %eq3A_307 = arith.cmpf oeq, %select_n3A_302, %eq3A_306 : vector<256x1024xf32>
    %jit3A_308 = arith.constant 1.000000e+09 : f32
    %broadcast_in_dim3A_309 = vector.broadcast %jit3A_308 : f32 to vector<256x1024xf32>
    %select_n3A_310 = arith.select %eq3A_307, %convert_element_type3A, %broadcast_in_dim3A_309 : vector<256x1024xi1>, vector<256x1024xf32>
    %reduce_min3A_311 = arith.constant dense<0x7F800000> : vector<256xf32>
    %reduce_min3A_312 = vector.multi_reduction <minimumf>, %select_n3A_310, %reduce_min3A_311 [1] : vector<256x1024xf32> to vector<256xf32>
    %broadcast_in_dim3A_313 = vector.shape_cast %reduce_min3A_312 : vector<256xf32> to vector<256x1xf32>
    %eq3A_314 = vector.broadcast %broadcast_in_dim3A_313 : vector<256x1xf32> to vector<256x1024xf32>
    %eq3A_315 = arith.cmpf oeq, %convert_element_type3A, %eq3A_314 : vector<256x1024xf32>
    %jit3A_316 = arith.constant 0x7F800000 : f32
    %broadcast_in_dim3A_317 = vector.broadcast %jit3A_316 : f32 to vector<256x1024xf32>
    %select_n3A_318 = arith.select %eq3A_315, %broadcast_in_dim3A_317, %select_n3A_302 : vector<256x1024xi1>, vector<256x1024xf32>
    %reduce_min3A_319 = arith.constant dense<0x7F800000> : vector<256xf32>
    %reduce_min3A_320 = vector.multi_reduction <minimumf>, %select_n3A_318, %reduce_min3A_319 [1] : vector<256x1024xf32> to vector<256xf32>
    %broadcast_in_dim3A_321 = vector.shape_cast %reduce_min3A_320 : vector<256xf32> to vector<256x1xf32>
    %eq3A_322 = vector.broadcast %broadcast_in_dim3A_321 : vector<256x1xf32> to vector<256x1024xf32>
    %eq3A_323 = arith.cmpf oeq, %select_n3A_318, %eq3A_322 : vector<256x1024xf32>
    %jit3A_324 = arith.constant 1.000000e+09 : f32
    %broadcast_in_dim3A_325 = vector.broadcast %jit3A_324 : f32 to vector<256x1024xf32>
    %select_n3A_326 = arith.select %eq3A_323, %convert_element_type3A, %broadcast_in_dim3A_325 : vector<256x1024xi1>, vector<256x1024xf32>
    %reduce_min3A_327 = arith.constant dense<0x7F800000> : vector<256xf32>
    %reduce_min3A_328 = vector.multi_reduction <minimumf>, %select_n3A_326, %reduce_min3A_327 [1] : vector<256x1024xf32> to vector<256xf32>
    %broadcast_in_dim3A_329 = vector.shape_cast %reduce_min3A_328 : vector<256xf32> to vector<256x1xf32>
    %eq3A_330 = vector.broadcast %broadcast_in_dim3A_329 : vector<256x1xf32> to vector<256x1024xf32>
    %eq3A_331 = arith.cmpf oeq, %convert_element_type3A, %eq3A_330 : vector<256x1024xf32>
    %jit3A_332 = arith.constant 0x7F800000 : f32
    %broadcast_in_dim3A_333 = vector.broadcast %jit3A_332 : f32 to vector<256x1024xf32>
    %select_n3A_334 = arith.select %eq3A_331, %broadcast_in_dim3A_333, %select_n3A_318 : vector<256x1024xi1>, vector<256x1024xf32>
    %reduce_min3A_335 = arith.constant dense<0x7F800000> : vector<256xf32>
    %reduce_min3A_336 = vector.multi_reduction <minimumf>, %select_n3A_334, %reduce_min3A_335 [1] : vector<256x1024xf32> to vector<256xf32>
    %broadcast_in_dim3A_337 = vector.shape_cast %reduce_min3A_336 : vector<256xf32> to vector<256x1xf32>
    %eq3A_338 = vector.broadcast %broadcast_in_dim3A_337 : vector<256x1xf32> to vector<256x1024xf32>
    %eq3A_339 = arith.cmpf oeq, %select_n3A_334, %eq3A_338 : vector<256x1024xf32>
    %jit3A_340 = arith.constant 1.000000e+09 : f32
    %broadcast_in_dim3A_341 = vector.broadcast %jit3A_340 : f32 to vector<256x1024xf32>
    %select_n3A_342 = arith.select %eq3A_339, %convert_element_type3A, %broadcast_in_dim3A_341 : vector<256x1024xi1>, vector<256x1024xf32>
    %reduce_min3A_343 = arith.constant dense<0x7F800000> : vector<256xf32>
    %reduce_min3A_344 = vector.multi_reduction <minimumf>, %select_n3A_342, %reduce_min3A_343 [1] : vector<256x1024xf32> to vector<256xf32>
    %broadcast_in_dim3A_345 = vector.shape_cast %reduce_min3A_344 : vector<256xf32> to vector<256x1xf32>
    %eq3A_346 = vector.broadcast %broadcast_in_dim3A_345 : vector<256x1xf32> to vector<256x1024xf32>
    %eq3A_347 = arith.cmpf oeq, %convert_element_type3A, %eq3A_346 : vector<256x1024xf32>
    %jit3A_348 = arith.constant 0x7F800000 : f32
    %broadcast_in_dim3A_349 = vector.broadcast %jit3A_348 : f32 to vector<256x1024xf32>
    %select_n3A_350 = arith.select %eq3A_347, %broadcast_in_dim3A_349, %select_n3A_334 : vector<256x1024xi1>, vector<256x1024xf32>
    %reduce_min3A_351 = arith.constant dense<0x7F800000> : vector<256xf32>
    %reduce_min3A_352 = vector.multi_reduction <minimumf>, %select_n3A_350, %reduce_min3A_351 [1] : vector<256x1024xf32> to vector<256xf32>
    %broadcast_in_dim3A_353 = vector.shape_cast %reduce_min3A_352 : vector<256xf32> to vector<256x1xf32>
    %eq3A_354 = vector.broadcast %broadcast_in_dim3A_353 : vector<256x1xf32> to vector<256x1024xf32>
    %eq3A_355 = arith.cmpf oeq, %select_n3A_350, %eq3A_354 : vector<256x1024xf32>
    %jit3A_356 = arith.constant 1.000000e+09 : f32
    %broadcast_in_dim3A_357 = vector.broadcast %jit3A_356 : f32 to vector<256x1024xf32>
    %select_n3A_358 = arith.select %eq3A_355, %convert_element_type3A, %broadcast_in_dim3A_357 : vector<256x1024xi1>, vector<256x1024xf32>
    %reduce_min3A_359 = arith.constant dense<0x7F800000> : vector<256xf32>
    %reduce_min3A_360 = vector.multi_reduction <minimumf>, %select_n3A_358, %reduce_min3A_359 [1] : vector<256x1024xf32> to vector<256xf32>
    %broadcast_in_dim3A_361 = vector.shape_cast %reduce_min3A_360 : vector<256xf32> to vector<256x1xf32>
    %eq3A_362 = vector.broadcast %broadcast_in_dim3A_361 : vector<256x1xf32> to vector<256x1024xf32>
    %eq3A_363 = arith.cmpf oeq, %convert_element_type3A, %eq3A_362 : vector<256x1024xf32>
    %jit3A_364 = arith.constant 0x7F800000 : f32
    %broadcast_in_dim3A_365 = vector.broadcast %jit3A_364 : f32 to vector<256x1024xf32>
    %select_n3A_366 = arith.select %eq3A_363, %broadcast_in_dim3A_365, %select_n3A_350 : vector<256x1024xi1>, vector<256x1024xf32>
    %reduce_min3A_367 = arith.constant dense<0x7F800000> : vector<256xf32>
    %reduce_min3A_368 = vector.multi_reduction <minimumf>, %select_n3A_366, %reduce_min3A_367 [1] : vector<256x1024xf32> to vector<256xf32>
    %broadcast_in_dim3A_369 = vector.shape_cast %reduce_min3A_368 : vector<256xf32> to vector<256x1xf32>
    %eq3A_370 = vector.broadcast %broadcast_in_dim3A_369 : vector<256x1xf32> to vector<256x1024xf32>
    %eq3A_371 = arith.cmpf oeq, %select_n3A_366, %eq3A_370 : vector<256x1024xf32>
    %jit3A_372 = arith.constant 1.000000e+09 : f32
    %broadcast_in_dim3A_373 = vector.broadcast %jit3A_372 : f32 to vector<256x1024xf32>
    %select_n3A_374 = arith.select %eq3A_371, %convert_element_type3A, %broadcast_in_dim3A_373 : vector<256x1024xi1>, vector<256x1024xf32>
    %reduce_min3A_375 = arith.constant dense<0x7F800000> : vector<256xf32>
    %reduce_min3A_376 = vector.multi_reduction <minimumf>, %select_n3A_374, %reduce_min3A_375 [1] : vector<256x1024xf32> to vector<256xf32>
    %broadcast_in_dim3A_377 = vector.shape_cast %reduce_min3A_376 : vector<256xf32> to vector<256x1xf32>
    %eq3A_378 = vector.broadcast %broadcast_in_dim3A_377 : vector<256x1xf32> to vector<256x1024xf32>
    %eq3A_379 = arith.cmpf oeq, %convert_element_type3A, %eq3A_378 : vector<256x1024xf32>
    %jit3A_380 = arith.constant 0x7F800000 : f32
    %broadcast_in_dim3A_381 = vector.broadcast %jit3A_380 : f32 to vector<256x1024xf32>
    %select_n3A_382 = arith.select %eq3A_379, %broadcast_in_dim3A_381, %select_n3A_366 : vector<256x1024xi1>, vector<256x1024xf32>
    %reduce_min3A_383 = arith.constant dense<0x7F800000> : vector<256xf32>
    %reduce_min3A_384 = vector.multi_reduction <minimumf>, %select_n3A_382, %reduce_min3A_383 [1] : vector<256x1024xf32> to vector<256xf32>
    %broadcast_in_dim3A_385 = vector.shape_cast %reduce_min3A_384 : vector<256xf32> to vector<256x1xf32>
    %eq3A_386 = vector.broadcast %broadcast_in_dim3A_385 : vector<256x1xf32> to vector<256x1024xf32>
    %eq3A_387 = arith.cmpf oeq, %select_n3A_382, %eq3A_386 : vector<256x1024xf32>
    %jit3A_388 = arith.constant 1.000000e+09 : f32
    %broadcast_in_dim3A_389 = vector.broadcast %jit3A_388 : f32 to vector<256x1024xf32>
    %select_n3A_390 = arith.select %eq3A_387, %convert_element_type3A, %broadcast_in_dim3A_389 : vector<256x1024xi1>, vector<256x1024xf32>
    %reduce_min3A_391 = arith.constant dense<0x7F800000> : vector<256xf32>
    %reduce_min3A_392 = vector.multi_reduction <minimumf>, %select_n3A_390, %reduce_min3A_391 [1] : vector<256x1024xf32> to vector<256xf32>
    %broadcast_in_dim3A_393 = vector.shape_cast %reduce_min3A_392 : vector<256xf32> to vector<256x1xf32>
    %eq3A_394 = vector.broadcast %broadcast_in_dim3A_393 : vector<256x1xf32> to vector<256x1024xf32>
    %eq3A_395 = arith.cmpf oeq, %convert_element_type3A, %eq3A_394 : vector<256x1024xf32>
    %jit3A_396 = arith.constant 0x7F800000 : f32
    %broadcast_in_dim3A_397 = vector.broadcast %jit3A_396 : f32 to vector<256x1024xf32>
    %select_n3A_398 = arith.select %eq3A_395, %broadcast_in_dim3A_397, %select_n3A_382 : vector<256x1024xi1>, vector<256x1024xf32>
    %reduce_min3A_399 = arith.constant dense<0x7F800000> : vector<256xf32>
    %reduce_min3A_400 = vector.multi_reduction <minimumf>, %select_n3A_398, %reduce_min3A_399 [1] : vector<256x1024xf32> to vector<256xf32>
    %broadcast_in_dim3A_401 = vector.shape_cast %reduce_min3A_400 : vector<256xf32> to vector<256x1xf32>
    %eq3A_402 = vector.broadcast %broadcast_in_dim3A_401 : vector<256x1xf32> to vector<256x1024xf32>
    %eq3A_403 = arith.cmpf oeq, %select_n3A_398, %eq3A_402 : vector<256x1024xf32>
    %jit3A_404 = arith.constant 1.000000e+09 : f32
    %broadcast_in_dim3A_405 = vector.broadcast %jit3A_404 : f32 to vector<256x1024xf32>
    %select_n3A_406 = arith.select %eq3A_403, %convert_element_type3A, %broadcast_in_dim3A_405 : vector<256x1024xi1>, vector<256x1024xf32>
    %reduce_min3A_407 = arith.constant dense<0x7F800000> : vector<256xf32>
    %reduce_min3A_408 = vector.multi_reduction <minimumf>, %select_n3A_406, %reduce_min3A_407 [1] : vector<256x1024xf32> to vector<256xf32>
    %broadcast_in_dim3A_409 = vector.shape_cast %reduce_min3A_408 : vector<256xf32> to vector<256x1xf32>
    %eq3A_410 = vector.broadcast %broadcast_in_dim3A_409 : vector<256x1xf32> to vector<256x1024xf32>
    %eq3A_411 = arith.cmpf oeq, %convert_element_type3A, %eq3A_410 : vector<256x1024xf32>
    %jit3A_412 = arith.constant 0x7F800000 : f32
    %broadcast_in_dim3A_413 = vector.broadcast %jit3A_412 : f32 to vector<256x1024xf32>
    %select_n3A_414 = arith.select %eq3A_411, %broadcast_in_dim3A_413, %select_n3A_398 : vector<256x1024xi1>, vector<256x1024xf32>
    %reduce_min3A_415 = arith.constant dense<0x7F800000> : vector<256xf32>
    %reduce_min3A_416 = vector.multi_reduction <minimumf>, %select_n3A_414, %reduce_min3A_415 [1] : vector<256x1024xf32> to vector<256xf32>
    %broadcast_in_dim3A_417 = vector.shape_cast %reduce_min3A_416 : vector<256xf32> to vector<256x1xf32>
    %eq3A_418 = vector.broadcast %broadcast_in_dim3A_417 : vector<256x1xf32> to vector<256x1024xf32>
    %eq3A_419 = arith.cmpf oeq, %select_n3A_414, %eq3A_418 : vector<256x1024xf32>
    %jit3A_420 = arith.constant 1.000000e+09 : f32
    %broadcast_in_dim3A_421 = vector.broadcast %jit3A_420 : f32 to vector<256x1024xf32>
    %select_n3A_422 = arith.select %eq3A_419, %convert_element_type3A, %broadcast_in_dim3A_421 : vector<256x1024xi1>, vector<256x1024xf32>
    %reduce_min3A_423 = arith.constant dense<0x7F800000> : vector<256xf32>
    %reduce_min3A_424 = vector.multi_reduction <minimumf>, %select_n3A_422, %reduce_min3A_423 [1] : vector<256x1024xf32> to vector<256xf32>
    %broadcast_in_dim3A_425 = vector.shape_cast %reduce_min3A_424 : vector<256xf32> to vector<256x1xf32>
    %eq3A_426 = vector.broadcast %broadcast_in_dim3A_425 : vector<256x1xf32> to vector<256x1024xf32>
    %eq3A_427 = arith.cmpf oeq, %convert_element_type3A, %eq3A_426 : vector<256x1024xf32>
    %jit3A_428 = arith.constant 0x7F800000 : f32
    %broadcast_in_dim3A_429 = vector.broadcast %jit3A_428 : f32 to vector<256x1024xf32>
    %select_n3A_430 = arith.select %eq3A_427, %broadcast_in_dim3A_429, %select_n3A_414 : vector<256x1024xi1>, vector<256x1024xf32>
    %reduce_min3A_431 = arith.constant dense<0x7F800000> : vector<256xf32>
    %reduce_min3A_432 = vector.multi_reduction <minimumf>, %select_n3A_430, %reduce_min3A_431 [1] : vector<256x1024xf32> to vector<256xf32>
    %broadcast_in_dim3A_433 = vector.shape_cast %reduce_min3A_432 : vector<256xf32> to vector<256x1xf32>
    %eq3A_434 = vector.broadcast %broadcast_in_dim3A_433 : vector<256x1xf32> to vector<256x1024xf32>
    %eq3A_435 = arith.cmpf oeq, %select_n3A_430, %eq3A_434 : vector<256x1024xf32>
    %jit3A_436 = arith.constant 1.000000e+09 : f32
    %broadcast_in_dim3A_437 = vector.broadcast %jit3A_436 : f32 to vector<256x1024xf32>
    %select_n3A_438 = arith.select %eq3A_435, %convert_element_type3A, %broadcast_in_dim3A_437 : vector<256x1024xi1>, vector<256x1024xf32>
    %reduce_min3A_439 = arith.constant dense<0x7F800000> : vector<256xf32>
    %reduce_min3A_440 = vector.multi_reduction <minimumf>, %select_n3A_438, %reduce_min3A_439 [1] : vector<256x1024xf32> to vector<256xf32>
    %broadcast_in_dim3A_441 = vector.shape_cast %reduce_min3A_440 : vector<256xf32> to vector<256x1xf32>
    %eq3A_442 = vector.broadcast %broadcast_in_dim3A_441 : vector<256x1xf32> to vector<256x1024xf32>
    %eq3A_443 = arith.cmpf oeq, %convert_element_type3A, %eq3A_442 : vector<256x1024xf32>
    %jit3A_444 = arith.constant 0x7F800000 : f32
    %broadcast_in_dim3A_445 = vector.broadcast %jit3A_444 : f32 to vector<256x1024xf32>
    %select_n3A_446 = arith.select %eq3A_443, %broadcast_in_dim3A_445, %select_n3A_430 : vector<256x1024xi1>, vector<256x1024xf32>
    %reduce_min3A_447 = arith.constant dense<0x7F800000> : vector<256xf32>
    %reduce_min3A_448 = vector.multi_reduction <minimumf>, %select_n3A_446, %reduce_min3A_447 [1] : vector<256x1024xf32> to vector<256xf32>
    %broadcast_in_dim3A_449 = vector.shape_cast %reduce_min3A_448 : vector<256xf32> to vector<256x1xf32>
    %eq3A_450 = vector.broadcast %broadcast_in_dim3A_449 : vector<256x1xf32> to vector<256x1024xf32>
    %eq3A_451 = arith.cmpf oeq, %select_n3A_446, %eq3A_450 : vector<256x1024xf32>
    %jit3A_452 = arith.constant 1.000000e+09 : f32
    %broadcast_in_dim3A_453 = vector.broadcast %jit3A_452 : f32 to vector<256x1024xf32>
    %select_n3A_454 = arith.select %eq3A_451, %convert_element_type3A, %broadcast_in_dim3A_453 : vector<256x1024xi1>, vector<256x1024xf32>
    %reduce_min3A_455 = arith.constant dense<0x7F800000> : vector<256xf32>
    %reduce_min3A_456 = vector.multi_reduction <minimumf>, %select_n3A_454, %reduce_min3A_455 [1] : vector<256x1024xf32> to vector<256xf32>
    %broadcast_in_dim3A_457 = vector.shape_cast %reduce_min3A_456 : vector<256xf32> to vector<256x1xf32>
    %eq3A_458 = vector.broadcast %broadcast_in_dim3A_457 : vector<256x1xf32> to vector<256x1024xf32>
    %eq3A_459 = arith.cmpf oeq, %convert_element_type3A, %eq3A_458 : vector<256x1024xf32>
    %jit3A_460 = arith.constant 0x7F800000 : f32
    %broadcast_in_dim3A_461 = vector.broadcast %jit3A_460 : f32 to vector<256x1024xf32>
    %select_n3A_462 = arith.select %eq3A_459, %broadcast_in_dim3A_461, %select_n3A_446 : vector<256x1024xi1>, vector<256x1024xf32>
    %reduce_min3A_463 = arith.constant dense<0x7F800000> : vector<256xf32>
    %reduce_min3A_464 = vector.multi_reduction <minimumf>, %select_n3A_462, %reduce_min3A_463 [1] : vector<256x1024xf32> to vector<256xf32>
    %broadcast_in_dim3A_465 = vector.shape_cast %reduce_min3A_464 : vector<256xf32> to vector<256x1xf32>
    %eq3A_466 = vector.broadcast %broadcast_in_dim3A_465 : vector<256x1xf32> to vector<256x1024xf32>
    %eq3A_467 = arith.cmpf oeq, %select_n3A_462, %eq3A_466 : vector<256x1024xf32>
    %jit3A_468 = arith.constant 1.000000e+09 : f32
    %broadcast_in_dim3A_469 = vector.broadcast %jit3A_468 : f32 to vector<256x1024xf32>
    %select_n3A_470 = arith.select %eq3A_467, %convert_element_type3A, %broadcast_in_dim3A_469 : vector<256x1024xi1>, vector<256x1024xf32>
    %reduce_min3A_471 = arith.constant dense<0x7F800000> : vector<256xf32>
    %reduce_min3A_472 = vector.multi_reduction <minimumf>, %select_n3A_470, %reduce_min3A_471 [1] : vector<256x1024xf32> to vector<256xf32>
    %broadcast_in_dim3A_473 = vector.shape_cast %reduce_min3A_472 : vector<256xf32> to vector<256x1xf32>
    %eq3A_474 = vector.broadcast %broadcast_in_dim3A_473 : vector<256x1xf32> to vector<256x1024xf32>
    %eq3A_475 = arith.cmpf oeq, %convert_element_type3A, %eq3A_474 : vector<256x1024xf32>
    %jit3A_476 = arith.constant 0x7F800000 : f32
    %broadcast_in_dim3A_477 = vector.broadcast %jit3A_476 : f32 to vector<256x1024xf32>
    %select_n3A_478 = arith.select %eq3A_475, %broadcast_in_dim3A_477, %select_n3A_462 : vector<256x1024xi1>, vector<256x1024xf32>
    %reduce_min3A_479 = arith.constant dense<0x7F800000> : vector<256xf32>
    %reduce_min3A_480 = vector.multi_reduction <minimumf>, %select_n3A_478, %reduce_min3A_479 [1] : vector<256x1024xf32> to vector<256xf32>
    %broadcast_in_dim3A_481 = vector.shape_cast %reduce_min3A_480 : vector<256xf32> to vector<256x1xf32>
    %eq3A_482 = vector.broadcast %broadcast_in_dim3A_481 : vector<256x1xf32> to vector<256x1024xf32>
    %eq3A_483 = arith.cmpf oeq, %select_n3A_478, %eq3A_482 : vector<256x1024xf32>
    %jit3A_484 = arith.constant 1.000000e+09 : f32
    %broadcast_in_dim3A_485 = vector.broadcast %jit3A_484 : f32 to vector<256x1024xf32>
    %select_n3A_486 = arith.select %eq3A_483, %convert_element_type3A, %broadcast_in_dim3A_485 : vector<256x1024xi1>, vector<256x1024xf32>
    %reduce_min3A_487 = arith.constant dense<0x7F800000> : vector<256xf32>
    %reduce_min3A_488 = vector.multi_reduction <minimumf>, %select_n3A_486, %reduce_min3A_487 [1] : vector<256x1024xf32> to vector<256xf32>
    %broadcast_in_dim3A_489 = vector.shape_cast %reduce_min3A_488 : vector<256xf32> to vector<256x1xf32>
    %eq3A_490 = vector.broadcast %broadcast_in_dim3A_489 : vector<256x1xf32> to vector<256x1024xf32>
    %eq3A_491 = arith.cmpf oeq, %convert_element_type3A, %eq3A_490 : vector<256x1024xf32>
    %jit3A_492 = arith.constant 0x7F800000 : f32
    %broadcast_in_dim3A_493 = vector.broadcast %jit3A_492 : f32 to vector<256x1024xf32>
    %select_n3A_494 = arith.select %eq3A_491, %broadcast_in_dim3A_493, %select_n3A_478 : vector<256x1024xi1>, vector<256x1024xf32>
    %reduce_min3A_495 = arith.constant dense<0x7F800000> : vector<256xf32>
    %reduce_min3A_496 = vector.multi_reduction <minimumf>, %select_n3A_494, %reduce_min3A_495 [1] : vector<256x1024xf32> to vector<256xf32>
    %broadcast_in_dim3A_497 = vector.shape_cast %reduce_min3A_496 : vector<256xf32> to vector<256x1xf32>
    %eq3A_498 = vector.broadcast %broadcast_in_dim3A_497 : vector<256x1xf32> to vector<256x1024xf32>
    %eq3A_499 = arith.cmpf oeq, %select_n3A_494, %eq3A_498 : vector<256x1024xf32>
    %jit3A_500 = arith.constant 1.000000e+09 : f32
    %broadcast_in_dim3A_501 = vector.broadcast %jit3A_500 : f32 to vector<256x1024xf32>
    %select_n3A_502 = arith.select %eq3A_499, %convert_element_type3A, %broadcast_in_dim3A_501 : vector<256x1024xi1>, vector<256x1024xf32>
    %reduce_min3A_503 = arith.constant dense<0x7F800000> : vector<256xf32>
    %reduce_min3A_504 = vector.multi_reduction <minimumf>, %select_n3A_502, %reduce_min3A_503 [1] : vector<256x1024xf32> to vector<256xf32>
    %broadcast_in_dim3A_505 = vector.shape_cast %reduce_min3A_504 : vector<256xf32> to vector<256x1xf32>
    %eq3A_506 = vector.broadcast %broadcast_in_dim3A_505 : vector<256x1xf32> to vector<256x1024xf32>
    %eq3A_507 = arith.cmpf oeq, %convert_element_type3A, %eq3A_506 : vector<256x1024xf32>
    %jit3A_508 = arith.constant 0x7F800000 : f32
    %broadcast_in_dim3A_509 = vector.broadcast %jit3A_508 : f32 to vector<256x1024xf32>
    %select_n3A_510 = arith.select %eq3A_507, %broadcast_in_dim3A_509, %select_n3A_494 : vector<256x1024xi1>, vector<256x1024xf32>
    %reduce_min3A_511 = arith.constant dense<0x7F800000> : vector<256xf32>
    %reduce_min3A_512 = vector.multi_reduction <minimumf>, %select_n3A_510, %reduce_min3A_511 [1] : vector<256x1024xf32> to vector<256xf32>
    %broadcast_in_dim3A_513 = vector.shape_cast %reduce_min3A_512 : vector<256xf32> to vector<256x1xf32>
    %eq3A_514 = vector.broadcast %broadcast_in_dim3A_513 : vector<256x1xf32> to vector<256x1024xf32>
    %eq3A_515 = arith.cmpf oeq, %select_n3A_510, %eq3A_514 : vector<256x1024xf32>
    %jit3A_516 = arith.constant 1.000000e+09 : f32
    %broadcast_in_dim3A_517 = vector.broadcast %jit3A_516 : f32 to vector<256x1024xf32>
    %select_n3A_518 = arith.select %eq3A_515, %convert_element_type3A, %broadcast_in_dim3A_517 : vector<256x1024xi1>, vector<256x1024xf32>
    %reduce_min3A_519 = arith.constant dense<0x7F800000> : vector<256xf32>
    %reduce_min3A_520 = vector.multi_reduction <minimumf>, %select_n3A_518, %reduce_min3A_519 [1] : vector<256x1024xf32> to vector<256xf32>
    %broadcast_in_dim3A_521 = vector.shape_cast %reduce_min3A_520 : vector<256xf32> to vector<256x1xf32>
    %eq3A_522 = vector.broadcast %broadcast_in_dim3A_521 : vector<256x1xf32> to vector<256x1024xf32>
    %eq3A_523 = arith.cmpf oeq, %convert_element_type3A, %eq3A_522 : vector<256x1024xf32>
    %jit3A_524 = arith.constant 0x7F800000 : f32
    %broadcast_in_dim3A_525 = vector.broadcast %jit3A_524 : f32 to vector<256x1024xf32>
    %select_n3A_526 = arith.select %eq3A_523, %broadcast_in_dim3A_525, %select_n3A_510 : vector<256x1024xi1>, vector<256x1024xf32>
    %reduce_min3A_527 = arith.constant dense<0x7F800000> : vector<256xf32>
    %reduce_min3A_528 = vector.multi_reduction <minimumf>, %select_n3A_526, %reduce_min3A_527 [1] : vector<256x1024xf32> to vector<256xf32>
    %broadcast_in_dim3A_529 = vector.shape_cast %reduce_min3A_528 : vector<256xf32> to vector<256x1xf32>
    %eq3A_530 = vector.broadcast %broadcast_in_dim3A_529 : vector<256x1xf32> to vector<256x1024xf32>
    %eq3A_531 = arith.cmpf oeq, %select_n3A_526, %eq3A_530 : vector<256x1024xf32>
    %jit3A_532 = arith.constant 1.000000e+09 : f32
    %broadcast_in_dim3A_533 = vector.broadcast %jit3A_532 : f32 to vector<256x1024xf32>
    %select_n3A_534 = arith.select %eq3A_531, %convert_element_type3A, %broadcast_in_dim3A_533 : vector<256x1024xi1>, vector<256x1024xf32>
    %reduce_min3A_535 = arith.constant dense<0x7F800000> : vector<256xf32>
    %reduce_min3A_536 = vector.multi_reduction <minimumf>, %select_n3A_534, %reduce_min3A_535 [1] : vector<256x1024xf32> to vector<256xf32>
    %broadcast_in_dim3A_537 = vector.shape_cast %reduce_min3A_536 : vector<256xf32> to vector<256x1xf32>
    %concatenate3A = tpu.concatenate %broadcast_in_dim3A_41, %broadcast_in_dim3A_57, %broadcast_in_dim3A_73, %broadcast_in_dim3A_89, %broadcast_in_dim3A_105, %broadcast_in_dim3A_121, %broadcast_in_dim3A_137, %broadcast_in_dim3A_153, %broadcast_in_dim3A_169, %broadcast_in_dim3A_185, %broadcast_in_dim3A_201, %broadcast_in_dim3A_217, %broadcast_in_dim3A_233, %broadcast_in_dim3A_249, %broadcast_in_dim3A_265, %broadcast_in_dim3A_281, %broadcast_in_dim3A_297, %broadcast_in_dim3A_313, %broadcast_in_dim3A_329, %broadcast_in_dim3A_345, %broadcast_in_dim3A_361, %broadcast_in_dim3A_377, %broadcast_in_dim3A_393, %broadcast_in_dim3A_409, %broadcast_in_dim3A_425, %broadcast_in_dim3A_441, %broadcast_in_dim3A_457, %broadcast_in_dim3A_473, %broadcast_in_dim3A_489, %broadcast_in_dim3A_505, %broadcast_in_dim3A_521, %broadcast_in_dim3A_537 in 1 : vector<256x1xf32>, vector<256x1xf32>, vector<256x1xf32>, vector<256x1xf32>, vector<256x1xf32>, vector<256x1xf32>, vector<256x1xf32>, vector<256x1xf32>, vector<256x1xf32>, vector<256x1xf32>, vector<256x1xf32>, vector<256x1xf32>, vector<256x1xf32>, vector<256x1xf32>, vector<256x1xf32>, vector<256x1xf32>, vector<256x1xf32>, vector<256x1xf32>, vector<256x1xf32>, vector<256x1xf32>, vector<256x1xf32>, vector<256x1xf32>, vector<256x1xf32>, vector<256x1xf32>, vector<256x1xf32>, vector<256x1xf32>, vector<256x1xf32>, vector<256x1xf32>, vector<256x1xf32>, vector<256x1xf32>, vector<256x1xf32>, vector<256x1xf32> -> vector<256x32xf32>
    %convert_element_type3A_538 = arith.fptosi %concatenate3A : vector<256x32xf32> to vector<256x32xi32>
    %swap3A_539 = arith.constant 0 : index
    %swap3A_540 = arith.constant 0 : index
    %swap3A_541 = vector.load %arg5[%swap3A_539, %swap3A_540] : memref<256x32xi32, #tpu.memory_space<vmem>>, vector<256x32xi32>
    tpu.vector_store %arg5[%swap3A_539, %swap3A_540], %convert_element_type3A_538 {strides = array<i32>} : memref<256x32xi32, #tpu.memory_space<vmem>>, vector<256x32xi32>,
    return
  }
  func.func @transform_0(%arg0: i32) -> (i32, i32, i32) {
    %c0_i32 = arith.constant 0 : i32
    %c0_i32_0 = arith.constant 0 : i32
    %c0_i32_1 = arith.constant 0 : i32
    return %c0_i32, %arg0, %c0_i32_0 : i32, i32, i32
  }
  func.func @transform_1(%arg0: i32) -> (i32, i32, i32) {
    %c0_i32 = arith.constant 0 : i32
    %c0_i32_0 = arith.constant 0 : i32
    %c0_i32_1 = arith.constant 0 : i32
    %c0_i32_2 = arith.constant 0 : i32
    return %c0_i32, %c0_i32_0, %c0_i32_1 : i32, i32, i32
  }
  func.func @transform_2(%arg0: i32) -> (i32, i32) {
    %c0_i32 = arith.constant 0 : i32
    %c0_i32_0 = arith.constant 0 : i32
    %c0_i32_1 = arith.constant 0 : i32
    return %c0_i32, %c0_i32_0 : i32, i32
  }
  func.func @transform_3(%arg0: i32) -> (i32, i32) {
    %c0_i32 = arith.constant 0 : i32
    %c0_i32_0 = arith.constant 0 : i32
    %c0_i32_1 = arith.constant 0 : i32
    return %c0_i32, %c0_i32_0 : i32, i32
  }
  func.func @transform_4(%arg0: i32) -> (i32, i32) {
    %c0_i32 = arith.constant 0 : i32
    %c0_i32_0 = arith.constant 0 : i32
    return %arg0, %c0_i32 : i32, i32
  }
  func.func @transform_5(%arg0: i32) -> (i32, i32) {
    %c0_i32 = arith.constant 0 : i32
    %c0_i32_0 = arith.constant 0 : i32
    return %arg0, %c0_i32 : i32, i32
  }
}

module attributes {stable_mosaic.version = 14 : i64} {
  func.func @_encoder_body(%arg0: i32, %arg1: memref<4096x128xf32, #tpu.memory_space<vmem>>, %arg2: memref<128x128xf32, #tpu.memory_space<vmem>>, %arg3: memref<1x128xf32, #tpu.memory_space<vmem>>, %arg4: memref<256x128xf32, #tpu.memory_space<vmem>>, %arg5: memref<1x256xf32, #tpu.memory_space<vmem>>, %arg6: memref<512x256xf32, #tpu.memory_space<vmem>>, %arg7: memref<512x256xf32, #tpu.memory_space<vmem>>, %arg8: memref<1x512xf32, #tpu.memory_space<vmem>>, %arg9: memref<256x512xf32, #tpu.memory_space<vmem>>, %arg10: memref<1x256xf32, #tpu.memory_space<vmem>>, %arg11: memref<1x256x128xf32, #tpu.memory_space<vmem>>) attributes {dimension_semantics = [#tpu.dimension_semantics<parallel>], iteration_bounds = array<i64: 8>, scalar_prefetch = 0 : i64, scratch_operands = 0 : i64, tpu.core_type = #tpu.core_type<tc>, window_params = [{transform_indices = @transform_0, window_bounds = array<i64: 4096, 128>}, {transform_indices = @transform_1, window_bounds = array<i64: 128, 128>}, {pipeline_mode = #tpu.pipeline_mode<synchronous>, transform_indices = @transform_2, window_bounds = array<i64: 1, 128>}, {pipeline_mode = #tpu.pipeline_mode<synchronous>, transform_indices = @transform_3, window_bounds = array<i64: 256, 128>}, {pipeline_mode = #tpu.pipeline_mode<synchronous>, transform_indices = @transform_4, window_bounds = array<i64: 1, 256>}, {pipeline_mode = #tpu.pipeline_mode<synchronous>, transform_indices = @transform_5, window_bounds = array<i64: 512, 256>}, {pipeline_mode = #tpu.pipeline_mode<synchronous>, transform_indices = @transform_6, window_bounds = array<i64: 512, 256>}, {pipeline_mode = #tpu.pipeline_mode<synchronous>, transform_indices = @transform_7, window_bounds = array<i64: 1, 512>}, {pipeline_mode = #tpu.pipeline_mode<synchronous>, transform_indices = @transform_8, window_bounds = array<i64: 256, 512>}, {pipeline_mode = #tpu.pipeline_mode<synchronous>, transform_indices = @transform_9, window_bounds = array<i64: 1, 256>}, {transform_indices = @transform_10, window_bounds = array<i64: 1, 256, 128>}]} {
    %get3A = arith.constant 0 : index
    %get3A_0 = arith.constant 0 : index
    %get3A_1 = vector.load %arg1[%get3A, %get3A_0] : memref<4096x128xf32, #tpu.memory_space<vmem>>, vector<4096x128xf32>
    %get3A_2 = arith.constant 0 : index
    %get3A_3 = arith.constant 0 : index
    %get3A_4 = vector.load %arg2[%get3A_2, %get3A_3] : memref<128x128xf32, #tpu.memory_space<vmem>>, vector<128x128xf32>
    %reshape3A = vector.shape_cast %get3A_1 : vector<4096x128xf32> to vector<128x32x128xf32>
    %broadcast_in_dim3A = vector.shape_cast %get3A_4 : vector<128x128xf32> to vector<128x1x128xf32>
    %sub3A = vector.broadcast %broadcast_in_dim3A : vector<128x1x128xf32> to vector<128x32x128xf32>
    %sub3A_5 = arith.subf %reshape3A, %sub3A : vector<128x32x128xf32>
    %reshape3A_6 = vector.shape_cast %sub3A_5 : vector<128x32x128xf32> to vector<4096x128xf32>
    %get3A_7 = arith.constant 0 : index
    %get3A_8 = arith.constant 0 : index
    %get3A_9 = vector.load %arg3[%get3A_7, %get3A_8] : memref<1x128xf32, #tpu.memory_space<vmem>>, vector<1x128xf32>
    %add3A = vector.broadcast %get3A_9 : vector<1x128xf32> to vector<4096x128xf32>
    %add3A_10 = arith.addf %reshape3A_6, %add3A : vector<4096x128xf32>
    %max3A = arith.constant 0.000000e+00 : f32
    %max3A_11 = vector.broadcast %max3A : f32 to vector<4096x128xf32>
    %max3A_12 = arith.maximumf %add3A_10, %max3A_11 : vector<4096x128xf32>
    %get3A_13 = arith.constant 0 : index
    %get3A_14 = arith.constant 0 : index
    %get3A_15 = vector.load %arg4[%get3A_13, %get3A_14] : memref<256x128xf32, #tpu.memory_space<vmem>>, vector<256x128xf32>
    %dot_general3A = arith.constant dense<0.000000e+00> : vector<4096x256xf32>
    %dot_general3A_16 = tpu.matmul %max3A_12, %get3A_15, %dot_general3A {dimension_numbers = #tpu.dot_dimension_numbers<[1], [1], [0], [0], [0, 0, 1, 0], [], []>, transpose_lhs_hint = false} : vector<4096x128xf32>, vector<256x128xf32>, vector<4096x256xf32> -> vector<4096x256xf32>
    %get3A_17 = arith.constant 0 : index
    %get3A_18 = arith.constant 0 : index
    %get3A_19 = vector.load %arg5[%get3A_17, %get3A_18] : memref<1x256xf32, #tpu.memory_space<vmem>>, vector<1x256xf32>
    %add3A_20 = vector.broadcast %get3A_19 : vector<1x256xf32> to vector<4096x256xf32>
    %add3A_21 = arith.addf %dot_general3A_16, %add3A_20 : vector<4096x256xf32>
    %reshape3A_22 = vector.shape_cast %add3A_21 : vector<4096x256xf32> to vector<128x32x256xf32>
    %reduce_max3A = arith.constant dense<0xFF800000> : vector<128x256xf32>
    %reduce_max3A_23 = vector.multi_reduction <maximumf>, %reshape3A_22, %reduce_max3A [1] : vector<128x32x256xf32> to vector<128x256xf32>
    %get3A_24 = arith.constant 0 : index
    %get3A_25 = arith.constant 0 : index
    %get3A_26 = vector.load %arg6[%get3A_24, %get3A_25] : memref<512x256xf32, #tpu.memory_space<vmem>>, vector<512x256xf32>
    %dot_general3A_27 = arith.constant dense<0.000000e+00> : vector<128x512xf32>
    %dot_general3A_28 = tpu.matmul %reduce_max3A_23, %get3A_26, %dot_general3A_27 {dimension_numbers = #tpu.dot_dimension_numbers<[1], [1], [0], [0], [0, 0, 1, 0], [], []>, transpose_lhs_hint = false} : vector<128x256xf32>, vector<512x256xf32>, vector<128x512xf32> -> vector<128x512xf32>
    %broadcast_in_dim3A_29 = vector.shape_cast %dot_general3A_28 : vector<128x512xf32> to vector<128x1x512xf32>
    %broadcast_in_dim3A_30 = vector.shape_cast %broadcast_in_dim3A_29 : vector<128x1x512xf32> to vector<128x1x512xf32>
    %broadcast_in_dim3A_31 = vector.broadcast %broadcast_in_dim3A_30 : vector<128x1x512xf32> to vector<128x32x512xf32>
    %reshape3A_32 = vector.shape_cast %broadcast_in_dim3A_31 : vector<128x32x512xf32> to vector<4096x512xf32>
    %get3A_33 = arith.constant 0 : index
    %get3A_34 = arith.constant 0 : index
    %get3A_35 = vector.load %arg7[%get3A_33, %get3A_34] : memref<512x256xf32, #tpu.memory_space<vmem>>, vector<512x256xf32>
    %dot_general3A_36 = arith.constant dense<0.000000e+00> : vector<4096x512xf32>
    %dot_general3A_37 = tpu.matmul %add3A_21, %get3A_35, %dot_general3A_36 {dimension_numbers = #tpu.dot_dimension_numbers<[1], [1], [0], [0], [0, 0, 1, 0], [], []>, transpose_lhs_hint = false} : vector<4096x256xf32>, vector<512x256xf32>, vector<4096x512xf32> -> vector<4096x512xf32>
    %add3A_38 = arith.addf %dot_general3A_37, %reshape3A_32 : vector<4096x512xf32>
    %get3A_39 = arith.constant 0 : index
    %get3A_40 = arith.constant 0 : index
    %get3A_41 = vector.load %arg8[%get3A_39, %get3A_40] : memref<1x512xf32, #tpu.memory_space<vmem>>, vector<1x512xf32>
    %add3A_42 = vector.broadcast %get3A_41 : vector<1x512xf32> to vector<4096x512xf32>
    %add3A_43 = arith.addf %add3A_38, %add3A_42 : vector<4096x512xf32>
    %max3A_44 = arith.constant 0.000000e+00 : f32
    %max3A_45 = vector.broadcast %max3A_44 : f32 to vector<4096x512xf32>
    %max3A_46 = arith.maximumf %add3A_43, %max3A_45 : vector<4096x512xf32>
    %get3A_47 = arith.constant 0 : index
    %get3A_48 = arith.constant 0 : index
    %get3A_49 = vector.load %arg9[%get3A_47, %get3A_48] : memref<256x512xf32, #tpu.memory_space<vmem>>, vector<256x512xf32>
    %dot_general3A_50 = arith.constant dense<0.000000e+00> : vector<4096x256xf32>
    %dot_general3A_51 = tpu.matmul %max3A_46, %get3A_49, %dot_general3A_50 {dimension_numbers = #tpu.dot_dimension_numbers<[1], [1], [0], [0], [0, 0, 1, 0], [], []>, transpose_lhs_hint = false} : vector<4096x512xf32>, vector<256x512xf32>, vector<4096x256xf32> -> vector<4096x256xf32>
    %get3A_52 = arith.constant 0 : index
    %get3A_53 = arith.constant 0 : index
    %get3A_54 = vector.load %arg10[%get3A_52, %get3A_53] : memref<1x256xf32, #tpu.memory_space<vmem>>, vector<1x256xf32>
    %add3A_55 = vector.broadcast %get3A_54 : vector<1x256xf32> to vector<4096x256xf32>
    %add3A_56 = arith.addf %dot_general3A_51, %add3A_55 : vector<4096x256xf32>
    %reshape3A_57 = vector.shape_cast %add3A_56 : vector<4096x256xf32> to vector<128x32x256xf32>
    %reduce_max3A_58 = arith.constant dense<0xFF800000> : vector<128x256xf32>
    %reduce_max3A_59 = vector.multi_reduction <maximumf>, %reshape3A_57, %reduce_max3A_58 [1] : vector<128x32x256xf32> to vector<128x256xf32>
    %transpose3A = tpu.transpose %reduce_max3A_59, [1, 0] : vector<128x256xf32> -> vector<256x128xf32>
    %swap3A = arith.constant 0 : index
    %swap3A_60 = arith.constant 0 : index
    %swap3A_61 = arith.constant 0 : index
    %swap3A_62 = vector.load %arg11[%swap3A, %swap3A_60, %swap3A_61] : memref<1x256x128xf32, #tpu.memory_space<vmem>>, vector<1x256x128xf32>
    %swap3A_63 = vector.shape_cast %swap3A_62 : vector<1x256x128xf32> to vector<256x128xf32>
    %swap3A_64 = vector.shape_cast %transpose3A : vector<256x128xf32> to vector<1x256x128xf32>
    tpu.vector_store %arg11[%swap3A, %swap3A_60, %swap3A_61], %swap3A_64 {strides = array<i32>} : memref<1x256x128xf32, #tpu.memory_space<vmem>>, vector<1x256x128xf32>,
    return
  }
  func.func @transform_0(%arg0: i32) -> (i32, i32) {
    %c0_i32 = arith.constant 0 : i32
    %c0_i32_0 = arith.constant 0 : i32
    return %arg0, %c0_i32 : i32, i32
  }
  func.func @transform_1(%arg0: i32) -> (i32, i32) {
    %c0_i32 = arith.constant 0 : i32
    %c0_i32_0 = arith.constant 0 : i32
    return %arg0, %c0_i32 : i32, i32
  }
  func.func @transform_2(%arg0: i32) -> (i32, i32) {
    %c0_i32 = arith.constant 0 : i32
    %c0_i32_0 = arith.constant 0 : i32
    %c0_i32_1 = arith.constant 0 : i32
    return %c0_i32, %c0_i32_0 : i32, i32
  }
  func.func @transform_3(%arg0: i32) -> (i32, i32) {
    %c0_i32 = arith.constant 0 : i32
    %c0_i32_0 = arith.constant 0 : i32
    %c0_i32_1 = arith.constant 0 : i32
    return %c0_i32, %c0_i32_0 : i32, i32
  }
  func.func @transform_4(%arg0: i32) -> (i32, i32) {
    %c0_i32 = arith.constant 0 : i32
    %c0_i32_0 = arith.constant 0 : i32
    %c0_i32_1 = arith.constant 0 : i32
    return %c0_i32, %c0_i32_0 : i32, i32
  }
  func.func @transform_5(%arg0: i32) -> (i32, i32) {
    %c0_i32 = arith.constant 0 : i32
    %c0_i32_0 = arith.constant 0 : i32
    %c0_i32_1 = arith.constant 0 : i32
    return %c0_i32, %c0_i32_0 : i32, i32
  }
  func.func @transform_6(%arg0: i32) -> (i32, i32) {
    %c0_i32 = arith.constant 0 : i32
    %c0_i32_0 = arith.constant 0 : i32
    %c0_i32_1 = arith.constant 0 : i32
    return %c0_i32, %c0_i32_0 : i32, i32
  }
  func.func @transform_7(%arg0: i32) -> (i32, i32) {
    %c0_i32 = arith.constant 0 : i32
    %c0_i32_0 = arith.constant 0 : i32
    %c0_i32_1 = arith.constant 0 : i32
    return %c0_i32, %c0_i32_0 : i32, i32
  }
  func.func @transform_8(%arg0: i32) -> (i32, i32) {
    %c0_i32 = arith.constant 0 : i32
    %c0_i32_0 = arith.constant 0 : i32
    %c0_i32_1 = arith.constant 0 : i32
    return %c0_i32, %c0_i32_0 : i32, i32
  }
  func.func @transform_9(%arg0: i32) -> (i32, i32) {
    %c0_i32 = arith.constant 0 : i32
    %c0_i32_0 = arith.constant 0 : i32
    %c0_i32_1 = arith.constant 0 : i32
    return %c0_i32, %c0_i32_0 : i32, i32
  }
  func.func @transform_10(%arg0: i32) -> (i32, i32, i32) {
    %jit3A = arith.constant 8 : i32
    %div3A = arith.divsi %arg0, %jit3A : i32
    %sign3A = arith.constant 0 : i32
    %sign3A_0 = arith.cmpi sgt, %arg0, %sign3A : i32
    %sign3A_1 = arith.extui %sign3A_0 : i1 to i32
    %sign3A_2 = arith.constant 0 : i32
    %sign3A_3 = arith.cmpi slt, %arg0, %sign3A_2 : i32
    %sign3A_4 = arith.extui %sign3A_3 : i1 to i32
    %sign3A_5 = arith.subi %sign3A_1, %sign3A_4 : i32
    %sign3A_6 = arith.constant 0 : i32
    %sign3A_7 = arith.cmpi sgt, %jit3A, %sign3A_6 : i32
    %sign3A_8 = arith.extui %sign3A_7 : i1 to i32
    %sign3A_9 = arith.constant 0 : i32
    %sign3A_10 = arith.cmpi slt, %jit3A, %sign3A_9 : i32
    %sign3A_11 = arith.extui %sign3A_10 : i1 to i32
    %sign3A_12 = arith.subi %sign3A_8, %sign3A_11 : i32
    %ne3A = arith.cmpi ne, %sign3A_5, %sign3A_12 : i32
    %rem3A = arith.remsi %arg0, %jit3A : i32
    %ne3A_13 = arith.constant 0 : i32
    %ne3A_14 = arith.cmpi ne, %rem3A, %ne3A_13 : i32
    %and3A = arith.andi %ne3A, %ne3A_14 : i1
    %sub3A = arith.constant 1 : i32
    %sub3A_15 = arith.subi %div3A, %sub3A : i32
    %select_n3A = arith.select %and3A, %sub3A_15, %div3A : i32
    %jit3A_16 = arith.constant 8 : i32
    %eq3A = arith.constant 0 : i32
    %eq3A_17 = arith.cmpi eq, %jit3A_16, %eq3A : i32
    %jit3A_18 = arith.constant 1 : i32
    %select_n3A_19 = arith.select %eq3A_17, %jit3A_18, %jit3A_16 : i32
    %rem3A_20 = arith.remsi %arg0, %select_n3A_19 : i32
    %ne3A_21 = arith.constant 0 : i32
    %ne3A_22 = arith.cmpi ne, %rem3A_20, %ne3A_21 : i32
    %lt3A = arith.constant 0 : i32
    %lt3A_23 = arith.cmpi slt, %rem3A_20, %lt3A : i32
    %lt3A_24 = arith.constant 0 : i32
    %lt3A_25 = arith.cmpi slt, %select_n3A_19, %lt3A_24 : i32
    %ne3A_26 = arith.xori %lt3A_23, %lt3A_25 : i1
    %and3A_27 = arith.andi %ne3A_26, %ne3A_22 : i1
    %add3A = arith.addi %rem3A_20, %select_n3A_19 : i32
    %select_n3A_28 = arith.select %and3A_27, %add3A, %rem3A_20 : i32
    %c0_i32 = arith.constant 0 : i32
    %c0_i32_29 = arith.constant 0 : i32
    return %select_n3A, %c0_i32, %select_n3A_28 : i32, i32, i32
  }
}

</mosaic_0001>

<sc_bundles>
// kernel: kernel.11.cloned.1.call-start
scs
__scs_entry_jumppad:
0x0: {  	(pc) =	sbr.rel $0x88, $3  }
0x1: {  	(tag) =	ssettag $0x0;
	lr =	simm.s32 $0x1  }
0x2: {  	[smem:$0x3F90] =	sst lr;
	_ =	strace $0xD0000000  }
0x3: {  	_ = 	snop  }
0x4: {  	_ = 	snop  }
0x5: {  	_ = 	snop  }
0x6: {  	_ = 	snop  }
0x7: {  	_ = 	snop  }
__scs_overlays_trampoline_lowered:
0x8: {  	[smem:$0x3F9F] =	sst s0  }
0x9: {  	[smem:$0x3FA0] =	sst s1  }
0xa: {  	[smem:$0x3FA1] =	sst s2  }
0xb: {  	[smem:$0x3FA2] =	sst s3  }
0xc: {  	[smem:$0x3FA3] =	sst s4  }
0xd: {  	[smem:$0x3FA4] =	sst s5  }
0xe: {  	[smem:$0x3FA5] =	sst s6  }
0xf: {  	[smem:$0x3FA6] =	sst s7  }
0x10: {  	[smem:$0x3FA7] =	sst s8  }
0x11: {  	[smem:$0x3FA8] =	sst s9;
	s0 =	simm.s32 @!p0 $0x0  }
0x12: {  	s1 =	sld [smem:$0x3F8E];
	s0 =	simm.s32 @p0 $0x1  }
0x13: {  	[smem:$0x3FA9] =	sst s0;
	s0 =	simm.s32 @!p1 $0x0  }
0x14: {  	s2 =	sld [smem:$0x3F8D];
	s0 =	simm.s32 @p1 $0x1  }
0x15: {  	[smem:$0x3FAA] =	sst s0;
	s0 =	simm.s32 @!p2 $0x0  }
0x16: {  	s3 =	sld [smem:$0x3FDB];
	s0 =	simm.s32 @p2 $0x1  }
0x17: {  	s4 =	simm.s32 $0x1BF5;
	[smem:$0x3FAC] =	sst s0  }
0x18: {  	s0 =	sld [smem:$0x3F8F];
	_ =	swait.ge [sflag:s4], $0x0  }
0x19: {  	s7 =	sld [smem:$0x3F90]  }
0x1a: {  	s8 =	sadd.s32 $0xFFFFE003, lr  }
0x1b: {  	s9 =	sadd.s32 $0xFFFFFEF7, lr;
	s5 =	simm.s32 $0xFFFFFFFF;
	p2 =	slt.u32 s8, $0xFFFFF086  }
0x1c: {  	p1 =	slt.u32 s9, $0xF7A;
	s5 =	simm.s32 @!p2 $0x0  }
0x1d: {  	s5 =	simm.s32 @p1 $0x1;
	p0 =	seq.s32 s7, s2  }
0x1e: {  	s7 =	smul.u32 @!p0 $0xF7A, s2;
	p2 =	seq.s32 @!p0 s5, $0x0  }
0x1f: {  	s9 =	smul.u32 $0xF7A, s1;
	s8 =	simm.s32 @!p0 $0x1BF5;
	p2 =	por !p2, p0  }
0x20: {  	[sflag:s8] =	ssyncset.s32 @!p0 $0xFFFFF086;
	s6 =	sadd.s32 @!p0 s3, s7;
	s7 =	simm.s32 @!p0 $0x108  }
0x21: {  	s3 =	sadd.s32 s3, s9;
	s6 =	sadd.s32 @!p0 $0x88, s6;
	s7 =	simm.s32 @p2 $0x1082  }
0x22: {  	[simem:s7], [sflag:s8] =	dma.local @!p0 [hbm:s6], $0xF7A  }
0x23: {  	s9 =	sor.u32 $0xD0000000, s2;
	s6 =	simm.s32 $0x108;
	_ =	swait.ge @!p0 [sflag:s8], $0x0  }
0x24: {  	s3 =	sadd.s32 $0x88, s3;
	s6 =	simm.s32 @!p1 $0x1082;
	[sflag:s4] =	ssyncset.s32 $0xFFFFF086  }
0x25: {  	[simem:s6], [sflag:s4] =	dma.local [hbm:s3], $0xF7A  }
0x26: {  	[smem:$0x3F90] =	sst s1;
	(tag) =	ssettag s2;
	_ =	strace s9  }
0x27: {  	s1 =	sld [smem:$0x3FA0]  }
0x28: {  	s2 =	sld [smem:$0x3FA1]  }
0x29: {  	s4 =	sld [smem:$0x3FA3]  }
0x2a: {  	p0 =	seq.s32 s5, $0x0;
	s5 =	sld [smem:$0x3FA4]  }
0x2b: {  	s6 =	sld [smem:$0x3FA5]  }
0x2c: {  	s7 =	sld [smem:$0x3FA6]  }
0x2d: {  	s3 =	simm.s32 $0x108;
	s8 =	sld [smem:$0x3FA7]  }
0x2e: {  	s3 =	simm.s32 @!p0 $0x1082;
	s9 =	sld [smem:$0x3FA8]  }
0x2f: {  	lr =	sadd.s32 s0, s3;
	s0 =	sld [smem:$0x3F9F]  }
0x30: {  	s3 =	sld [smem:$0x3FA2]  }
0x31: {  	[smem:$0x3FAB] =	sst s10  }
0x32: {  	s10 =	sld [smem:$0x3FA9];
	_ =	sdelay $0x3  }
0x33: {  	p0 =	seq.s32 s10, $0x1;
	s10 =	sld [smem:$0x3FAB];
	_ =	sdelay $0x3  }
0x34: {  	[smem:$0x3FAB] =	sst s10  }
0x35: {  	s10 =	sld [smem:$0x3FAA];
	_ =	sdelay $0x3  }
0x36: {  	p1 =	seq.s32 s10, $0x1;
	s10 =	sld [smem:$0x3FAB];
	_ =	sdelay $0x3  }
0x37: {  	[smem:$0x3FAB] =	sst s10  }
0x38: {  	s10 =	sld [smem:$0x3FAC]  }
0x39: {  	_ = 	snop;
	(pc) =	sbr.ind lr, $3  }
0x3a: {  	_ = 	snop  }
0x3b: {  	_ = 	snop  }
0x3c: {  	p2 =	seq.s32 s10, $0x1;
	s10 =	sld [smem:$0x3FAB]  }
0x3d: {  	_ =	shalt  }
0x3e: {  	_ =	shalt  }
0x3f: {  	_ =	shalt  }
0x40: {  	_ =	shalt  }
0x41: {  	_ =	shalt  }
0x42: {  	_ =	shalt  }
0x43: {  	_ =	shalt  }
0x44: {  	_ =	shalt  }
0x45: {  	_ =	shalt  }
0x46: {  	_ =	shalt  }
0x47: {  	_ =	shalt  }
0x48: {  	_ =	shalt  }
0x49: {  	_ =	shalt  }
0x4a: {  	_ =	shalt  }
0x4b: {  	_ =	shalt  }
0x4c: {  	_ =	shalt  }
0x4d: {  	_ =	shalt  }
0x4e: {  	_ =	shalt  }
0x4f: {  	_ =	shalt  }
0x50: {  	_ =	shalt  }
0x51: {  	_ =	shalt  }
0x52: {  	_ =	shalt  }
0x53: {  	_ =	shalt  }
0x54: {  	_ =	shalt  }
0x55: {  	_ =	shalt  }
0x56: {  	_ =	shalt  }
0x57: {  	_ =	shalt  }
0x58: {  	_ =	shalt  }
0x59: {  	_ =	shalt  }
0x5a: {  	_ =	shalt  }
0x5b: {  	_ =	shalt  }
0x5c: {  	_ =	shalt  }
0x5d: {  	_ =	shalt  }
0x5e: {  	_ =	shalt  }
0x5f: {  	_ =	shalt  }
0x60: {  	_ =	shalt  }
0x61: {  	_ =	shalt  }
0x62: {  	_ =	shalt  }
0x63: {  	_ =	shalt  }
0x64: {  	_ =	shalt  }
0x65: {  	_ =	shalt  }
0x66: {  	_ =	shalt  }
0x67: {  	_ =	shalt  }
0x68: {  	_ =	shalt  }
0x69: {  	_ =	shalt  }
0x6a: {  	_ =	shalt  }
0x6b: {  	_ =	shalt  }
0x6c: {  	_ =	shalt  }
0x6d: {  	_ =	shalt  }
0x6e: {  	_ =	shalt  }
0x6f: {  	_ =	shalt  }
0x70: {  	_ =	shalt  }
0x71: {  	_ =	shalt  }
0x72: {  	_ =	shalt  }
0x73: {  	_ =	shalt  }
0x74: {  	_ =	shalt  }
0x75: {  	_ =	shalt  }
0x76: {  	_ =	shalt  }
0x77: {  	_ =	shalt  }
0x78: {  	_ =	shalt  }
0x79: {  	_ =	shalt  }
0x7a: {  	_ =	shalt  }
0x7b: {  	_ =	shalt  }
0x7c: {  	_ =	shalt  }
0x7d: {  	_ =	shalt  }
0x7e: {  	_ =	shalt  }
0x7f: {  	_ =	shalt  }
0x80: {  	_ =	shalt  }
0x81: {  	_ =	shalt  }
0x82: {  	_ =	shalt  }
0x83: {  	_ =	shalt  }
0x84: {  	_ =	shalt  }
0x85: {  	_ =	shalt  }
0x86: {  	_ =	shalt  }
0x87: {  	_ =	shalt  }
.Lfunc_end0:
.L_simem_size_0:
called_computation.1_lowered:
.L_overlay_start_0:
0x88: {  	s2 =	sld [smem:$0x3FD9]  }
0x89: {  	s3 =	sld [smem:$0x3FFE];
	_ =	sdelay $0x1  }
0x8a: {  	s1 =	srdreg.scid  }
0x8b: {  	s0 =	sand.u32 $0x1, s1  }
0x8c: {  	s14 =	sshll.u32 s0, $0xA;
	s2 =	sadd.s32 s3, s2  }
0x8d: {  	s2 =	sadd.s32 s2, s14  }
0x8e: {  	[smem:$0x3FB7] =	sst s2  }
0x8f: {  	_ = 	snop  }
0x90: {  	s2 =	sld [smem:$0x3FD0];
	_ =	sdelay $0x2  }
0x91: {  	s15 =	simm.s32 $0xB;
	s4 =	simm.s32 $0x10  }
0x92: {  	[smem:s4], [sflag:s15] =	dma.local [hbm:s2], $0x1  }
0x93: {  	_ =	swait.eq [sflag:s15], $0x1  }
0x94: {  	[sflag:s15] =	ssyncset.done $0x0  }
0x95: {  	[sflag:s15] =	ssyncadd.s32 $0xFFFFFFFF  }
0x96: {  	s16 =	sld [smem:$0x10];
	(tm) =	ssettm $0x1  }
0x97: {  	s17 =	sld [smem:$0x3FFB];
	_ =	sdelay $0x3  }
0x98: {  	_ =	strace s17  }
0x99: {  	s3 =	sld [smem:$0x3FFC];
	_ =	sdelay $0x3  }
0x9a: {  	_ =	strace s3  }
0x9b: {  	s3 =	sld [smem:$0x3FFD];
	_ =	sdelay $0x3  }
0x9c: {  	_ =	strace s3  }
0x9d: {  	_ =	strace $0x8FFFFFFF  }
0x9e: {  	s18 =	sld [smem:$0x3FDB];
	_ =	sdelay $0x1  }
0x9f: {  	s19 =	simm.s32 $_scs_section_size  }
0xa0: {  	s5 =	simm.s32 $_size__tile_overlayer_lowered;
	s6 =	simm.s32 $_tile_overlayer_lowered  }
0xa1: {  	s22 =	simm.s32 $0x1BFF;
	s21 =	sshll.u32 s6, $0x1;
	s3 =	sadd.s32 s19, s18  }
0xa2: {  	s7 =	simm.s32 $0x0;
	s20 =	sshll.u32 s5, $0x1;
	s5 =	sadd.s32 s21, s3  }
0xa3: {  	[timem:s7], [sflag:s22] =	dma.local [hbm:s5], s20  }
0xa4: {  	_ =	swait.ge [sflag:s22], s20  }
0xa5: {  	s4 =	ssub.s32 $0x0, s20;
	[sflag:s22] =	ssyncset.done $0x0  }
0xa6: {  	[sflag:s22] =	ssyncadd.s32 s4;
	_ =	sdelay $0x1  }
0xa7: {  	s23 =	simm.s32 $0x1B8B  }
0xa8: {  	_ =	swait.ge [sflag:s23], $0x1  }
0xa9: {  	[sflag:s23] =	ssyncset.done $0x0  }
0xaa: {  	s25 =	simm.s32 $0x1B8E;
	s24 =	sld [smem:$0x3FFE];
	[sflag:s23] =	ssyncadd.s32 $0xFFFFFFFF  }
0xab: {  	s26 =	simm.s32 $execute0_lowered;
	[smem:$0x3FD2] =	sst s25  }
0xac: {  	s5 =	sshll.u32 s26, $0x1;
	_ =	strace $0x80000046;
	[dreg:$0x1] =	wrdreg $0xFFFFFFFF  }
0xad: {  	s28 =	simm.s32 $_size_execute0_lowered;
	s3 =	sadd.s32 s3, s5;
	[dreg:$0x0] =	wrdreg $0x0  }
0xae: {  	s5 =	sshll.u32 s28, $0x1;
	[dreg:$0x2] =	wrdreg s3  }
0xaf: {  	[dreg:$0x3] =	wrdreg s5  }
0xb0: {  	[dreg:$0x4] =	wrdreg $0xC0  }
0xb1: {  	_ =	task [dreg:s7], $0x5FFFF  }
0xb2: {  	[dreg:$0x1] =	wrdreg $0xFFFFFFFF  }
0xb3: {  	[dreg:$0x0] =	wrdreg $0x60  }
0xb4: {  	[dreg:$0x2] =	wrdreg s16  }
0xb5: {  	[dreg:$0x3] =	wrdreg s24  }
0xb6: {  	[dreg:$0x4] =	wrdreg $0xA  }
0xb7: {  	_ =	task.clear_ibuf [dreg:s7], $0x5FFFF;
	_ =	strace $0x90000046  }
0xb8: {  	s29 =	simm.s32 $0xA;
	_ =	strace $0x8000004F  }
0xb9: {  	_ =	swait.ge [sflag:s29], $0x1  }
0xba: {  	[sflag:s29] =	ssyncadd.s32 $0xFFFFFFFF  }
0xbb: {  	_ =	strace $0x9000004F  }
0xbc: {  	_ =	sfence  }
0xbd: {  	s30 =	sld [smem:$0x0];
	_ =	sdelay $0x2  }
0xbe: {  	s31 =	sshll.u32 s1, $0xD;
	s1 =	sshrl.u32 s1, $0x2  }
0xbf: {  	s3 =	sand.u32 $0x4000, s31;
	s1 =	sadd.s32 s1, s30  }
0xc0: {  	s0 =	sor.u32 s3, s0;
	s1 =	sshll.u32 s1, $0x11  }
0xc1: {  	s0 =	sor.u32 s1, s0  }
0xc2: {  	s0 =	sadd.s32 $0x8F2B, s0  }
0xc3: {  	[sflag:s0] =	ssyncadd.remote.s32 $0x1  }
0xc4: {  	_ =	sfence.sel $0xFFFF  }
0xc5: {  	[dreg:$0x0] =	wrdreg $0xFFFFFFFF;
	(pc) =	sbr.abs _section_cstart, $3  }
0xc6: {  	[dreg:$0x1] =	wrdreg $0xFFFFFFFF  }
0xc7: {  	_ =	task.clear_ibuf [dreg:s7], $0x2FFFF;
	_ =	strace $0x9FFFFFFF  }
0xc8: {  	(tm) =	ssettm $0x7FFFFFFF  }
0xc9: {  	_ =	shalt  }
tec
execute0_lowered:
.L_overlay_start_1:
0x0: {  	(tag) =	ssettag $0x1  }
0x1: {  	s1 =	rddreg [dreg:$0x0]  }
0x2: {  	s5 =	rddreg [dreg:$0x1];
	s2 =	simm.s32 $0x0  }
0x3: {  	s3 =	srdreg.scid;
	s0 =	stileid.u32;
	s10 =	simm.s32 $0x5  }
0x4: {  	s11 =	simm.s32 $0x4;
	s12 =	simm.s32 $0x0;
	[smem:$0x7FF] =	sst s2  }
0x5: {  	s6 =	sand.u32 $0x1, s3;
	s4 =	sadd.s32 $0x3E00, s5;
	s5 =	sadd.s32 $0x7E00, s5  }
0x6: {  	_ =	strace $0x80000047;
	s7 =	sshll.u32 s6, $0x4;
	s6 =	ssub.s32 $0x2, s6  }
0x7: {  	[dreg:$0x3] =	wrdreg s5;
	s7 =	sor.u32 s0, s7;
	s31 =	sshrl.u32 s6, $0x1  }
0x8: {  	s8 =	sshll.u32 s7, $0x9;
	s9 =	ssub.s32 s6, s31;
	s5 =	sshll.u32 s7, $0x3  }
0x9: {  	s6 =	sadd.s32 s4, s8;
	s7 =	smax.u32 s9, $0x1;
	s9 =	simm.s32 $0x20  }
.LBB2_1:
0xa: {  	_ =	strace $0x80000048  }
0xb: {  	s13 =	simm.s32 $0x1;
	p0 =	por $0x0, $0x0;
	p5 =	por $0x1, $0x1  }
0xc: {  	s14 =	simm.s32 $0x7;
	s18 =	sand.u32 $0x1, s2;
	s0 =	simm.s32 $0x1  }
0xd: {  	[tilespmem:s2], [sflag:$0x1] =	stream.linear.gather [hbm4b:s6+s2], $0x200, $0x200038;
	[tilespmem:$0x8400] =	vst v63  }
0xe: {  	s19 =	simm.s32 $0x6;
	s26 =	simm.s32 $0x0;
	s13 =	simm.s32 @p0 $0x0  }
0xf: {  	s30 =	sadd.s32 $0x0, s5;
	p3 =	por $0x0, $0x0;
	p2 =	sne.s32 s13, $0x0  }
0x10: {  	p6 =	por $0x1, $0x1;
	s29 =	simm.s32 $0x1;
	p0 =	por !p5, !p2  }
0x11: {  	s3 =	sadd.s32 $0x1, s18;
	s8 =	sshll.u32 s18, $0xE;
	p1 =	por !p0, !p0  }
0x12: {  	_ =	strace $0x90000048;
	s22 =	sor.u32 $0x400, s8;
	s15 =	sadd.s32 @p1 s5, s13  }
0x13: {  	s25 =	sor.u32 $0x3400, s8;
	s16 =	sshll.u32 @p1 s13, $0x9;
	s15 =	sshll.u32 @p1 s15, $0x9  }
0x14: {  	s23 =	sor.u32 $0x1400, s8;
	s16 =	sand.u32 @p1 $0x200, s16;
	s15 =	sand.u32 @p1 $0xFFFFFC00, s15  }
0x15: {  	p4 =	por p2, p2;
	s17 =	sand.u32 @p1 $0x1, s0;
	s15 =	sor.u32 @p1 s16, s15  }
0x16: {  	_ =	strace @p1 $0x80000049;
	s21 =	simm.s32 @p1 $0x0;
	s15 =	sshrl.u32 @p1 s15, $0x3  }
0x17: {  	s20 =	sshll.u32 @p1 s17, $0x9;
	s17 =	sadd.s32 @p1 $0x1, s17;
	s15 =	sadd.s32 @p1 s4, s15  }
0x18: {  	[tilespmem:s20], [sflag:s17] =	stream.linear.gather @p1 [hbm4b:s15+s21], $0x200, $0x200038;
	[tilespmem:$0x8400] =	vst v63  }
0x19: {  	p5 =	por $0x0, $0x0;
	s16 =	simm.s32 $0x1;
	_ =	strace @p1 $0x90000049  }
0x1a: {  	p0 =	por $0x1, $0x1;
	s16 =	simm.s32 @!p1 $0x0;
	_ =	strace $0x8000004A  }
0x1b: {  	s16 =	sadd.s32 $0x1, s16;
	s17 =	sand.u32 @!p0 $0x1, s2;
	_ =	swait.ge [sflag:s3], $0x200  }
0x1c: {  	s21 =	sand.u32 $0x200, s26;
	s26 =	sor.u32 $0x2400, s8;
	[sflag:s3] =	ssyncset.done $0x0  }
0x1d: {  	s20 =	sadd.s32 $0x1, s13;
	s24 =	sor.u32 $0x180, s21;
	[sflag:s3] =	ssyncadd.s32 $0xFFFFFE00  }
0x1e: {  	p1 =	por p0, p0;
	s31 =	sor.u32 $0x80, s21;
	_ =	strace $0x9000004A  }
0x1f: {  	s28 =	sor.u32 $0x100, s21;
	p0 =	por $0x0, $0x0;
	_ =	strace $0x8000004B  }
0x20: {  	[tilespmem:s22], [sflag:$0x5] =	stream.indirect.gather [hbm4b:s1+s9], $0x80, s21, s9, $0x2000b8;
	[tilespmem:$0x8400] =	vst v63  }
0x21: {  	p2 =	seq.s32 s20, $0x8;
	s21 =	simm.s32 $0x1;
	_ =	swait.ge [sflag:s10], $0x1000  }
0x22: {  	s20 =	simm.s32 @p2 $0x0;
	s21 =	simm.s32 @!p3 $0x0;
	[sflag:s10] =	ssyncset.done $0x0  }
0x23: {  	p3 =	sne.s32 s13, s20;
	s15 =	sadd.s32 $0x0, s21;
	[sflag:s10] =	ssyncadd.s32 $0xFFFFF000  }
0x24: {  	[tilespmem:s23], [sflag:$0x5] =	stream.indirect.gather [hbm4b:s1+s9], $0x80, s31, s9, $0x2000b8;
	[tilespmem:$0x8400] =	vst v63  }
0x25: {  	p2 =	por !p6, !p3;
	p6 =	por p5, p4;
	_ =	swait.ge [sflag:s10], $0x1000  }
0x26: {  	p2 =	por !p2, !p2;
	s29 =	simm.s32 @!p6 $0x0;
	[sflag:s10] =	ssyncset.done $0x0  }
0x27: {  	s21 =	sadd.s32 $0x0, s29;
	s23 =	simm.s32 $0x0;
	[sflag:s10] =	ssyncadd.s32 $0xFFFFF000  }
0x28: {  	[tilespmem:s26], [sflag:$0x5] =	stream.indirect.gather [hbm4b:s1+s9], $0x80, s28, s9, $0x2000b8;
	[tilespmem:$0x8400] =	vst v63  }
0x29: {  	s28 =	sshll.u32 @p6 s30, $0xB;
	s30 =	sadd.s32 @p2 s5, s20;
	_ =	swait.ge [sflag:s10], $0x1000  }
.LBB2_2:
0x2a: {  	s31 =	sshll.u32 @p2 s20, $0x9;
	s0 =	sand.u32 $0x1, s21;
	[sflag:s10] =	ssyncset.done $0x0  }
0x2b: {  	s26 =	smov.u32 s14;
	s14 =	smov.u32 s19;
	[sflag:s10] =	ssyncadd.s32 $0xFFFFF000  }
0x2c: {  	[tilespmem:s25], [sflag:$0x5] =	stream.indirect.gather [hbm4b:s1+s9], $0x80, s24, s9, $0x2000b8;
	[tilespmem:$0x8400] =	vst v63  }
0x2d: {  	p4 =	por p3, p3;
	s30 =	sshll.u32 @p2 s30, $0x9;
	_ =	swait.ge [sflag:s10], $0x1000  }
0x2e: {  	s23 =	sadd.s32 s29, s23;
	s19 =	sadd.s32 $0xFFFFFFFF, s19;
	[sflag:s10] =	ssyncset.done $0x0  }
0x2f: {  	s31 =	sand.u32 @p2 $0x200, s31;
	s24 =	sand.u32 @p2 $0xFFFFFC00, s30;
	[sflag:s10] =	ssyncadd.s32 $0xFFFFF000  }
0x30: {  	s3 =	sand.u32 @!p0 $0x1, s15;
	s24 =	sor.u32 @p2 s31, s24;
	_ =	strace $0x9000004B  }
0x31: {  	s28 =	sand.u32 @p6 $0x1FFFF800, s28;
	s24 =	sshrl.u32 @p2 s24, $0x3;
	_ =	strace @p6 $0x8000004C  }
0x32: {  	s8 =	simm.s32 @p6 $0x0;
	s31 =	sadd.s32 @p2 s4, s24;
	s24 =	rddreg [dreg:$0x3]  }
0x33: {  	p5 =	sne.s32 s19, $0x0;
	s30 =	sadd.s32 @p6 $0x3, s18;
	s24 =	sadd.s32 @p6 s24, s28  }
0x34: {  	[hbm4b:s24+s8] =	stream.linear.scatter @p6 [tilespmem:s22], [sflag:s30], $0x4000, $0x200038;
	[tilespmem:$0x8400] =	vst v63  }
0x35: {  	p3 =	sne.s32 s26, $0x8;
	s25 =	sand.u32 @p2 $0x1, s16;
	_ =	strace @p6 $0x9000004C  }
0x36: {  	s18 =	simm.s32 $0x1;
	s8 =	sadd.s32 @!p1 $0x3, s17;
	_ =	strace @!p1 $0x8000004D  }
0x37: {  	s29 =	sshll.u32 @p2 s25, $0x9;
	s18 =	simm.s32 @!p2 $0x0;
	_ =	swait.ge @!p1 [sflag:s8], $0x4000  }
0x38: {  	s25 =	sadd.s32 @p2 $0x1, s25;
	s16 =	sadd.s32 s18, s16;
	[sflag:s8] =	ssyncset.done @!p1 $0x0  }
0x39: {  	s18 =	smov.u32 s0;
	s0 =	sand.u32 $0x1, s23;
	[sflag:s8] =	ssyncadd.s32 @!p1 $0xFFFFC000  }
0x3a: {  	s0 =	sadd.s32 $0x1, s0;
	s28 =	simm.s32 @p2 $0x0;
	_ =	strace @!p1 $0x9000004D  }
0x3b: {  	s17 =	smov.u32 s3;
	s3 =	sshll.u32 s18, $0xE;
	_ =	strace @p2 $0x80000049  }
0x3c: {  	[tilespmem:s29], [sflag:s25] =	stream.linear.gather @p2 [hbm4b:s31+s28], $0x200, $0x200038;
	[tilespmem:$0x8400] =	vst v63  }
0x3d: {  	s24 =	sshll.u32 s23, $0x9;
	s30 =	sadd.s32 s5, s13;
	_ =	strace @p2 $0x90000049  }
0x3e: {  	s13 =	smov.u32 s20;
	s20 =	sadd.s32 $0x1, s20;
	_ =	strace $0x8000004A  }
0x3f: {  	s22 =	sor.u32 $0x400, s3;
	s8 =	sand.u32 $0x200, s24;
	_ =	swait.ge [sflag:s0], $0x200  }
0x40: {  	p6 =	sne.s32 s14, $0x1;
	s24 =	sor.u32 $0x180, s8;
	[sflag:s0] =	ssyncset.done $0x0  }
0x41: {  	p1 =	por p0, p0;
	p0 =	seq.s32 s14, $0x8;
	[sflag:s0] =	ssyncadd.s32 $0xFFFFFE00  }
0x42: {  	s25 =	sor.u32 $0x3400, s3;
	s28 =	sor.u32 $0x1400, s3;
	_ =	strace $0x9000004A  }
0x43: {  	s29 =	sor.u32 $0x80, s8;
	s3 =	sor.u32 $0x2400, s3;
	_ =	strace $0x8000004B  }
0x44: {  	[tilespmem:s22], [sflag:$0x5] =	stream.indirect.gather [hbm4b:s1+s9], $0x80, s8, s9, $0x2000b8;
	[tilespmem:$0x8400] =	vst v63  }
0x45: {  	s31 =	sor.u32 $0x100, s8;
	p2 =	seq.s32 s20, $0x8;
	s8 =	simm.s32 $0x1  }
0x46: {  	s20 =	simm.s32 @p2 $0x0;
	_ =	swait.ge [sflag:s10], $0x1000;
	s8 =	simm.s32 @!p3 $0x0  }
0x47: {  	p3 =	sne.s32 s13, s20;
	[sflag:s10] =	ssyncset.done $0x0;
	s15 =	sadd.s32 s8, s15  }
0x48: {  	p2 =	por !p6, !p3;
	p6 =	seq.s32 s26, $0x1;
	[sflag:s10] =	ssyncadd.s32 $0xFFFFF000  }
0x49: {  	[tilespmem:s28], [sflag:$0x5] =	stream.indirect.gather [hbm4b:s1+s9], $0x80, s29, s9, $0x2000b8;
	[tilespmem:$0x8400] =	vst v63  }
.Ltmp0:
0x4a: {  	p2 =	por !p2, !p2;
	_ =	swait.ge [sflag:s10], $0x1000;
	(pc) =	sbr.rel @p5 .LBB2_2-.Ltmp0, $4  }
0x4b: {  	p6 =	por p6, p4;
	s29 =	simm.s32 $0x1;
	[sflag:s10] =	ssyncset.done $0x0  }
0x4c: {  	s28 =	sshll.u32 @p6 s30, $0xB;
	s29 =	simm.s32 @!p6 $0x0;
	[sflag:s10] =	ssyncadd.s32 $0xFFFFF000  }
0x4d: {  	[tilespmem:s3], [sflag:$0x5] =	stream.indirect.gather [hbm4b:s1+s9], $0x80, s31, s9, $0x2000b8;
	[tilespmem:$0x8400] =	vst v63  }
0x4e: {  	s30 =	sadd.s32 @p2 s5, s20;
	s21 =	sadd.s32 s29, s21;
	_ =	swait.ge [sflag:s10], $0x1000  }
0x4f: {  	[sflag:s10] =	ssyncset.done $0x0  }
0x50: {  	[sflag:s10] =	ssyncadd.s32 $0xFFFFF000  }
0x51: {  	[tilespmem:s25], [sflag:$0x5] =	stream.indirect.gather [hbm4b:s1+s9], $0x80, s24, s9, $0x2000b8;
	[tilespmem:$0x8400] =	vst v63  }
0x52: {  	_ =	swait.ge [sflag:s10], $0x1000  }
0x53: {  	[sflag:s10] =	ssyncset.done $0x0  }
0x54: {  	[sflag:s10] =	ssyncadd.s32 $0xFFFFF000  }
0x55: {  	_ =	strace $0x9000004B  }
0x56: {  	_ =	strace @p6 $0x8000004C  }
0x57: {  	s3 =	sand.u32 @p6 $0x1FFFF800, s28;
	s0 =	rddreg [dreg:$0x3]  }
0x58: {  	s8 =	sadd.s32 @p6 $0x3, s18;
	s18 =	simm.s32 @p6 $0x0;
	s0 =	sadd.s32 @p6 s0, s3  }
0x59: {  	[hbm4b:s0+s18] =	stream.linear.scatter @p6 [tilespmem:s22], [sflag:s8], $0x4000, $0x200038;
	[tilespmem:$0x8400] =	vst v63  }
0x5a: {  	s3 =	sshll.u32 @p2 s30, $0x9;
	_ =	strace @p6 $0x9000004C  }
0x5b: {  	s0 =	sshll.u32 @p2 s20, $0x9;
	s8 =	sadd.s32 @!p1 $0x3, s17;
	_ =	strace @!p1 $0x8000004D  }
0x5c: {  	s3 =	sand.u32 @p2 $0xFFFFFC00, s3;
	s0 =	sand.u32 @p2 $0x200, s0;
	_ =	swait.ge @!p1 [sflag:s8], $0x4000  }
0x5d: {  	s23 =	sadd.s32 s29, s23;
	s0 =	sor.u32 @p2 s0, s3;
	[sflag:s8] =	ssyncset.done @!p1 $0x0  }
0x5e: {  	s16 =	sand.u32 @p2 $0x1, s16;
	s0 =	sshrl.u32 @p2 s0, $0x3;
	[sflag:s8] =	ssyncadd.s32 @!p1 $0xFFFFC000  }
0x5f: {  	s3 =	sshll.u32 @p2 s16, $0x9;
	s0 =	sadd.s32 @p2 s4, s0;
	_ =	strace @!p1 $0x9000004D  }
0x60: {  	s8 =	sadd.s32 @p2 $0x1, s16;
	s16 =	simm.s32 @p2 $0x0;
	_ =	strace @p2 $0x80000049  }
0x61: {  	[tilespmem:s3], [sflag:s8] =	stream.linear.gather @p2 [hbm4b:s0+s16], $0x200, $0x200038;
	[tilespmem:$0x8400] =	vst v63  }
0x62: {  	s24 =	sand.u32 $0x1, s23;
	_ =	strace @p2 $0x90000049  }
0x63: {  	s0 =	sadd.s32 $0x1, s24;
	_ =	strace $0x8000004A  }
0x64: {  	_ =	swait.ge [sflag:s0], $0x200  }
0x65: {  	[sflag:s0] =	ssyncset.done $0x0  }
0x66: {  	s3 =	sand.u32 $0x1, s21;
	[sflag:s0] =	ssyncadd.s32 $0xFFFFFE00  }
0x67: {  	s26 =	sshll.u32 s23, $0x9;
	s25 =	sshll.u32 s3, $0xE;
	_ =	strace $0x9000004A  }
0x68: {  	s8 =	sand.u32 $0x200, s26;
	s16 =	sor.u32 $0x400, s25;
	_ =	strace $0x8000004B  }
0x69: {  	[tilespmem:s16], [sflag:$0x5] =	stream.indirect.gather [hbm4b:s1+s9], $0x80, s8, s9, $0x2000b8;
	[tilespmem:$0x8400] =	vst v63  }
0x6a: {  	_ =	swait.ge [sflag:s10], $0x1000  }
0x6b: {  	[sflag:s10] =	ssyncset.done $0x0  }
0x6c: {  	s29 =	sor.u32 $0x80, s8;
	s28 =	sor.u32 $0x1400, s25;
	[sflag:s10] =	ssyncadd.s32 $0xFFFFF000  }
0x6d: {  	[tilespmem:s28], [sflag:$0x5] =	stream.indirect.gather [hbm4b:s1+s9], $0x80, s29, s9, $0x2000b8;
	[tilespmem:$0x8400] =	vst v63  }
0x6e: {  	_ =	swait.ge [sflag:s10], $0x1000  }
0x6f: {  	[sflag:s10] =	ssyncset.done $0x0  }
0x70: {  	s31 =	sor.u32 $0x100, s8;
	s30 =	sor.u32 $0x2400, s25;
	[sflag:s10] =	ssyncadd.s32 $0xFFFFF000  }
0x71: {  	[tilespmem:s30], [sflag:$0x5] =	stream.indirect.gather [hbm4b:s1+s9], $0x80, s31, s9, $0x2000b8;
	[tilespmem:$0x8400] =	vst v63  }
0x72: {  	_ =	swait.ge [sflag:s10], $0x1000  }
0x73: {  	[sflag:s10] =	ssyncset.done $0x0  }
0x74: {  	s0 =	sor.u32 $0x3400, s25;
	s8 =	sor.u32 $0x180, s8;
	[sflag:s10] =	ssyncadd.s32 $0xFFFFF000  }
0x75: {  	[tilespmem:s0], [sflag:$0x5] =	stream.indirect.gather [hbm4b:s1+s9], $0x80, s8, s9, $0x2000b8;
	[tilespmem:$0x8400] =	vst v63  }
0x76: {  	_ =	swait.ge [sflag:s10], $0x1000  }
0x77: {  	[sflag:s10] =	ssyncset.done $0x0  }
0x78: {  	p5 =	por p3, p3;
	p6 =	seq.s32 s14, $0x1;
	[sflag:s10] =	ssyncadd.s32 $0xFFFFF000  }
0x79: {  	p1 =	por p6, p5;
	s0 =	sadd.s32 s5, s13;
	_ =	strace $0x9000004B  }
0x7a: {  	s0 =	sshll.u32 @p1 s0, $0xB;
	_ =	strace @p1 $0x8000004C  }
0x7b: {  	s0 =	sand.u32 @p1 $0x1FFFF800, s0;
	s8 =	rddreg [dreg:$0x3]  }
0x7c: {  	s3 =	sadd.s32 @p1 $0x3, s3;
	s13 =	simm.s32 @p1 $0x0;
	s0 =	sadd.s32 @p1 s8, s0  }
0x7d: {  	[hbm4b:s0+s13] =	stream.linear.scatter @p1 [tilespmem:s16], [sflag:s3], $0x4000, $0x200038;
	[tilespmem:$0x8400] =	vst v63  }
0x7e: {  	s0 =	sand.u32 @!p0 $0x1, s15;
	p0 =	por p0, p0;
	_ =	strace @p1 $0x9000004C  }
0x7f: {  	s0 =	sadd.s32 @!p0 $0x3, s0;
	_ =	strace @!p0 $0x8000004D  }
0x80: {  	_ =	swait.ge @!p0 [sflag:s0], $0x4000  }
0x81: {  	[sflag:s0] =	ssyncset.done @!p0 $0x0  }
0x82: {  	s12 =	sadd.s32 $0x1, s12;
	[sflag:s0] =	ssyncadd.s32 @!p0 $0xFFFFC000  }
0x83: {  	_ =	strace @!p0 $0x9000004D;
	p0 =	sne.s32 s12, s7  }
.Ltmp1:
0x84: {  	_ =	strace $0x8000004E;
	(pc) =	sbr.rel @p0 .LBB2_1-.Ltmp1, $4  }
0x85: {  	_ =	swait.ge [sflag:s11], $0x4000  }
0x86: {  	[sflag:s11] =	ssyncset.done $0x0  }
0x87: {  	[sflag:s11] =	ssyncadd.s32 $0xFFFFC000  }
0x88: {  	_ =	strace $0x9000004E  }
0x89: {  	_ =	sfence.sel $0x180000  }
0x8a: {  	[bflag:$0x0] =	sbarrier.arrive $0xFFFF  }
0x8b: {  	_ =	strace $0x90000047  }
0x8c: {  	s0 =	stileid.u32;
	[bflag:$0x2] =	sbarrier.arrive $0xFFFF  }
0x8d: {  	p0 =	sne.s32 s0, $0x0;
	s0 =	rddreg [dreg:$0x2]  }
0x8e: {  	s0 =	sadd.s32 @!p0 $0x100000, s0  }
0x8f: {  	[sflag:s0] =	ssyncadd.tile.s32 @!p0 $0x1;
	_ =	shalt  }
.Lfunc_end2:
_tile_overlayer_lowered:
.L_overlay_start_2:
0x90: {  	(tag) =	ssettag $0x2  }
0x91: {  	s0 =	rddreg [dreg:$0x0];
	s2 =	stileid.u32  }
0x92: {  	s1 =	rddreg [dreg:$0x1];
	p0 =	sne.s32 s2, $0x0  }
0x93: {  	s3 =	rddreg [dreg:$0x2];
	[bflag:$0x3] =	sbarrier.arrive $0xFFFF;
	s2 =	simm.s32 @!p0 $0x1C01  }
0x94: {  	[timem:s3], [sflag:s2] =	dma.local @!p0 [hbm:s0], s1  }
0x95: {  	s0 =	simm.s32 @!p0 $0x1  }
0x96: {  	_ =	swait.ge @!p0 [sflag:s0], s1  }
0x97: {  	s1 =	ssub.s32 @!p0 $0x0, s1;
	[sflag:s0] =	ssyncset.done @!p0 $0x0  }
0x98: {  	[sflag:s0] =	ssyncadd.s32 @!p0 s1  }
0x99: {  	[bflag:$0x3] =	sbarrier.arrive $0xFFFF  }
0x9a: {  	_ =	shalt  }

// kernel: kernel.8.cloned.1.call-start
scs
__scs_entry_jumppad:
0x0: {  	(pc) =	sbr.rel $0x88, $3  }
0x1: {  	(tag) =	ssettag $0x0;
	lr =	simm.s32 $0x1  }
0x2: {  	[smem:$0x3F90] =	sst lr;
	_ =	strace $0xD0000000  }
0x3: {  	_ = 	snop  }
0x4: {  	_ = 	snop  }
0x5: {  	_ = 	snop  }
0x6: {  	_ = 	snop  }
0x7: {  	_ = 	snop  }
__scs_overlays_trampoline_lowered:
0x8: {  	[smem:$0x3F9F] =	sst s0  }
0x9: {  	[smem:$0x3FA0] =	sst s1  }
0xa: {  	[smem:$0x3FA1] =	sst s2  }
0xb: {  	[smem:$0x3FA2] =	sst s3  }
0xc: {  	[smem:$0x3FA3] =	sst s4  }
0xd: {  	[smem:$0x3FA4] =	sst s5  }
0xe: {  	[smem:$0x3FA5] =	sst s6  }
0xf: {  	[smem:$0x3FA6] =	sst s7  }
0x10: {  	[smem:$0x3FA7] =	sst s8  }
0x11: {  	[smem:$0x3FA8] =	sst s9;
	s0 =	simm.s32 @!p0 $0x0  }
0x12: {  	s1 =	sld [smem:$0x3F8E];
	s0 =	simm.s32 @p0 $0x1  }
0x13: {  	[smem:$0x3FA9] =	sst s0;
	s0 =	simm.s32 @!p1 $0x0  }
0x14: {  	s2 =	sld [smem:$0x3F8D];
	s0 =	simm.s32 @p1 $0x1  }
0x15: {  	[smem:$0x3FAA] =	sst s0;
	s0 =	simm.s32 @!p2 $0x0  }
0x16: {  	s3 =	sld [smem:$0x3FDB];
	s0 =	simm.s32 @p2 $0x1  }
0x17: {  	s4 =	simm.s32 $0x1BF5;
	[smem:$0x3FAC] =	sst s0  }
0x18: {  	s0 =	sld [smem:$0x3F8F];
	_ =	swait.ge [sflag:s4], $0x0  }
0x19: {  	s7 =	sld [smem:$0x3F90]  }
0x1a: {  	s8 =	sadd.s32 $0xFFFFE003, lr  }
0x1b: {  	s9 =	sadd.s32 $0xFFFFFEF7, lr;
	s5 =	simm.s32 $0xFFFFFFFF;
	p2 =	slt.u32 s8, $0xFFFFF086  }
0x1c: {  	p1 =	slt.u32 s9, $0xF7A;
	s5 =	simm.s32 @!p2 $0x0  }
0x1d: {  	s5 =	simm.s32 @p1 $0x1;
	p0 =	seq.s32 s7, s2  }
0x1e: {  	s7 =	smul.u32 @!p0 $0xF7A, s2;
	p2 =	seq.s32 @!p0 s5, $0x0  }
0x1f: {  	s9 =	smul.u32 $0xF7A, s1;
	s8 =	simm.s32 @!p0 $0x1BF5;
	p2 =	por !p2, p0  }
0x20: {  	[sflag:s8] =	ssyncset.s32 @!p0 $0xFFFFF086;
	s6 =	sadd.s32 @!p0 s3, s7;
	s7 =	simm.s32 @!p0 $0x108  }
0x21: {  	s3 =	sadd.s32 s3, s9;
	s6 =	sadd.s32 @!p0 $0x88, s6;
	s7 =	simm.s32 @p2 $0x1082  }
0x22: {  	[simem:s7], [sflag:s8] =	dma.local @!p0 [hbm:s6], $0xF7A  }
0x23: {  	s9 =	sor.u32 $0xD0000000, s2;
	s6 =	simm.s32 $0x108;
	_ =	swait.ge @!p0 [sflag:s8], $0x0  }
0x24: {  	s3 =	sadd.s32 $0x88, s3;
	s6 =	simm.s32 @!p1 $0x1082;
	[sflag:s4] =	ssyncset.s32 $0xFFFFF086  }
0x25: {  	[simem:s6], [sflag:s4] =	dma.local [hbm:s3], $0xF7A  }
0x26: {  	[smem:$0x3F90] =	sst s1;
	(tag) =	ssettag s2;
	_ =	strace s9  }
0x27: {  	s1 =	sld [smem:$0x3FA0]  }
0x28: {  	s2 =	sld [smem:$0x3FA1]  }
0x29: {  	s4 =	sld [smem:$0x3FA3]  }
0x2a: {  	p0 =	seq.s32 s5, $0x0;
	s5 =	sld [smem:$0x3FA4]  }
0x2b: {  	s6 =	sld [smem:$0x3FA5]  }
0x2c: {  	s7 =	sld [smem:$0x3FA6]  }
0x2d: {  	s3 =	simm.s32 $0x108;
	s8 =	sld [smem:$0x3FA7]  }
0x2e: {  	s3 =	simm.s32 @!p0 $0x1082;
	s9 =	sld [smem:$0x3FA8]  }
0x2f: {  	lr =	sadd.s32 s0, s3;
	s0 =	sld [smem:$0x3F9F]  }
0x30: {  	s3 =	sld [smem:$0x3FA2]  }
0x31: {  	[smem:$0x3FAB] =	sst s10  }
0x32: {  	s10 =	sld [smem:$0x3FA9];
	_ =	sdelay $0x3  }
0x33: {  	p0 =	seq.s32 s10, $0x1;
	s10 =	sld [smem:$0x3FAB];
	_ =	sdelay $0x3  }
0x34: {  	[smem:$0x3FAB] =	sst s10  }
0x35: {  	s10 =	sld [smem:$0x3FAA];
	_ =	sdelay $0x3  }
0x36: {  	p1 =	seq.s32 s10, $0x1;
	s10 =	sld [smem:$0x3FAB];
	_ =	sdelay $0x3  }
0x37: {  	[smem:$0x3FAB] =	sst s10  }
0x38: {  	s10 =	sld [smem:$0x3FAC]  }
0x39: {  	_ = 	snop;
	(pc) =	sbr.ind lr, $3  }
0x3a: {  	_ = 	snop  }
0x3b: {  	_ = 	snop  }
0x3c: {  	p2 =	seq.s32 s10, $0x1;
	s10 =	sld [smem:$0x3FAB]  }
0x3d: {  	_ =	shalt  }
0x3e: {  	_ =	shalt  }
0x3f: {  	_ =	shalt  }
0x40: {  	_ =	shalt  }
0x41: {  	_ =	shalt  }
0x42: {  	_ =	shalt  }
0x43: {  	_ =	shalt  }
0x44: {  	_ =	shalt  }
0x45: {  	_ =	shalt  }
0x46: {  	_ =	shalt  }
0x47: {  	_ =	shalt  }
0x48: {  	_ =	shalt  }
0x49: {  	_ =	shalt  }
0x4a: {  	_ =	shalt  }
0x4b: {  	_ =	shalt  }
0x4c: {  	_ =	shalt  }
0x4d: {  	_ =	shalt  }
0x4e: {  	_ =	shalt  }
0x4f: {  	_ =	shalt  }
0x50: {  	_ =	shalt  }
0x51: {  	_ =	shalt  }
0x52: {  	_ =	shalt  }
0x53: {  	_ =	shalt  }
0x54: {  	_ =	shalt  }
0x55: {  	_ =	shalt  }
0x56: {  	_ =	shalt  }
0x57: {  	_ =	shalt  }
0x58: {  	_ =	shalt  }
0x59: {  	_ =	shalt  }
0x5a: {  	_ =	shalt  }
0x5b: {  	_ =	shalt  }
0x5c: {  	_ =	shalt  }
0x5d: {  	_ =	shalt  }
0x5e: {  	_ =	shalt  }
0x5f: {  	_ =	shalt  }
0x60: {  	_ =	shalt  }
0x61: {  	_ =	shalt  }
0x62: {  	_ =	shalt  }
0x63: {  	_ =	shalt  }
0x64: {  	_ =	shalt  }
0x65: {  	_ =	shalt  }
0x66: {  	_ =	shalt  }
0x67: {  	_ =	shalt  }
0x68: {  	_ =	shalt  }
0x69: {  	_ =	shalt  }
0x6a: {  	_ =	shalt  }
0x6b: {  	_ =	shalt  }
0x6c: {  	_ =	shalt  }
0x6d: {  	_ =	shalt  }
0x6e: {  	_ =	shalt  }
0x6f: {  	_ =	shalt  }
0x70: {  	_ =	shalt  }
0x71: {  	_ =	shalt  }
0x72: {  	_ =	shalt  }
0x73: {  	_ =	shalt  }
0x74: {  	_ =	shalt  }
0x75: {  	_ =	shalt  }
0x76: {  	_ =	shalt  }
0x77: {  	_ =	shalt  }
0x78: {  	_ =	shalt  }
0x79: {  	_ =	shalt  }
0x7a: {  	_ =	shalt  }
0x7b: {  	_ =	shalt  }
0x7c: {  	_ =	shalt  }
0x7d: {  	_ =	shalt  }
0x7e: {  	_ =	shalt  }
0x7f: {  	_ =	shalt  }
0x80: {  	_ =	shalt  }
0x81: {  	_ =	shalt  }
0x82: {  	_ =	shalt  }
0x83: {  	_ =	shalt  }
0x84: {  	_ =	shalt  }
0x85: {  	_ =	shalt  }
0x86: {  	_ =	shalt  }
0x87: {  	_ =	shalt  }
.Lfunc_end0:
.L_simem_size_0:
called_computation_lowered:
.L_overlay_start_0:
0x88: {  	s2 =	sld [smem:$0x3FD9]  }
0x89: {  	s3 =	sld [smem:$0x3FFE];
	_ =	sdelay $0x1  }
0x8a: {  	s1 =	srdreg.scid  }
0x8b: {  	s0 =	sand.u32 $0x1, s1  }
0x8c: {  	s17 =	sshll.u32 s0, $0xA;
	s2 =	sadd.s32 s3, s2  }
0x8d: {  	s2 =	sadd.s32 s2, s17  }
0x8e: {  	[smem:$0x3FB7] =	sst s2  }
0x8f: {  	_ = 	snop  }
0x90: {  	(tm) =	ssettm $0x1  }
0x91: {  	s18 =	sld [smem:$0x3FFB];
	_ =	sdelay $0x3  }
0x92: {  	_ =	strace s18  }
0x93: {  	s2 =	sld [smem:$0x3FFC];
	_ =	sdelay $0x3  }
0x94: {  	_ =	strace s2  }
0x95: {  	s2 =	sld [smem:$0x3FFD];
	_ =	sdelay $0x3  }
0x96: {  	_ =	strace s2  }
0x97: {  	_ =	strace $0x8FFFFFFF  }
0x98: {  	s19 =	sld [smem:$0x3FDB];
	_ =	sdelay $0x1  }
0x99: {  	s20 =	simm.s32 $_scs_section_size  }
0x9a: {  	s4 =	simm.s32 $_size__tile_overlayer_lowered;
	s5 =	simm.s32 $_tile_overlayer_lowered  }
0x9b: {  	s6 =	simm.s32 $0x1BFF;
	s21 =	sshll.u32 s5, $0x1;
	s3 =	sadd.s32 s20, s19  }
0x9c: {  	s22 =	simm.s32 $0x0;
	s4 =	sshll.u32 s4, $0x1;
	s5 =	sadd.s32 s21, s3  }
0x9d: {  	[timem:s22], [sflag:s6] =	dma.local [hbm:s5], s4  }
0x9e: {  	_ =	swait.ge [sflag:s6], s4  }
0x9f: {  	s4 =	ssub.s32 $0x0, s4;
	[sflag:s6] =	ssyncset.done $0x0  }
0xa0: {  	[sflag:s6] =	ssyncadd.s32 s4;
	_ =	sdelay $0x1  }
0xa1: {  	s23 =	simm.s32 $0x1B8B  }
0xa2: {  	_ =	swait.ge [sflag:s23], $0x1  }
0xa3: {  	[sflag:s23] =	ssyncset.done $0x0  }
0xa4: {  	[sflag:s23] =	ssyncadd.s32 $0xFFFFFFFF  }
0xa5: {  	s4 =	sld [smem:$0x0]  }
0xa6: {  	s5 =	sand.u32 $0xFFFFFFFE, s1  }
0xa7: {  	p0 =	sne.s32 s1, s5  }
0xa8: {  	s5 =	sshll.u32 @p0 s5, $0xE  }
0xa9: {  	s5 =	sadd.s32 @p0 $0x11B8D, s5;
	s6 =	sshll.u32 @p0 s4, $0x11  }
0xaa: {  	s5 =	sor.u32 @p0 s6, s5  }
0xab: {  	[sflag:s5] =	ssyncadd.remote.s32 @p0 $0x1;
	_ =	sdelay $0x1  }
0xac: {  	s5 =	simm.s32 @p0 $0x1B8D  }
0xad: {  	_ =	swait.eq @p0 [sflag:s5], $0x1  }
0xae: {  	[sflag:s5] =	ssyncadd.s32 @p0 $0xFFFFFFFF  }
0xaf: {  	s6 =	sshll.u32 @!p0 s1, $0xE  }
0xb0: {  	s6 =	sor.u32 @!p0 $0x4000, s6;
	s5 =	simm.s32 @!p0 $0x1B8D  }
0xb1: {  	s4 =	sshll.u32 @!p0 s4, $0x11;
	s6 =	sadd.s32 @!p0 $0x11B8D, s6;
	_ =	swait.eq @!p0 [sflag:s5], $0x1  }
0xb2: {  	s4 =	sor.u32 @!p0 s4, s6;
	[sflag:s5] =	ssyncadd.s32 @!p0 $0xFFFFFFFF  }
0xb3: {  	s25 =	simm.s32 $0x1B8E;
	s24 =	sld [smem:$0x3FFE];
	[sflag:s4] =	ssyncadd.remote.s32 @!p0 $0x1  }
0xb4: {  	s26 =	simm.s32 $execute0_lowered;
	[smem:$0x3FD2] =	sst s25  }
0xb5: {  	s5 =	sshll.u32 s26, $0x1;
	_ =	strace $0x80000050;
	[dreg:$0x1] =	wrdreg $0xFFFFFFFF  }
0xb6: {  	s28 =	simm.s32 $_size_execute0_lowered;
	s3 =	sadd.s32 s3, s5;
	[dreg:$0x0] =	wrdreg $0x0  }
0xb7: {  	s5 =	sshll.u32 s28, $0x1;
	[dreg:$0x2] =	wrdreg s3  }
0xb8: {  	[dreg:$0x3] =	wrdreg s5  }
0xb9: {  	[dreg:$0x4] =	wrdreg $0xC0  }
0xba: {  	_ =	task [dreg:s22], $0x5FFFF  }
0xbb: {  	[dreg:$0x1] =	wrdreg $0xFFFFFFFF  }
0xbc: {  	[dreg:$0x0] =	wrdreg $0x60  }
0xbd: {  	[dreg:$0x2] =	wrdreg s24  }
0xbe: {  	[dreg:$0x3] =	wrdreg $0x9  }
0xbf: {  	_ =	task.clear_ibuf [dreg:s22], $0x4FFFF;
	_ =	strace $0x90000050  }
0xc0: {  	s29 =	simm.s32 $0x9;
	_ =	strace $0x80000059  }
0xc1: {  	_ =	swait.ge [sflag:s29], $0x1  }
0xc2: {  	[sflag:s29] =	ssyncadd.s32 $0xFFFFFFFF  }
0xc3: {  	_ =	strace $0x90000059  }
0xc4: {  	_ =	sfence  }
0xc5: {  	s30 =	sld [smem:$0x0];
	_ =	sdelay $0x2  }
0xc6: {  	s31 =	sshll.u32 s1, $0xD;
	s1 =	sshrl.u32 s1, $0x2  }
0xc7: {  	s4 =	sand.u32 $0x4000, s31;
	s1 =	sadd.s32 s1, s30  }
0xc8: {  	s0 =	sor.u32 s4, s0;
	s1 =	sshll.u32 s1, $0x11  }
0xc9: {  	s0 =	sor.u32 s1, s0  }
0xca: {  	s0 =	sadd.s32 $0x8F2B, s0  }
0xcb: {  	[sflag:s0] =	ssyncadd.remote.s32 $0x1  }
0xcc: {  	_ =	sfence.sel $0xFFFF  }
0xcd: {  	[dreg:$0x0] =	wrdreg $0xFFFFFFFF;
	(pc) =	sbr.abs _section_cstart, $3  }
0xce: {  	[dreg:$0x1] =	wrdreg $0xFFFFFFFF  }
0xcf: {  	_ =	task.clear_ibuf [dreg:s22], $0x2FFFF;
	_ =	strace $0x9FFFFFFF  }
0xd0: {  	(tm) =	ssettm $0x7FFFFFFF  }
0xd1: {  	_ =	shalt  }
tec
execute0_lowered:
.L_overlay_start_1:
0x0: {  	(tag) =	ssettag $0x1  }
0x1: {  	s5 =	rddreg [dreg:$0x0];
	s1 =	simm.s32 $0x0;
	s2 =	srdreg.scid  }
0x2: {  	s0 =	stileid.u32;
	s10 =	simm.s32 $0x5;
	s11 =	simm.s32 $0x4  }
0x3: {  	s12 =	simm.s32 $0x0;
	[smem:$0x7FF] =	sst s1;
	s3 =	sadd.s32 $0x87E00, s5  }
0x4: {  	s6 =	sand.u32 $0x1, s2;
	s4 =	sadd.s32 $0x8BE00, s5;
	s5 =	sadd.s32 $0x8FE00, s5  }
0x5: {  	_ =	strace $0x80000051;
	s7 =	sshll.u32 s6, $0x4;
	s6 =	ssub.s32 $0x2, s6  }
0x6: {  	[dreg:$0x2] =	wrdreg s5;
	s7 =	sor.u32 s0, s7;
	s31 =	sshrl.u32 s6, $0x1  }
0x7: {  	s8 =	sshll.u32 s7, $0x9;
	s9 =	ssub.s32 s6, s31;
	s5 =	sshll.u32 s7, $0x3  }
0x8: {  	s6 =	sadd.s32 s4, s8;
	s7 =	smax.u32 s9, $0x1;
	s9 =	simm.s32 $0x20  }
.LBB2_1:
0x9: {  	_ =	strace $0x80000052  }
0xa: {  	s13 =	simm.s32 $0x1;
	p0 =	por $0x0, $0x0;
	p5 =	por $0x1, $0x1  }
0xb: {  	s14 =	simm.s32 $0x7;
	s18 =	sand.u32 $0x1, s1;
	s0 =	simm.s32 $0x1  }
0xc: {  	[tilespmem:s1], [sflag:$0x1] =	stream.linear.gather [hbm4b:s6+s1], $0x200, $0x200038;
	[tilespmem:$0x8400] =	vst v63  }
0xd: {  	s19 =	simm.s32 $0x6;
	s26 =	simm.s32 $0x0;
	s13 =	simm.s32 @p0 $0x0  }
0xe: {  	s30 =	sadd.s32 $0x0, s5;
	p3 =	por $0x0, $0x0;
	p2 =	sne.s32 s13, $0x0  }
0xf: {  	p6 =	por $0x1, $0x1;
	s29 =	simm.s32 $0x1;
	p0 =	por !p5, !p2  }
0x10: {  	s2 =	sadd.s32 $0x1, s18;
	s8 =	sshll.u32 s18, $0xE;
	p1 =	por !p0, !p0  }
0x11: {  	_ =	strace $0x90000052;
	s22 =	sor.u32 $0x400, s8;
	s15 =	sadd.s32 @p1 s5, s13  }
0x12: {  	s25 =	sor.u32 $0x3400, s8;
	s16 =	sshll.u32 @p1 s13, $0x9;
	s15 =	sshll.u32 @p1 s15, $0x9  }
0x13: {  	s23 =	sor.u32 $0x1400, s8;
	s16 =	sand.u32 @p1 $0x200, s16;
	s15 =	sand.u32 @p1 $0xFFFFFC00, s15  }
0x14: {  	p4 =	por p2, p2;
	s17 =	sand.u32 @p1 $0x1, s0;
	s15 =	sor.u32 @p1 s16, s15  }
0x15: {  	_ =	strace @p1 $0x80000053;
	s21 =	simm.s32 @p1 $0x0;
	s15 =	sshrl.u32 @p1 s15, $0x3  }
0x16: {  	s20 =	sshll.u32 @p1 s17, $0x9;
	s17 =	sadd.s32 @p1 $0x1, s17;
	s15 =	sadd.s32 @p1 s4, s15  }
0x17: {  	[tilespmem:s20], [sflag:s17] =	stream.linear.gather @p1 [hbm4b:s15+s21], $0x200, $0x200038;
	[tilespmem:$0x8400] =	vst v63  }
0x18: {  	p5 =	por $0x0, $0x0;
	s16 =	simm.s32 $0x1;
	_ =	strace @p1 $0x90000053  }
0x19: {  	p0 =	por $0x1, $0x1;
	s16 =	simm.s32 @!p1 $0x0;
	_ =	strace $0x80000054  }
0x1a: {  	s16 =	sadd.s32 $0x1, s16;
	s17 =	sand.u32 @!p0 $0x1, s1;
	_ =	swait.ge [sflag:s2], $0x200  }
0x1b: {  	s21 =	sand.u32 $0x200, s26;
	s26 =	sor.u32 $0x2400, s8;
	[sflag:s2] =	ssyncset.done $0x0  }
0x1c: {  	s20 =	sadd.s32 $0x1, s13;
	s24 =	sor.u32 $0x180, s21;
	[sflag:s2] =	ssyncadd.s32 $0xFFFFFE00  }
0x1d: {  	p1 =	por p0, p0;
	s31 =	sor.u32 $0x80, s21;
	_ =	strace $0x90000054  }
0x1e: {  	s28 =	sor.u32 $0x100, s21;
	p0 =	por $0x0, $0x0;
	_ =	strace $0x80000055  }
0x1f: {  	[tilespmem:s22], [sflag:$0x5] =	stream.indirect.gather [hbm4b:s3+s9], $0x80, s21, s9, $0x2000b8;
	[tilespmem:$0x8400] =	vst v63  }
0x20: {  	p2 =	seq.s32 s20, $0x8;
	s21 =	simm.s32 $0x1;
	_ =	swait.ge [sflag:s10], $0x1000  }
0x21: {  	s20 =	simm.s32 @p2 $0x0;
	s21 =	simm.s32 @!p3 $0x0;
	[sflag:s10] =	ssyncset.done $0x0  }
0x22: {  	p3 =	sne.s32 s13, s20;
	s15 =	sadd.s32 $0x0, s21;
	[sflag:s10] =	ssyncadd.s32 $0xFFFFF000  }
0x23: {  	[tilespmem:s23], [sflag:$0x5] =	stream.indirect.gather [hbm4b:s3+s9], $0x80, s31, s9, $0x2000b8;
	[tilespmem:$0x8400] =	vst v63  }
0x24: {  	p2 =	por !p6, !p3;
	p6 =	por p5, p4;
	_ =	swait.ge [sflag:s10], $0x1000  }
0x25: {  	p2 =	por !p2, !p2;
	s29 =	simm.s32 @!p6 $0x0;
	[sflag:s10] =	ssyncset.done $0x0  }
0x26: {  	s21 =	sadd.s32 $0x0, s29;
	s23 =	simm.s32 $0x0;
	[sflag:s10] =	ssyncadd.s32 $0xFFFFF000  }
0x27: {  	[tilespmem:s26], [sflag:$0x5] =	stream.indirect.gather [hbm4b:s3+s9], $0x80, s28, s9, $0x2000b8;
	[tilespmem:$0x8400] =	vst v63  }
0x28: {  	s28 =	sshll.u32 @p6 s30, $0xB;
	s30 =	sadd.s32 @p2 s5, s20;
	_ =	swait.ge [sflag:s10], $0x1000  }
.LBB2_2:
0x29: {  	s31 =	sshll.u32 @p2 s20, $0x9;
	s0 =	sand.u32 $0x1, s21;
	[sflag:s10] =	ssyncset.done $0x0  }
0x2a: {  	s26 =	smov.u32 s14;
	s14 =	smov.u32 s19;
	[sflag:s10] =	ssyncadd.s32 $0xFFFFF000  }
0x2b: {  	[tilespmem:s25], [sflag:$0x5] =	stream.indirect.gather [hbm4b:s3+s9], $0x80, s24, s9, $0x2000b8;
	[tilespmem:$0x8400] =	vst v63  }
0x2c: {  	p4 =	por p3, p3;
	s30 =	sshll.u32 @p2 s30, $0x9;
	_ =	swait.ge [sflag:s10], $0x1000  }
0x2d: {  	s23 =	sadd.s32 s29, s23;
	s19 =	sadd.s32 $0xFFFFFFFF, s19;
	[sflag:s10] =	ssyncset.done $0x0  }
0x2e: {  	s31 =	sand.u32 @p2 $0x200, s31;
	s24 =	sand.u32 @p2 $0xFFFFFC00, s30;
	[sflag:s10] =	ssyncadd.s32 $0xFFFFF000  }
0x2f: {  	s2 =	sand.u32 @!p0 $0x1, s15;
	s24 =	sor.u32 @p2 s31, s24;
	_ =	strace $0x90000055  }
0x30: {  	s28 =	sand.u32 @p6 $0x1FFFF800, s28;
	s24 =	sshrl.u32 @p2 s24, $0x3;
	_ =	strace @p6 $0x80000056  }
0x31: {  	s8 =	simm.s32 @p6 $0x0;
	s31 =	sadd.s32 @p2 s4, s24;
	s24 =	rddreg [dreg:$0x2]  }
0x32: {  	p5 =	sne.s32 s19, $0x0;
	s30 =	sadd.s32 @p6 $0x3, s18;
	s24 =	sadd.s32 @p6 s24, s28  }
0x33: {  	[hbm4b:s24+s8] =	stream.linear.scatter @p6 [tilespmem:s22], [sflag:s30], $0x4000, $0x200038;
	[tilespmem:$0x8400] =	vst v63  }
0x34: {  	p3 =	sne.s32 s26, $0x8;
	s25 =	sand.u32 @p2 $0x1, s16;
	_ =	strace @p6 $0x90000056  }
0x35: {  	s18 =	simm.s32 $0x1;
	s8 =	sadd.s32 @!p1 $0x3, s17;
	_ =	strace @!p1 $0x80000057  }
0x36: {  	s29 =	sshll.u32 @p2 s25, $0x9;
	s18 =	simm.s32 @!p2 $0x0;
	_ =	swait.ge @!p1 [sflag:s8], $0x4000  }
0x37: {  	s25 =	sadd.s32 @p2 $0x1, s25;
	s16 =	sadd.s32 s18, s16;
	[sflag:s8] =	ssyncset.done @!p1 $0x0  }
0x38: {  	s18 =	smov.u32 s0;
	s0 =	sand.u32 $0x1, s23;
	[sflag:s8] =	ssyncadd.s32 @!p1 $0xFFFFC000  }
0x39: {  	s0 =	sadd.s32 $0x1, s0;
	s28 =	simm.s32 @p2 $0x0;
	_ =	strace @!p1 $0x90000057  }
0x3a: {  	s17 =	smov.u32 s2;
	s2 =	sshll.u32 s18, $0xE;
	_ =	strace @p2 $0x80000053  }
0x3b: {  	[tilespmem:s29], [sflag:s25] =	stream.linear.gather @p2 [hbm4b:s31+s28], $0x200, $0x200038;
	[tilespmem:$0x8400] =	vst v63  }
0x3c: {  	s24 =	sshll.u32 s23, $0x9;
	s30 =	sadd.s32 s5, s13;
	_ =	strace @p2 $0x90000053  }
0x3d: {  	s13 =	smov.u32 s20;
	s20 =	sadd.s32 $0x1, s20;
	_ =	strace $0x80000054  }
0x3e: {  	s22 =	sor.u32 $0x400, s2;
	s8 =	sand.u32 $0x200, s24;
	_ =	swait.ge [sflag:s0], $0x200  }
0x3f: {  	p6 =	sne.s32 s14, $0x1;
	s24 =	sor.u32 $0x180, s8;
	[sflag:s0] =	ssyncset.done $0x0  }
0x40: {  	p1 =	por p0, p0;
	p0 =	seq.s32 s14, $0x8;
	[sflag:s0] =	ssyncadd.s32 $0xFFFFFE00  }
0x41: {  	s25 =	sor.u32 $0x3400, s2;
	s28 =	sor.u32 $0x1400, s2;
	_ =	strace $0x90000054  }
0x42: {  	s29 =	sor.u32 $0x80, s8;
	s2 =	sor.u32 $0x2400, s2;
	_ =	strace $0x80000055  }
0x43: {  	[tilespmem:s22], [sflag:$0x5] =	stream.indirect.gather [hbm4b:s3+s9], $0x80, s8, s9, $0x2000b8;
	[tilespmem:$0x8400] =	vst v63  }
0x44: {  	s31 =	sor.u32 $0x100, s8;
	p2 =	seq.s32 s20, $0x8;
	s8 =	simm.s32 $0x1  }
0x45: {  	s20 =	simm.s32 @p2 $0x0;
	_ =	swait.ge [sflag:s10], $0x1000;
	s8 =	simm.s32 @!p3 $0x0  }
0x46: {  	p3 =	sne.s32 s13, s20;
	[sflag:s10] =	ssyncset.done $0x0;
	s15 =	sadd.s32 s8, s15  }
0x47: {  	p2 =	por !p6, !p3;
	p6 =	seq.s32 s26, $0x1;
	[sflag:s10] =	ssyncadd.s32 $0xFFFFF000  }
0x48: {  	[tilespmem:s28], [sflag:$0x5] =	stream.indirect.gather [hbm4b:s3+s9], $0x80, s29, s9, $0x2000b8;
	[tilespmem:$0x8400] =	vst v63  }
.Ltmp0:
0x49: {  	p2 =	por !p2, !p2;
	_ =	swait.ge [sflag:s10], $0x1000;
	(pc) =	sbr.rel @p5 .LBB2_2-.Ltmp0, $4  }
0x4a: {  	p6 =	por p6, p4;
	s29 =	simm.s32 $0x1;
	[sflag:s10] =	ssyncset.done $0x0  }
0x4b: {  	s28 =	sshll.u32 @p6 s30, $0xB;
	s29 =	simm.s32 @!p6 $0x0;
	[sflag:s10] =	ssyncadd.s32 $0xFFFFF000  }
0x4c: {  	[tilespmem:s2], [sflag:$0x5] =	stream.indirect.gather [hbm4b:s3+s9], $0x80, s31, s9, $0x2000b8;
	[tilespmem:$0x8400] =	vst v63  }
0x4d: {  	s30 =	sadd.s32 @p2 s5, s20;
	s21 =	sadd.s32 s29, s21;
	_ =	swait.ge [sflag:s10], $0x1000  }
0x4e: {  	[sflag:s10] =	ssyncset.done $0x0  }
0x4f: {  	[sflag:s10] =	ssyncadd.s32 $0xFFFFF000  }
0x50: {  	[tilespmem:s25], [sflag:$0x5] =	stream.indirect.gather [hbm4b:s3+s9], $0x80, s24, s9, $0x2000b8;
	[tilespmem:$0x8400] =	vst v63  }
0x51: {  	_ =	swait.ge [sflag:s10], $0x1000  }
0x52: {  	[sflag:s10] =	ssyncset.done $0x0  }
0x53: {  	[sflag:s10] =	ssyncadd.s32 $0xFFFFF000  }
0x54: {  	_ =	strace $0x90000055  }
0x55: {  	_ =	strace @p6 $0x80000056  }
0x56: {  	s2 =	sand.u32 @p6 $0x1FFFF800, s28;
	s0 =	rddreg [dreg:$0x2]  }
0x57: {  	s8 =	sadd.s32 @p6 $0x3, s18;
	s18 =	simm.s32 @p6 $0x0;
	s0 =	sadd.s32 @p6 s0, s2  }
0x58: {  	[hbm4b:s0+s18] =	stream.linear.scatter @p6 [tilespmem:s22], [sflag:s8], $0x4000, $0x200038;
	[tilespmem:$0x8400] =	vst v63  }
0x59: {  	s2 =	sshll.u32 @p2 s30, $0x9;
	_ =	strace @p6 $0x90000056  }
0x5a: {  	s0 =	sshll.u32 @p2 s20, $0x9;
	s8 =	sadd.s32 @!p1 $0x3, s17;
	_ =	strace @!p1 $0x80000057  }
0x5b: {  	s2 =	sand.u32 @p2 $0xFFFFFC00, s2;
	s0 =	sand.u32 @p2 $0x200, s0;
	_ =	swait.ge @!p1 [sflag:s8], $0x4000  }
0x5c: {  	s23 =	sadd.s32 s29, s23;
	s0 =	sor.u32 @p2 s0, s2;
	[sflag:s8] =	ssyncset.done @!p1 $0x0  }
0x5d: {  	s16 =	sand.u32 @p2 $0x1, s16;
	s0 =	sshrl.u32 @p2 s0, $0x3;
	[sflag:s8] =	ssyncadd.s32 @!p1 $0xFFFFC000  }
0x5e: {  	s2 =	sshll.u32 @p2 s16, $0x9;
	s0 =	sadd.s32 @p2 s4, s0;
	_ =	strace @!p1 $0x90000057  }
0x5f: {  	s8 =	sadd.s32 @p2 $0x1, s16;
	s16 =	simm.s32 @p2 $0x0;
	_ =	strace @p2 $0x80000053  }
0x60: {  	[tilespmem:s2], [sflag:s8] =	stream.linear.gather @p2 [hbm4b:s0+s16], $0x200, $0x200038;
	[tilespmem:$0x8400] =	vst v63  }
0x61: {  	s24 =	sand.u32 $0x1, s23;
	_ =	strace @p2 $0x90000053  }
0x62: {  	s0 =	sadd.s32 $0x1, s24;
	_ =	strace $0x80000054  }
0x63: {  	_ =	swait.ge [sflag:s0], $0x200  }
0x64: {  	[sflag:s0] =	ssyncset.done $0x0  }
0x65: {  	s2 =	sand.u32 $0x1, s21;
	[sflag:s0] =	ssyncadd.s32 $0xFFFFFE00  }
0x66: {  	s26 =	sshll.u32 s23, $0x9;
	s25 =	sshll.u32 s2, $0xE;
	_ =	strace $0x90000054  }
0x67: {  	s8 =	sand.u32 $0x200, s26;
	s16 =	sor.u32 $0x400, s25;
	_ =	strace $0x80000055  }
0x68: {  	[tilespmem:s16], [sflag:$0x5] =	stream.indirect.gather [hbm4b:s3+s9], $0x80, s8, s9, $0x2000b8;
	[tilespmem:$0x8400] =	vst v63  }
0x69: {  	_ =	swait.ge [sflag:s10], $0x1000  }
0x6a: {  	[sflag:s10] =	ssyncset.done $0x0  }
0x6b: {  	s29 =	sor.u32 $0x80, s8;
	s28 =	sor.u32 $0x1400, s25;
	[sflag:s10] =	ssyncadd.s32 $0xFFFFF000  }
0x6c: {  	[tilespmem:s28], [sflag:$0x5] =	stream.indirect.gather [hbm4b:s3+s9], $0x80, s29, s9, $0x2000b8;
	[tilespmem:$0x8400] =	vst v63  }
0x6d: {  	_ =	swait.ge [sflag:s10], $0x1000  }
0x6e: {  	[sflag:s10] =	ssyncset.done $0x0  }
0x6f: {  	s31 =	sor.u32 $0x100, s8;
	s30 =	sor.u32 $0x2400, s25;
	[sflag:s10] =	ssyncadd.s32 $0xFFFFF000  }
0x70: {  	[tilespmem:s30], [sflag:$0x5] =	stream.indirect.gather [hbm4b:s3+s9], $0x80, s31, s9, $0x2000b8;
	[tilespmem:$0x8400] =	vst v63  }
0x71: {  	_ =	swait.ge [sflag:s10], $0x1000  }
0x72: {  	[sflag:s10] =	ssyncset.done $0x0  }
0x73: {  	s0 =	sor.u32 $0x3400, s25;
	s8 =	sor.u32 $0x180, s8;
	[sflag:s10] =	ssyncadd.s32 $0xFFFFF000  }
0x74: {  	[tilespmem:s0], [sflag:$0x5] =	stream.indirect.gather [hbm4b:s3+s9], $0x80, s8, s9, $0x2000b8;
	[tilespmem:$0x8400] =	vst v63  }
0x75: {  	_ =	swait.ge [sflag:s10], $0x1000  }
0x76: {  	[sflag:s10] =	ssyncset.done $0x0  }
0x77: {  	p5 =	por p3, p3;
	p6 =	seq.s32 s14, $0x1;
	[sflag:s10] =	ssyncadd.s32 $0xFFFFF000  }
0x78: {  	p1 =	por p6, p5;
	s0 =	sadd.s32 s5, s13;
	_ =	strace $0x90000055  }
0x79: {  	s0 =	sshll.u32 @p1 s0, $0xB;
	_ =	strace @p1 $0x80000056  }
0x7a: {  	s0 =	sand.u32 @p1 $0x1FFFF800, s0;
	s8 =	rddreg [dreg:$0x2]  }
0x7b: {  	s2 =	sadd.s32 @p1 $0x3, s2;
	s13 =	simm.s32 @p1 $0x0;
	s0 =	sadd.s32 @p1 s8, s0  }
0x7c: {  	[hbm4b:s0+s13] =	stream.linear.scatter @p1 [tilespmem:s16], [sflag:s2], $0x4000, $0x200038;
	[tilespmem:$0x8400] =	vst v63  }
0x7d: {  	s0 =	sand.u32 @!p0 $0x1, s15;
	p0 =	por p0, p0;
	_ =	strace @p1 $0x90000056  }
0x7e: {  	s0 =	sadd.s32 @!p0 $0x3, s0;
	_ =	strace @!p0 $0x80000057  }
0x7f: {  	_ =	swait.ge @!p0 [sflag:s0], $0x4000  }
0x80: {  	[sflag:s0] =	ssyncset.done @!p0 $0x0  }
0x81: {  	s12 =	sadd.s32 $0x1, s12;
	[sflag:s0] =	ssyncadd.s32 @!p0 $0xFFFFC000  }
0x82: {  	_ =	strace @!p0 $0x90000057;
	p0 =	sne.s32 s12, s7  }
.Ltmp1:
0x83: {  	_ =	strace $0x80000058;
	(pc) =	sbr.rel @p0 .LBB2_1-.Ltmp1, $4  }
0x84: {  	_ =	swait.ge [sflag:s11], $0x4000  }
0x85: {  	[sflag:s11] =	ssyncset.done $0x0  }
0x86: {  	[sflag:s11] =	ssyncadd.s32 $0xFFFFC000  }
0x87: {  	_ =	strace $0x90000058  }
0x88: {  	_ =	sfence.sel $0x180000  }
0x89: {  	[bflag:$0x0] =	sbarrier.arrive $0xFFFF  }
0x8a: {  	_ =	strace $0x90000051  }
0x8b: {  	s0 =	stileid.u32;
	[bflag:$0x2] =	sbarrier.arrive $0xFFFF  }
0x8c: {  	p0 =	sne.s32 s0, $0x0;
	s0 =	rddreg [dreg:$0x1]  }
0x8d: {  	s0 =	sadd.s32 @!p0 $0x100000, s0  }
0x8e: {  	[sflag:s0] =	ssyncadd.tile.s32 @!p0 $0x1;
	_ =	shalt  }
.Lfunc_end2:
_tile_overlayer_lowered:
.L_overlay_start_2:
0x8f: {  	(tag) =	ssettag $0x2  }
0x90: {  	s0 =	rddreg [dreg:$0x0];
	s2 =	stileid.u32  }
0x91: {  	s1 =	rddreg [dreg:$0x1];
	p0 =	sne.s32 s2, $0x0  }
0x92: {  	s3 =	rddreg [dreg:$0x2];
	[bflag:$0x3] =	sbarrier.arrive $0xFFFF;
	s2 =	simm.s32 @!p0 $0x1C01  }
0x93: {  	[timem:s3], [sflag:s2] =	dma.local @!p0 [hbm:s0], s1  }
0x94: {  	s0 =	simm.s32 @!p0 $0x1  }
0x95: {  	_ =	swait.ge @!p0 [sflag:s0], s1  }
0x96: {  	s1 =	ssub.s32 @!p0 $0x0, s1;
	[sflag:s0] =	ssyncset.done @!p0 $0x0  }
0x97: {  	[sflag:s0] =	ssyncadd.s32 @!p0 s1  }
0x98: {  	[bflag:$0x3] =	sbarrier.arrive $0xFFFF  }
0x99: {  	_ =	shalt  }

</sc_bundles>
